<compile_context>
chip_gen: v7x
topology: tpu7x:2x2x1
jax: 0.10.2.dev20260603
libtpu: 0.0.44.dev20260713+nightly
codegen_flags: <defaults>
</compile_context>

<pallas_src>
import functools

import jax
import jax.numpy as jnp
from jax import lax
from jax.experimental import pallas as pl
from jax.experimental.pallas import tpu as pltpu
from jax.experimental.pallas import tpu_sc as plsc

NODES = 10000
EDGES = 320000
CH = 128

NUM_CORES = 2
NUM_SUBCORES = 16
NW = NUM_CORES * NUM_SUBCORES

CHUNK = 64
CHUNKS_PER_TILE = 160
EDGES_PADDED = NW * CHUNKS_PER_TILE * CHUNK
ACC_ROWS = 10240
ROWS_PER_TILE = ACC_ROWS // NUM_SUBCORES


def _matmul_body(x_ref, w_ref, o_ref):
    o_ref[...] = lax.dot_general(
        x_ref[...], w_ref[...],
        dimension_numbers=(((1,), (1,)), ((), ())),
        preferred_element_type=jnp.float32,
    )


def _matmul(x, w):
    m = x.shape[0]
    blk = 1000
    return pl.pallas_call(
        _matmul_body,
        out_shape=jax.ShapeDtypeStruct((m, CH), jnp.float32),
        grid=(m // blk,),
        in_specs=[
            pl.BlockSpec((blk, CH), lambda i: (i, 0)),
            pl.BlockSpec((CH, CH), lambda i: (0, 0)),
        ],
        out_specs=pl.BlockSpec((blk, CH), lambda i: (i, 0)),
    )(x, w)


NBUF = 4
NPHASE = 4
PCH = CHUNKS_PER_TILE // NPHASE


def _sc_body(h, src, dst, out, src_idx, dst_idx, buf, acc,
             g0, g1, g2, g3, s0, s1, s2, s3):
    gsem = (g0, g1, g2, g3)
    ssem = (s0, s1, s2, s3)
    cid = lax.axis_index("c")
    sid = lax.axis_index("s")
    tid = cid * NUM_SUBCORES + sid

    zero = jnp.zeros((16,), jnp.float32)

    def _zrow(r, carry):
        def _zcol(c, carry2):
            buf[0, r, pl.ds(c * 16, 16)] = zero
            return carry2
        return lax.fori_loop(0, CH // 16, _zcol, carry)

    lax.fori_loop(0, CHUNK, _zrow, 0)
    for k in range(ROWS_PER_TILE // CHUNK):
        pltpu.sync_copy(
            buf.at[0], acc.at[pl.ds(sid * ROWS_PER_TILE + k * CHUNK, CHUNK)])
    plsc.subcore_barrier()

    for p in range(NPHASE):
        base = tid * CHUNKS_PER_TILE + p * PCH
        pltpu.sync_copy(src.at[pl.ds(base, PCH)], src_idx)
        pltpu.sync_copy(dst.at[pl.ds(base, PCH)], dst_idx)

        for b in range(NBUF):
            pltpu.async_copy(h.at[src_idx.at[b]], buf.at[b], gsem[b])

        def _step(i, carry):
            for b in range(NBUF):
                j = i * NBUF + b
                pltpu.make_async_copy(h.at[src_idx.at[j]], buf.at[b],
                                      gsem[b]).wait()
                pltpu.async_copy(buf.at[b], acc.at[dst_idx.at[j]], ssem[b],
                                 add=True)
            for b in range(NBUF):
                j = i * NBUF + b
                pltpu.make_async_copy(buf.at[b], acc.at[dst_idx.at[j]],
                                      ssem[b]).wait()

                @pl.when(j + NBUF < PCH)
                def _():
                    pltpu.async_copy(h.at[src_idx.at[j + NBUF]], buf.at[b],
                                     gsem[b])
            return carry

        lax.fori_loop(0, PCH // NBUF, _step, 0)
    plsc.subcore_barrier()

    pltpu.sync_copy(acc.at[pl.ds(sid * ROWS_PER_TILE, ROWS_PER_TILE)],
                    out.at[cid, pl.ds(sid * ROWS_PER_TILE, ROWS_PER_TILE)])


def _sc_gather_scatter(h, src2d, dst2d):
    mesh = plsc.VectorSubcoreMesh(core_axis_name="c", subcore_axis_name="s",
                                  num_cores=NUM_CORES,
                                  num_subcores=NUM_SUBCORES)
    kern = pl.kernel(
        _sc_body,
        out_type=jax.ShapeDtypeStruct((NUM_CORES, ACC_ROWS, CH), jnp.float32),
        mesh=mesh,
        scratch_types=[
            pltpu.VMEM((PCH, CHUNK), jnp.int32),
            pltpu.VMEM((PCH, CHUNK), jnp.int32),
            pltpu.VMEM((NBUF, CHUNK, CH), jnp.float32),
            pltpu.VMEM_SHARED((ACC_ROWS, CH), jnp.float32),
        ] + [pltpu.SemaphoreType.DMA] * (2 * NBUF),
    )
    return kern(h, src2d, dst2d)


def _combine_body(p_ref, b_ref, o_ref):
    o_ref[...] = p_ref[0] + p_ref[1] + b_ref[...]


def _combine(partials, bias2d):
    blk = 1000
    return pl.pallas_call(
        _combine_body,
        out_shape=jax.ShapeDtypeStruct((NODES, CH), jnp.float32),
        grid=(NODES // blk,),
        in_specs=[
            pl.BlockSpec((NUM_CORES, blk, CH), lambda i: (0, i, 0)),
            pl.BlockSpec((1, CH), lambda i: (0, 0)),
        ],
        out_specs=pl.BlockSpec((blk, CH), lambda i: (i, 0)),
    )(partials, bias2d)


def kernel(x, edge_index, W, bias):
    src = edge_index[0].astype(jnp.int32)
    dst = edge_index[1].astype(jnp.int32)
    pad = EDGES_PADDED - EDGES
    src_p = jnp.concatenate([src, jnp.zeros((pad,), jnp.int32)])
    dummy = NODES + jnp.arange(pad, dtype=jnp.int32) % (ACC_ROWS - NODES)
    dst_p = jnp.concatenate([dst, dummy])
    src2d = src_p.reshape(NW * CHUNKS_PER_TILE, CHUNK)
    dst2d = dst_p.reshape(NW * CHUNKS_PER_TILE, CHUNK)

    h = _matmul(x, W)
    partials = _sc_gather_scatter(h, src2d, dst2d)
    return _combine(partials, bias.reshape(1, CH))

# --- scband reference (transcript-rebuilt; emitter-appended) ---
"""Pipeline reference for scband-gcnconv-scatter-gather-4629974745746 (READ-ONLY COPY).

The authoritative reference and input builder live on the scoring server;
editing this copy changes nothing except your own understanding.
"""

import jax, jax.numpy as jnp
import numpy as np

N_NODES = 10000
N_EDGES = 320000
IN_CH = 128
OUT_CH = 128

def setup_inputs(seed: int = 0) -> dict:
    key = jax.random.key(seed)
    k_x, k_e, k_w, k_b = jax.random.split(key, 4)
    x = jax.random.normal(k_x, (N_NODES, IN_CH), dtype=jnp.float32)
    edge_index = jax.random.randint(k_e, (2, N_EDGES), 0, N_NODES, dtype=jnp.int64)
    # Linear(in, out, bias=False): weight shape [out_channels, in_channels]
    W = jax.random.normal(k_w, (OUT_CH, IN_CH), dtype=jnp.float32) * (1.0 / np.sqrt(IN_CH))
    bias = jax.random.normal(k_b, (OUT_CH,), dtype=jnp.float32) * 0.01
    return {"x": x, "edge_index": edge_index, "W": W, "bias": bias}

def reference(x, edge_index, W, bias):
    # x = self.lin(x)  -> x @ W.T
    h = x @ W.T
    src_nodes = edge_index[0]
    dest_nodes = edge_index[1]
    # gather source node features
    source_node_feats = jnp.take(h, src_nodes, axis=0)
    # scatter_add into dest nodes, dim_size = num nodes
    out = jnp.zeros((h.shape[0], h.shape[1]), dtype=h.dtype).at[dest_nodes].add(source_node_feats)
    out = out + bias
    return out

if __name__ == "__main__":
    import jax
    _d = setup_inputs()
    print(jax.jit(kernel)(*tuple(_d.values())))

</pallas_src>

<mosaic_0001>
#map = affine_map<(d0, d1) -> (0, 0)>
#map1 = affine_map<(d0, d1) -> (0, 0, 0)>
module attributes {stable_mosaic.version = 14 : i64} {
  func.func @_sc_body(%arg0: i32, %arg1: i32, %arg2: memref<10000x128xf32, #tpu.memory_space<hbm>>, %arg3: memref<5120x64xi32, #tpu.memory_space<hbm>>, %arg4: memref<5120x64xi32, #tpu.memory_space<hbm>>, %arg5: memref<2x10240x128xf32, #tpu.memory_space<hbm>>, %arg6: memref<40x64xi32, #tpu.memory_space<vmem>>, %arg7: memref<40x64xi32, #tpu.memory_space<vmem>>, %arg8: memref<4x64x128xf32, #tpu.memory_space<vmem>>, %arg9: memref<10240x128xf32, #tpu.memory_space<vmem_shared>>, %arg10: memref<!tpu.dma_semaphore, #tpu.memory_space<semaphore_mem>>, %arg11: memref<!tpu.dma_semaphore, #tpu.memory_space<semaphore_mem>>, %arg12: memref<!tpu.dma_semaphore, #tpu.memory_space<semaphore_mem>>, %arg13: memref<!tpu.dma_semaphore, #tpu.memory_space<semaphore_mem>>, %arg14: memref<!tpu.dma_semaphore, #tpu.memory_space<semaphore_mem>>, %arg15: memref<!tpu.dma_semaphore, #tpu.memory_space<semaphore_mem>>, %arg16: memref<!tpu.dma_semaphore, #tpu.memory_space<semaphore_mem>>, %arg17: memref<!tpu.dma_semaphore, #tpu.memory_space<semaphore_mem>>) attributes {dimension_semantics = [#tpu.dimension_semantics<core_parallel>, #tpu.dimension_semantics<subcore_parallel>], iteration_bounds = array<i64: 2, 16>, scalar_prefetch = 0 : i64, scratch_operands = 12 : i64, tpu.core_type = #tpu.core_type<sc_vector_subcore>, window_params = [{transform_indices = #map}, {transform_indices = #map}, {transform_indices = #map}, {transform_indices = #map1}]} {
    %mul3A = arith.constant 16 : i32
    %mul3A_0 = arith.muli %arg0, %mul3A : i32
    %add3A = arith.addi %mul3A_0, %arg1 : i32
    %broadcast_in_dim3A = arith.constant 0.000000e+00 : f32
    %broadcast_in_dim3A_1 = vector.broadcast %broadcast_in_dim3A : f32 to vector<16xf32>
    %scan3A = arith.constant 0 : i32
    %scan3A_2 = arith.constant 0 : i32
    %scan3A_3 = arith.constant 64 : i32
    %scan3A_4 = arith.addi %scan3A_2, %scan3A_3 : i32
    %scan3A_5 = arith.constant 1 : i32
    scf.for %scan3A_292 = %scan3A_2 to %scan3A_4 step %scan3A_5  : i32 {
      %scan3A_293 = arith.constant 0 : i32
      %scan3A_294 = arith.constant 8 : i32
      %scan3A_295 = arith.addi %scan3A_293, %scan3A_294 : i32
      %scan3A_296 = arith.constant 1 : i32
      scf.for %scan3A_298 = %scan3A_293 to %scan3A_295 step %scan3A_296  : i32 {
        %mul3A_299 = arith.constant 16 : i32
        %mul3A_300 = arith.muli %scan3A_298, %mul3A_299 : i32
        %swap3A = arith.constant 0 : i32
        %swap3A_301 = arith.index_cast %swap3A : i32 to index
        %swap3A_302 = arith.index_cast %scan3A_292 : i32 to index
        %swap3A_303 = arith.index_cast %mul3A_300 : i32 to index
        %swap3A_304 = tpu.vector_load %arg8[%swap3A_301, %swap3A_302, %swap3A_303] {strides = array<i32>} : memref<4x64x128xf32, #tpu.memory_space<vmem>>, vector<1x1x16xf32>,
        %swap3A_305 = vector.shape_cast %swap3A_304 : vector<1x1x16xf32> to vector<16xf32>
        %swap3A_306 = vector.shape_cast %broadcast_in_dim3A_1 : vector<16xf32> to vector<1x1x16xf32>
        tpu.vector_store %arg8[%swap3A_301, %swap3A_302, %swap3A_303], %swap3A_306 {strides = array<i32>} : memref<4x64x128xf32, #tpu.memory_space<vmem>>, vector<1x1x16xf32>,
      }
      %scan3A_297 = arith.constant 8 : i32
    }
    %scan3A_6 = arith.constant 64 : i32
    %mul3A_7 = arith.constant 640 : i32
    %mul3A_8 = arith.muli %arg1, %mul3A_7 : i32
    %add3A_9 = arith.constant 0 : i32
    %add3A_10 = arith.addi %mul3A_8, %add3A_9 : i32
    %run_scoped3A = arith.constant 0 : i32
    "tpu.region"() ({
      %run_scoped3A_292 = tpu.sem_alloc : memref<!tpu.dma_semaphore, #tpu.memory_space<semaphore_mem>>
      %dma_start3A_293 = arith.constant 0 : i32
      %dma_start3A_294 = arith.constant 0 : i32
      %dma_start3A_295 = tpu.memref_slice %arg8[%run_scoped3A, %dma_start3A_293, %dma_start3A_294] : memref<4x64x128xf32, #tpu.memory_space<vmem>> -> memref<1x64x128xf32, #tpu.memory_space<vmem>>
      %dma_start3A_296 = tpu.memref_squeeze %dma_start3A_295 : memref<1x64x128xf32, #tpu.memory_space<vmem>> -> memref<64x128xf32, #tpu.memory_space<vmem>>
      %dma_start3A_297 = arith.constant 0 : i32
      %dma_start3A_298 = tpu.memref_slice %arg9[%add3A_10, %dma_start3A_297] : memref<10240x128xf32, #tpu.memory_space<vmem_shared>> -> memref<64x128xf32, #tpu.memory_space<vmem_shared>>
      %dma_start3A_299 = arith.constant 0 : i32
      %dma_start3A_300 = tpu.memref_slice %arg9[%add3A_10, %dma_start3A_299] : memref<10240x128xf32, #tpu.memory_space<vmem_shared>> -> memref<64x128xf32, #tpu.memory_space<vmem_shared>>
      %dma_start3A_301 = arith.constant 0 : i32
      %dma_start3A_302 = arith.constant 0 : i32
      %dma_start3A_303 = tpu.memref_slice %arg8[%run_scoped3A, %dma_start3A_301, %dma_start3A_302] : memref<4x64x128xf32, #tpu.memory_space<vmem>> -> memref<1x64x128xf32, #tpu.memory_space<vmem>>
      %dma_start3A_304 = tpu.memref_squeeze %dma_start3A_303 : memref<1x64x128xf32, #tpu.memory_space<vmem>> -> memref<64x128xf32, #tpu.memory_space<vmem>>
      tpu.enqueue_dma source(%dma_start3A_304 : memref<64x128xf32, #tpu.memory_space<vmem>>) target(%dma_start3A_300 : memref<64x128xf32, #tpu.memory_space<vmem_shared>>) target_semaphore(%run_scoped3A_292 : memref<!tpu.dma_semaphore, #tpu.memory_space<semaphore_mem>>)
      %dma_wait3A = arith.constant 0 : i32
      %dma_wait3A_305 = arith.constant 0 : i32
      %dma_wait3A_306 = tpu.memref_slice %arg8[%run_scoped3A, %dma_wait3A, %dma_wait3A_305] : memref<4x64x128xf32, #tpu.memory_space<vmem>> -> memref<1x64x128xf32, #tpu.memory_space<vmem>>
      %dma_wait3A_307 = tpu.memref_squeeze %dma_wait3A_306 : memref<1x64x128xf32, #tpu.memory_space<vmem>> -> memref<64x128xf32, #tpu.memory_space<vmem>>
      %dma_wait3A_308 = arith.constant 0 : i32
      %dma_wait3A_309 = tpu.memref_slice %arg9[%add3A_10, %dma_wait3A_308] : memref<10240x128xf32, #tpu.memory_space<vmem_shared>> -> memref<64x128xf32, #tpu.memory_space<vmem_shared>>
      %dma_wait3A_310 = arith.constant 0 : i32
      %dma_wait3A_311 = tpu.memref_slice %arg9[%add3A_10, %dma_wait3A_310] : memref<10240x128xf32, #tpu.memory_space<vmem_shared>> -> memref<64x128xf32, #tpu.memory_space<vmem_shared>>
      %dma_wait3A_312 = arith.constant 0 : i32
      %dma_wait3A_313 = arith.constant 0 : i32
      %dma_wait3A_314 = tpu.memref_slice %arg8[%run_scoped3A, %dma_wait3A_312, %dma_wait3A_313] : memref<4x64x128xf32, #tpu.memory_space<vmem>> -> memref<1x64x128xf32, #tpu.memory_space<vmem>>
      %dma_wait3A_315 = tpu.memref_squeeze %dma_wait3A_314 : memref<1x64x128xf32, #tpu.memory_space<vmem>> -> memref<64x128xf32, #tpu.memory_space<vmem>>
      tpu.wait_dma2 semaphore(%run_scoped3A_292 : memref<!tpu.dma_semaphore, #tpu.memory_space<semaphore_mem>>) src(%dma_wait3A_315 : memref<64x128xf32, #tpu.memory_space<vmem>>) dst(%dma_wait3A_311 : memref<64x128xf32, #tpu.memory_space<vmem_shared>>)
      tpu.yield
    }) : () -> ()
    %mul3A_11 = arith.constant 640 : i32
    %mul3A_12 = arith.muli %arg1, %mul3A_11 : i32
    %add3A_13 = arith.constant 64 : i32
    %add3A_14 = arith.addi %mul3A_12, %add3A_13 : i32
    %run_scoped3A_15 = arith.constant 0 : i32
    "tpu.region"() ({
      %run_scoped3A_292 = tpu.sem_alloc : memref<!tpu.dma_semaphore, #tpu.memory_space<semaphore_mem>>
      %dma_start3A_293 = arith.constant 0 : i32
      %dma_start3A_294 = arith.constant 0 : i32
      %dma_start3A_295 = tpu.memref_slice %arg8[%run_scoped3A_15, %dma_start3A_293, %dma_start3A_294] : memref<4x64x128xf32, #tpu.memory_space<vmem>> -> memref<1x64x128xf32, #tpu.memory_space<vmem>>
      %dma_start3A_296 = tpu.memref_squeeze %dma_start3A_295 : memref<1x64x128xf32, #tpu.memory_space<vmem>> -> memref<64x128xf32, #tpu.memory_space<vmem>>
      %dma_start3A_297 = arith.constant 0 : i32
      %dma_start3A_298 = tpu.memref_slice %arg9[%add3A_14, %dma_start3A_297] : memref<10240x128xf32, #tpu.memory_space<vmem_shared>> -> memref<64x128xf32, #tpu.memory_space<vmem_shared>>
      %dma_start3A_299 = arith.constant 0 : i32
      %dma_start3A_300 = tpu.memref_slice %arg9[%add3A_14, %dma_start3A_299] : memref<10240x128xf32, #tpu.memory_space<vmem_shared>> -> memref<64x128xf32, #tpu.memory_space<vmem_shared>>
      %dma_start3A_301 = arith.constant 0 : i32
      %dma_start3A_302 = arith.constant 0 : i32
      %dma_start3A_303 = tpu.memref_slice %arg8[%run_scoped3A_15, %dma_start3A_301, %dma_start3A_302] : memref<4x64x128xf32, #tpu.memory_space<vmem>> -> memref<1x64x128xf32, #tpu.memory_space<vmem>>
      %dma_start3A_304 = tpu.memref_squeeze %dma_start3A_303 : memref<1x64x128xf32, #tpu.memory_space<vmem>> -> memref<64x128xf32, #tpu.memory_space<vmem>>
      tpu.enqueue_dma source(%dma_start3A_304 : memref<64x128xf32, #tpu.memory_space<vmem>>) target(%dma_start3A_300 : memref<64x128xf32, #tpu.memory_space<vmem_shared>>) target_semaphore(%run_scoped3A_292 : memref<!tpu.dma_semaphore, #tpu.memory_space<semaphore_mem>>)
      %dma_wait3A = arith.constant 0 : i32
      %dma_wait3A_305 = arith.constant 0 : i32
      %dma_wait3A_306 = tpu.memref_slice %arg8[%run_scoped3A_15, %dma_wait3A, %dma_wait3A_305] : memref<4x64x128xf32, #tpu.memory_space<vmem>> -> memref<1x64x128xf32, #tpu.memory_space<vmem>>
      %dma_wait3A_307 = tpu.memref_squeeze %dma_wait3A_306 : memref<1x64x128xf32, #tpu.memory_space<vmem>> -> memref<64x128xf32, #tpu.memory_space<vmem>>
      %dma_wait3A_308 = arith.constant 0 : i32
      %dma_wait3A_309 = tpu.memref_slice %arg9[%add3A_14, %dma_wait3A_308] : memref<10240x128xf32, #tpu.memory_space<vmem_shared>> -> memref<64x128xf32, #tpu.memory_space<vmem_shared>>
      %dma_wait3A_310 = arith.constant 0 : i32
      %dma_wait3A_311 = tpu.memref_slice %arg9[%add3A_14, %dma_wait3A_310] : memref<10240x128xf32, #tpu.memory_space<vmem_shared>> -> memref<64x128xf32, #tpu.memory_space<vmem_shared>>
      %dma_wait3A_312 = arith.constant 0 : i32
      %dma_wait3A_313 = arith.constant 0 : i32
      %dma_wait3A_314 = tpu.memref_slice %arg8[%run_scoped3A_15, %dma_wait3A_312, %dma_wait3A_313] : memref<4x64x128xf32, #tpu.memory_space<vmem>> -> memref<1x64x128xf32, #tpu.memory_space<vmem>>
      %dma_wait3A_315 = tpu.memref_squeeze %dma_wait3A_314 : memref<1x64x128xf32, #tpu.memory_space<vmem>> -> memref<64x128xf32, #tpu.memory_space<vmem>>
      tpu.wait_dma2 semaphore(%run_scoped3A_292 : memref<!tpu.dma_semaphore, #tpu.memory_space<semaphore_mem>>) src(%dma_wait3A_315 : memref<64x128xf32, #tpu.memory_space<vmem>>) dst(%dma_wait3A_311 : memref<64x128xf32, #tpu.memory_space<vmem_shared>>)
      tpu.yield
    }) : () -> ()
    %mul3A_16 = arith.constant 640 : i32
    %mul3A_17 = arith.muli %arg1, %mul3A_16 : i32
    %add3A_18 = arith.constant 128 : i32
    %add3A_19 = arith.addi %mul3A_17, %add3A_18 : i32
    %run_scoped3A_20 = arith.constant 0 : i32
    "tpu.region"() ({
      %run_scoped3A_292 = tpu.sem_alloc : memref<!tpu.dma_semaphore, #tpu.memory_space<semaphore_mem>>
      %dma_start3A_293 = arith.constant 0 : i32
      %dma_start3A_294 = arith.constant 0 : i32
      %dma_start3A_295 = tpu.memref_slice %arg8[%run_scoped3A_20, %dma_start3A_293, %dma_start3A_294] : memref<4x64x128xf32, #tpu.memory_space<vmem>> -> memref<1x64x128xf32, #tpu.memory_space<vmem>>
      %dma_start3A_296 = tpu.memref_squeeze %dma_start3A_295 : memref<1x64x128xf32, #tpu.memory_space<vmem>> -> memref<64x128xf32, #tpu.memory_space<vmem>>
      %dma_start3A_297 = arith.constant 0 : i32
      %dma_start3A_298 = tpu.memref_slice %arg9[%add3A_19, %dma_start3A_297] : memref<10240x128xf32, #tpu.memory_space<vmem_shared>> -> memref<64x128xf32, #tpu.memory_space<vmem_shared>>
      %dma_start3A_299 = arith.constant 0 : i32
      %dma_start3A_300 = tpu.memref_slice %arg9[%add3A_19, %dma_start3A_299] : memref<10240x128xf32, #tpu.memory_space<vmem_shared>> -> memref<64x128xf32, #tpu.memory_space<vmem_shared>>
      %dma_start3A_301 = arith.constant 0 : i32
      %dma_start3A_302 = arith.constant 0 : i32
      %dma_start3A_303 = tpu.memref_slice %arg8[%run_scoped3A_20, %dma_start3A_301, %dma_start3A_302] : memref<4x64x128xf32, #tpu.memory_space<vmem>> -> memref<1x64x128xf32, #tpu.memory_space<vmem>>
      %dma_start3A_304 = tpu.memref_squeeze %dma_start3A_303 : memref<1x64x128xf32, #tpu.memory_space<vmem>> -> memref<64x128xf32, #tpu.memory_space<vmem>>
      tpu.enqueue_dma source(%dma_start3A_304 : memref<64x128xf32, #tpu.memory_space<vmem>>) target(%dma_start3A_300 : memref<64x128xf32, #tpu.memory_space<vmem_shared>>) target_semaphore(%run_scoped3A_292 : memref<!tpu.dma_semaphore, #tpu.memory_space<semaphore_mem>>)
      %dma_wait3A = arith.constant 0 : i32
      %dma_wait3A_305 = arith.constant 0 : i32
      %dma_wait3A_306 = tpu.memref_slice %arg8[%run_scoped3A_20, %dma_wait3A, %dma_wait3A_305] : memref<4x64x128xf32, #tpu.memory_space<vmem>> -> memref<1x64x128xf32, #tpu.memory_space<vmem>>
      %dma_wait3A_307 = tpu.memref_squeeze %dma_wait3A_306 : memref<1x64x128xf32, #tpu.memory_space<vmem>> -> memref<64x128xf32, #tpu.memory_space<vmem>>
      %dma_wait3A_308 = arith.constant 0 : i32
      %dma_wait3A_309 = tpu.memref_slice %arg9[%add3A_19, %dma_wait3A_308] : memref<10240x128xf32, #tpu.memory_space<vmem_shared>> -> memref<64x128xf32, #tpu.memory_space<vmem_shared>>
      %dma_wait3A_310 = arith.constant 0 : i32
      %dma_wait3A_311 = tpu.memref_slice %arg9[%add3A_19, %dma_wait3A_310] : memref<10240x128xf32, #tpu.memory_space<vmem_shared>> -> memref<64x128xf32, #tpu.memory_space<vmem_shared>>
      %dma_wait3A_312 = arith.constant 0 : i32
      %dma_wait3A_313 = arith.constant 0 : i32
      %dma_wait3A_314 = tpu.memref_slice %arg8[%run_scoped3A_20, %dma_wait3A_312, %dma_wait3A_313] : memref<4x64x128xf32, #tpu.memory_space<vmem>> -> memref<1x64x128xf32, #tpu.memory_space<vmem>>
      %dma_wait3A_315 = tpu.memref_squeeze %dma_wait3A_314 : memref<1x64x128xf32, #tpu.memory_space<vmem>> -> memref<64x128xf32, #tpu.memory_space<vmem>>
      tpu.wait_dma2 semaphore(%run_scoped3A_292 : memref<!tpu.dma_semaphore, #tpu.memory_space<semaphore_mem>>) src(%dma_wait3A_315 : memref<64x128xf32, #tpu.memory_space<vmem>>) dst(%dma_wait3A_311 : memref<64x128xf32, #tpu.memory_space<vmem_shared>>)
      tpu.yield
    }) : () -> ()
    %mul3A_21 = arith.constant 640 : i32
    %mul3A_22 = arith.muli %arg1, %mul3A_21 : i32
    %add3A_23 = arith.constant 192 : i32
    %add3A_24 = arith.addi %mul3A_22, %add3A_23 : i32
    %run_scoped3A_25 = arith.constant 0 : i32
    "tpu.region"() ({
      %run_scoped3A_292 = tpu.sem_alloc : memref<!tpu.dma_semaphore, #tpu.memory_space<semaphore_mem>>
      %dma_start3A_293 = arith.constant 0 : i32
      %dma_start3A_294 = arith.constant 0 : i32
      %dma_start3A_295 = tpu.memref_slice %arg8[%run_scoped3A_25, %dma_start3A_293, %dma_start3A_294] : memref<4x64x128xf32, #tpu.memory_space<vmem>> -> memref<1x64x128xf32, #tpu.memory_space<vmem>>
      %dma_start3A_296 = tpu.memref_squeeze %dma_start3A_295 : memref<1x64x128xf32, #tpu.memory_space<vmem>> -> memref<64x128xf32, #tpu.memory_space<vmem>>
      %dma_start3A_297 = arith.constant 0 : i32
      %dma_start3A_298 = tpu.memref_slice %arg9[%add3A_24, %dma_start3A_297] : memref<10240x128xf32, #tpu.memory_space<vmem_shared>> -> memref<64x128xf32, #tpu.memory_space<vmem_shared>>
      %dma_start3A_299 = arith.constant 0 : i32
      %dma_start3A_300 = tpu.memref_slice %arg9[%add3A_24, %dma_start3A_299] : memref<10240x128xf32, #tpu.memory_space<vmem_shared>> -> memref<64x128xf32, #tpu.memory_space<vmem_shared>>
      %dma_start3A_301 = arith.constant 0 : i32
      %dma_start3A_302 = arith.constant 0 : i32
      %dma_start3A_303 = tpu.memref_slice %arg8[%run_scoped3A_25, %dma_start3A_301, %dma_start3A_302] : memref<4x64x128xf32, #tpu.memory_space<vmem>> -> memref<1x64x128xf32, #tpu.memory_space<vmem>>
      %dma_start3A_304 = tpu.memref_squeeze %dma_start3A_303 : memref<1x64x128xf32, #tpu.memory_space<vmem>> -> memref<64x128xf32, #tpu.memory_space<vmem>>
      tpu.enqueue_dma source(%dma_start3A_304 : memref<64x128xf32, #tpu.memory_space<vmem>>) target(%dma_start3A_300 : memref<64x128xf32, #tpu.memory_space<vmem_shared>>) target_semaphore(%run_scoped3A_292 : memref<!tpu.dma_semaphore, #tpu.memory_space<semaphore_mem>>)
      %dma_wait3A = arith.constant 0 : i32
      %dma_wait3A_305 = arith.constant 0 : i32
      %dma_wait3A_306 = tpu.memref_slice %arg8[%run_scoped3A_25, %dma_wait3A, %dma_wait3A_305] : memref<4x64x128xf32, #tpu.memory_space<vmem>> -> memref<1x64x128xf32, #tpu.memory_space<vmem>>
      %dma_wait3A_307 = tpu.memref_squeeze %dma_wait3A_306 : memref<1x64x128xf32, #tpu.memory_space<vmem>> -> memref<64x128xf32, #tpu.memory_space<vmem>>
      %dma_wait3A_308 = arith.constant 0 : i32
      %dma_wait3A_309 = tpu.memref_slice %arg9[%add3A_24, %dma_wait3A_308] : memref<10240x128xf32, #tpu.memory_space<vmem_shared>> -> memref<64x128xf32, #tpu.memory_space<vmem_shared>>
      %dma_wait3A_310 = arith.constant 0 : i32
      %dma_wait3A_311 = tpu.memref_slice %arg9[%add3A_24, %dma_wait3A_310] : memref<10240x128xf32, #tpu.memory_space<vmem_shared>> -> memref<64x128xf32, #tpu.memory_space<vmem_shared>>
      %dma_wait3A_312 = arith.constant 0 : i32
      %dma_wait3A_313 = arith.constant 0 : i32
      %dma_wait3A_314 = tpu.memref_slice %arg8[%run_scoped3A_25, %dma_wait3A_312, %dma_wait3A_313] : memref<4x64x128xf32, #tpu.memory_space<vmem>> -> memref<1x64x128xf32, #tpu.memory_space<vmem>>
      %dma_wait3A_315 = tpu.memref_squeeze %dma_wait3A_314 : memref<1x64x128xf32, #tpu.memory_space<vmem>> -> memref<64x128xf32, #tpu.memory_space<vmem>>
      tpu.wait_dma2 semaphore(%run_scoped3A_292 : memref<!tpu.dma_semaphore, #tpu.memory_space<semaphore_mem>>) src(%dma_wait3A_315 : memref<64x128xf32, #tpu.memory_space<vmem>>) dst(%dma_wait3A_311 : memref<64x128xf32, #tpu.memory_space<vmem_shared>>)
      tpu.yield
    }) : () -> ()
    %mul3A_26 = arith.constant 640 : i32
    %mul3A_27 = arith.muli %arg1, %mul3A_26 : i32
    %add3A_28 = arith.constant 256 : i32
    %add3A_29 = arith.addi %mul3A_27, %add3A_28 : i32
    %run_scoped3A_30 = arith.constant 0 : i32
    "tpu.region"() ({
      %run_scoped3A_292 = tpu.sem_alloc : memref<!tpu.dma_semaphore, #tpu.memory_space<semaphore_mem>>
      %dma_start3A_293 = arith.constant 0 : i32
      %dma_start3A_294 = arith.constant 0 : i32
      %dma_start3A_295 = tpu.memref_slice %arg8[%run_scoped3A_30, %dma_start3A_293, %dma_start3A_294] : memref<4x64x128xf32, #tpu.memory_space<vmem>> -> memref<1x64x128xf32, #tpu.memory_space<vmem>>
      %dma_start3A_296 = tpu.memref_squeeze %dma_start3A_295 : memref<1x64x128xf32, #tpu.memory_space<vmem>> -> memref<64x128xf32, #tpu.memory_space<vmem>>
      %dma_start3A_297 = arith.constant 0 : i32
      %dma_start3A_298 = tpu.memref_slice %arg9[%add3A_29, %dma_start3A_297] : memref<10240x128xf32, #tpu.memory_space<vmem_shared>> -> memref<64x128xf32, #tpu.memory_space<vmem_shared>>
      %dma_start3A_299 = arith.constant 0 : i32
      %dma_start3A_300 = tpu.memref_slice %arg9[%add3A_29, %dma_start3A_299] : memref<10240x128xf32, #tpu.memory_space<vmem_shared>> -> memref<64x128xf32, #tpu.memory_space<vmem_shared>>
      %dma_start3A_301 = arith.constant 0 : i32
      %dma_start3A_302 = arith.constant 0 : i32
      %dma_start3A_303 = tpu.memref_slice %arg8[%run_scoped3A_30, %dma_start3A_301, %dma_start3A_302] : memref<4x64x128xf32, #tpu.memory_space<vmem>> -> memref<1x64x128xf32, #tpu.memory_space<vmem>>
      %dma_start3A_304 = tpu.memref_squeeze %dma_start3A_303 : memref<1x64x128xf32, #tpu.memory_space<vmem>> -> memref<64x128xf32, #tpu.memory_space<vmem>>
      tpu.enqueue_dma source(%dma_start3A_304 : memref<64x128xf32, #tpu.memory_space<vmem>>) target(%dma_start3A_300 : memref<64x128xf32, #tpu.memory_space<vmem_shared>>) target_semaphore(%run_scoped3A_292 : memref<!tpu.dma_semaphore, #tpu.memory_space<semaphore_mem>>)
      %dma_wait3A = arith.constant 0 : i32
      %dma_wait3A_305 = arith.constant 0 : i32
      %dma_wait3A_306 = tpu.memref_slice %arg8[%run_scoped3A_30, %dma_wait3A, %dma_wait3A_305] : memref<4x64x128xf32, #tpu.memory_space<vmem>> -> memref<1x64x128xf32, #tpu.memory_space<vmem>>
      %dma_wait3A_307 = tpu.memref_squeeze %dma_wait3A_306 : memref<1x64x128xf32, #tpu.memory_space<vmem>> -> memref<64x128xf32, #tpu.memory_space<vmem>>
      %dma_wait3A_308 = arith.constant 0 : i32
      %dma_wait3A_309 = tpu.memref_slice %arg9[%add3A_29, %dma_wait3A_308] : memref<10240x128xf32, #tpu.memory_space<vmem_shared>> -> memref<64x128xf32, #tpu.memory_space<vmem_shared>>
      %dma_wait3A_310 = arith.constant 0 : i32
      %dma_wait3A_311 = tpu.memref_slice %arg9[%add3A_29, %dma_wait3A_310] : memref<10240x128xf32, #tpu.memory_space<vmem_shared>> -> memref<64x128xf32, #tpu.memory_space<vmem_shared>>
      %dma_wait3A_312 = arith.constant 0 : i32
      %dma_wait3A_313 = arith.constant 0 : i32
      %dma_wait3A_314 = tpu.memref_slice %arg8[%run_scoped3A_30, %dma_wait3A_312, %dma_wait3A_313] : memref<4x64x128xf32, #tpu.memory_space<vmem>> -> memref<1x64x128xf32, #tpu.memory_space<vmem>>
      %dma_wait3A_315 = tpu.memref_squeeze %dma_wait3A_314 : memref<1x64x128xf32, #tpu.memory_space<vmem>> -> memref<64x128xf32, #tpu.memory_space<vmem>>
      tpu.wait_dma2 semaphore(%run_scoped3A_292 : memref<!tpu.dma_semaphore, #tpu.memory_space<semaphore_mem>>) src(%dma_wait3A_315 : memref<64x128xf32, #tpu.memory_space<vmem>>) dst(%dma_wait3A_311 : memref<64x128xf32, #tpu.memory_space<vmem_shared>>)
      tpu.yield
    }) : () -> ()
    %mul3A_31 = arith.constant 640 : i32
    %mul3A_32 = arith.muli %arg1, %mul3A_31 : i32
    %add3A_33 = arith.constant 320 : i32
    %add3A_34 = arith.addi %mul3A_32, %add3A_33 : i32
    %run_scoped3A_35 = arith.constant 0 : i32
    "tpu.region"() ({
      %run_scoped3A_292 = tpu.sem_alloc : memref<!tpu.dma_semaphore, #tpu.memory_space<semaphore_mem>>
      %dma_start3A_293 = arith.constant 0 : i32
      %dma_start3A_294 = arith.constant 0 : i32
      %dma_start3A_295 = tpu.memref_slice %arg8[%run_scoped3A_35, %dma_start3A_293, %dma_start3A_294] : memref<4x64x128xf32, #tpu.memory_space<vmem>> -> memref<1x64x128xf32, #tpu.memory_space<vmem>>
      %dma_start3A_296 = tpu.memref_squeeze %dma_start3A_295 : memref<1x64x128xf32, #tpu.memory_space<vmem>> -> memref<64x128xf32, #tpu.memory_space<vmem>>
      %dma_start3A_297 = arith.constant 0 : i32
      %dma_start3A_298 = tpu.memref_slice %arg9[%add3A_34, %dma_start3A_297] : memref<10240x128xf32, #tpu.memory_space<vmem_shared>> -> memref<64x128xf32, #tpu.memory_space<vmem_shared>>
      %dma_start3A_299 = arith.constant 0 : i32
      %dma_start3A_300 = tpu.memref_slice %arg9[%add3A_34, %dma_start3A_299] : memref<10240x128xf32, #tpu.memory_space<vmem_shared>> -> memref<64x128xf32, #tpu.memory_space<vmem_shared>>
      %dma_start3A_301 = arith.constant 0 : i32
      %dma_start3A_302 = arith.constant 0 : i32
      %dma_start3A_303 = tpu.memref_slice %arg8[%run_scoped3A_35, %dma_start3A_301, %dma_start3A_302] : memref<4x64x128xf32, #tpu.memory_space<vmem>> -> memref<1x64x128xf32, #tpu.memory_space<vmem>>
      %dma_start3A_304 = tpu.memref_squeeze %dma_start3A_303 : memref<1x64x128xf32, #tpu.memory_space<vmem>> -> memref<64x128xf32, #tpu.memory_space<vmem>>
      tpu.enqueue_dma source(%dma_start3A_304 : memref<64x128xf32, #tpu.memory_space<vmem>>) target(%dma_start3A_300 : memref<64x128xf32, #tpu.memory_space<vmem_shared>>) target_semaphore(%run_scoped3A_292 : memref<!tpu.dma_semaphore, #tpu.memory_space<semaphore_mem>>)
      %dma_wait3A = arith.constant 0 : i32
      %dma_wait3A_305 = arith.constant 0 : i32
      %dma_wait3A_306 = tpu.memref_slice %arg8[%run_scoped3A_35, %dma_wait3A, %dma_wait3A_305] : memref<4x64x128xf32, #tpu.memory_space<vmem>> -> memref<1x64x128xf32, #tpu.memory_space<vmem>>
      %dma_wait3A_307 = tpu.memref_squeeze %dma_wait3A_306 : memref<1x64x128xf32, #tpu.memory_space<vmem>> -> memref<64x128xf32, #tpu.memory_space<vmem>>
      %dma_wait3A_308 = arith.constant 0 : i32
      %dma_wait3A_309 = tpu.memref_slice %arg9[%add3A_34, %dma_wait3A_308] : memref<10240x128xf32, #tpu.memory_space<vmem_shared>> -> memref<64x128xf32, #tpu.memory_space<vmem_shared>>
      %dma_wait3A_310 = arith.constant 0 : i32
      %dma_wait3A_311 = tpu.memref_slice %arg9[%add3A_34, %dma_wait3A_310] : memref<10240x128xf32, #tpu.memory_space<vmem_shared>> -> memref<64x128xf32, #tpu.memory_space<vmem_shared>>
      %dma_wait3A_312 = arith.constant 0 : i32
      %dma_wait3A_313 = arith.constant 0 : i32
      %dma_wait3A_314 = tpu.memref_slice %arg8[%run_scoped3A_35, %dma_wait3A_312, %dma_wait3A_313] : memref<4x64x128xf32, #tpu.memory_space<vmem>> -> memref<1x64x128xf32, #tpu.memory_space<vmem>>
      %dma_wait3A_315 = tpu.memref_squeeze %dma_wait3A_314 : memref<1x64x128xf32, #tpu.memory_space<vmem>> -> memref<64x128xf32, #tpu.memory_space<vmem>>
      tpu.wait_dma2 semaphore(%run_scoped3A_292 : memref<!tpu.dma_semaphore, #tpu.memory_space<semaphore_mem>>) src(%dma_wait3A_315 : memref<64x128xf32, #tpu.memory_space<vmem>>) dst(%dma_wait3A_311 : memref<64x128xf32, #tpu.memory_space<vmem_shared>>)
      tpu.yield
    }) : () -> ()
    %mul3A_36 = arith.constant 640 : i32
    %mul3A_37 = arith.muli %arg1, %mul3A_36 : i32
    %add3A_38 = arith.constant 384 : i32
    %add3A_39 = arith.addi %mul3A_37, %add3A_38 : i32
    %run_scoped3A_40 = arith.constant 0 : i32
    "tpu.region"() ({
      %run_scoped3A_292 = tpu.sem_alloc : memref<!tpu.dma_semaphore, #tpu.memory_space<semaphore_mem>>
      %dma_start3A_293 = arith.constant 0 : i32
      %dma_start3A_294 = arith.constant 0 : i32
      %dma_start3A_295 = tpu.memref_slice %arg8[%run_scoped3A_40, %dma_start3A_293, %dma_start3A_294] : memref<4x64x128xf32, #tpu.memory_space<vmem>> -> memref<1x64x128xf32, #tpu.memory_space<vmem>>
      %dma_start3A_296 = tpu.memref_squeeze %dma_start3A_295 : memref<1x64x128xf32, #tpu.memory_space<vmem>> -> memref<64x128xf32, #tpu.memory_space<vmem>>
      %dma_start3A_297 = arith.constant 0 : i32
      %dma_start3A_298 = tpu.memref_slice %arg9[%add3A_39, %dma_start3A_297] : memref<10240x128xf32, #tpu.memory_space<vmem_shared>> -> memref<64x128xf32, #tpu.memory_space<vmem_shared>>
      %dma_start3A_299 = arith.constant 0 : i32
      %dma_start3A_300 = tpu.memref_slice %arg9[%add3A_39, %dma_start3A_299] : memref<10240x128xf32, #tpu.memory_space<vmem_shared>> -> memref<64x128xf32, #tpu.memory_space<vmem_shared>>
      %dma_start3A_301 = arith.constant 0 : i32
      %dma_start3A_302 = arith.constant 0 : i32
      %dma_start3A_303 = tpu.memref_slice %arg8[%run_scoped3A_40, %dma_start3A_301, %dma_start3A_302] : memref<4x64x128xf32, #tpu.memory_space<vmem>> -> memref<1x64x128xf32, #tpu.memory_space<vmem>>
      %dma_start3A_304 = tpu.memref_squeeze %dma_start3A_303 : memref<1x64x128xf32, #tpu.memory_space<vmem>> -> memref<64x128xf32, #tpu.memory_space<vmem>>
      tpu.enqueue_dma source(%dma_start3A_304 : memref<64x128xf32, #tpu.memory_space<vmem>>) target(%dma_start3A_300 : memref<64x128xf32, #tpu.memory_space<vmem_shared>>) target_semaphore(%run_scoped3A_292 : memref<!tpu.dma_semaphore, #tpu.memory_space<semaphore_mem>>)
      %dma_wait3A = arith.constant 0 : i32
      %dma_wait3A_305 = arith.constant 0 : i32
      %dma_wait3A_306 = tpu.memref_slice %arg8[%run_scoped3A_40, %dma_wait3A, %dma_wait3A_305] : memref<4x64x128xf32, #tpu.memory_space<vmem>> -> memref<1x64x128xf32, #tpu.memory_space<vmem>>
      %dma_wait3A_307 = tpu.memref_squeeze %dma_wait3A_306 : memref<1x64x128xf32, #tpu.memory_space<vmem>> -> memref<64x128xf32, #tpu.memory_space<vmem>>
      %dma_wait3A_308 = arith.constant 0 : i32
      %dma_wait3A_309 = tpu.memref_slice %arg9[%add3A_39, %dma_wait3A_308] : memref<10240x128xf32, #tpu.memory_space<vmem_shared>> -> memref<64x128xf32, #tpu.memory_space<vmem_shared>>
      %dma_wait3A_310 = arith.constant 0 : i32
      %dma_wait3A_311 = tpu.memref_slice %arg9[%add3A_39, %dma_wait3A_310] : memref<10240x128xf32, #tpu.memory_space<vmem_shared>> -> memref<64x128xf32, #tpu.memory_space<vmem_shared>>
      %dma_wait3A_312 = arith.constant 0 : i32
      %dma_wait3A_313 = arith.constant 0 : i32
      %dma_wait3A_314 = tpu.memref_slice %arg8[%run_scoped3A_40, %dma_wait3A_312, %dma_wait3A_313] : memref<4x64x128xf32, #tpu.memory_space<vmem>> -> memref<1x64x128xf32, #tpu.memory_space<vmem>>
      %dma_wait3A_315 = tpu.memref_squeeze %dma_wait3A_314 : memref<1x64x128xf32, #tpu.memory_space<vmem>> -> memref<64x128xf32, #tpu.memory_space<vmem>>
      tpu.wait_dma2 semaphore(%run_scoped3A_292 : memref<!tpu.dma_semaphore, #tpu.memory_space<semaphore_mem>>) src(%dma_wait3A_315 : memref<64x128xf32, #tpu.memory_space<vmem>>) dst(%dma_wait3A_311 : memref<64x128xf32, #tpu.memory_space<vmem_shared>>)
      tpu.yield
    }) : () -> ()
    %mul3A_41 = arith.constant 640 : i32
    %mul3A_42 = arith.muli %arg1, %mul3A_41 : i32
    %add3A_43 = arith.constant 448 : i32
    %add3A_44 = arith.addi %mul3A_42, %add3A_43 : i32
    %run_scoped3A_45 = arith.constant 0 : i32
    "tpu.region"() ({
      %run_scoped3A_292 = tpu.sem_alloc : memref<!tpu.dma_semaphore, #tpu.memory_space<semaphore_mem>>
      %dma_start3A_293 = arith.constant 0 : i32
      %dma_start3A_294 = arith.constant 0 : i32
      %dma_start3A_295 = tpu.memref_slice %arg8[%run_scoped3A_45, %dma_start3A_293, %dma_start3A_294] : memref<4x64x128xf32, #tpu.memory_space<vmem>> -> memref<1x64x128xf32, #tpu.memory_space<vmem>>
      %dma_start3A_296 = tpu.memref_squeeze %dma_start3A_295 : memref<1x64x128xf32, #tpu.memory_space<vmem>> -> memref<64x128xf32, #tpu.memory_space<vmem>>
      %dma_start3A_297 = arith.constant 0 : i32
      %dma_start3A_298 = tpu.memref_slice %arg9[%add3A_44, %dma_start3A_297] : memref<10240x128xf32, #tpu.memory_space<vmem_shared>> -> memref<64x128xf32, #tpu.memory_space<vmem_shared>>
      %dma_start3A_299 = arith.constant 0 : i32
      %dma_start3A_300 = tpu.memref_slice %arg9[%add3A_44, %dma_start3A_299] : memref<10240x128xf32, #tpu.memory_space<vmem_shared>> -> memref<64x128xf32, #tpu.memory_space<vmem_shared>>
      %dma_start3A_301 = arith.constant 0 : i32
      %dma_start3A_302 = arith.constant 0 : i32
      %dma_start3A_303 = tpu.memref_slice %arg8[%run_scoped3A_45, %dma_start3A_301, %dma_start3A_302] : memref<4x64x128xf32, #tpu.memory_space<vmem>> -> memref<1x64x128xf32, #tpu.memory_space<vmem>>
      %dma_start3A_304 = tpu.memref_squeeze %dma_start3A_303 : memref<1x64x128xf32, #tpu.memory_space<vmem>> -> memref<64x128xf32, #tpu.memory_space<vmem>>
      tpu.enqueue_dma source(%dma_start3A_304 : memref<64x128xf32, #tpu.memory_space<vmem>>) target(%dma_start3A_300 : memref<64x128xf32, #tpu.memory_space<vmem_shared>>) target_semaphore(%run_scoped3A_292 : memref<!tpu.dma_semaphore, #tpu.memory_space<semaphore_mem>>)
      %dma_wait3A = arith.constant 0 : i32
      %dma_wait3A_305 = arith.constant 0 : i32
      %dma_wait3A_306 = tpu.memref_slice %arg8[%run_scoped3A_45, %dma_wait3A, %dma_wait3A_305] : memref<4x64x128xf32, #tpu.memory_space<vmem>> -> memref<1x64x128xf32, #tpu.memory_space<vmem>>
      %dma_wait3A_307 = tpu.memref_squeeze %dma_wait3A_306 : memref<1x64x128xf32, #tpu.memory_space<vmem>> -> memref<64x128xf32, #tpu.memory_space<vmem>>
      %dma_wait3A_308 = arith.constant 0 : i32
      %dma_wait3A_309 = tpu.memref_slice %arg9[%add3A_44, %dma_wait3A_308] : memref<10240x128xf32, #tpu.memory_space<vmem_shared>> -> memref<64x128xf32, #tpu.memory_space<vmem_shared>>
      %dma_wait3A_310 = arith.constant 0 : i32
      %dma_wait3A_311 = tpu.memref_slice %arg9[%add3A_44, %dma_wait3A_310] : memref<10240x128xf32, #tpu.memory_space<vmem_shared>> -> memref<64x128xf32, #tpu.memory_space<vmem_shared>>
      %dma_wait3A_312 = arith.constant 0 : i32
      %dma_wait3A_313 = arith.constant 0 : i32
      %dma_wait3A_314 = tpu.memref_slice %arg8[%run_scoped3A_45, %dma_wait3A_312, %dma_wait3A_313] : memref<4x64x128xf32, #tpu.memory_space<vmem>> -> memref<1x64x128xf32, #tpu.memory_space<vmem>>
      %dma_wait3A_315 = tpu.memref_squeeze %dma_wait3A_314 : memref<1x64x128xf32, #tpu.memory_space<vmem>> -> memref<64x128xf32, #tpu.memory_space<vmem>>
      tpu.wait_dma2 semaphore(%run_scoped3A_292 : memref<!tpu.dma_semaphore, #tpu.memory_space<semaphore_mem>>) src(%dma_wait3A_315 : memref<64x128xf32, #tpu.memory_space<vmem>>) dst(%dma_wait3A_311 : memref<64x128xf32, #tpu.memory_space<vmem_shared>>)
      tpu.yield
    }) : () -> ()
    %mul3A_46 = arith.constant 640 : i32
    %mul3A_47 = arith.muli %arg1, %mul3A_46 : i32
    %add3A_48 = arith.constant 512 : i32
    %add3A_49 = arith.addi %mul3A_47, %add3A_48 : i32
    %run_scoped3A_50 = arith.constant 0 : i32
    "tpu.region"() ({
      %run_scoped3A_292 = tpu.sem_alloc : memref<!tpu.dma_semaphore, #tpu.memory_space<semaphore_mem>>
      %dma_start3A_293 = arith.constant 0 : i32
      %dma_start3A_294 = arith.constant 0 : i32
      %dma_start3A_295 = tpu.memref_slice %arg8[%run_scoped3A_50, %dma_start3A_293, %dma_start3A_294] : memref<4x64x128xf32, #tpu.memory_space<vmem>> -> memref<1x64x128xf32, #tpu.memory_space<vmem>>
      %dma_start3A_296 = tpu.memref_squeeze %dma_start3A_295 : memref<1x64x128xf32, #tpu.memory_space<vmem>> -> memref<64x128xf32, #tpu.memory_space<vmem>>
      %dma_start3A_297 = arith.constant 0 : i32
      %dma_start3A_298 = tpu.memref_slice %arg9[%add3A_49, %dma_start3A_297] : memref<10240x128xf32, #tpu.memory_space<vmem_shared>> -> memref<64x128xf32, #tpu.memory_space<vmem_shared>>
      %dma_start3A_299 = arith.constant 0 : i32
      %dma_start3A_300 = tpu.memref_slice %arg9[%add3A_49, %dma_start3A_299] : memref<10240x128xf32, #tpu.memory_space<vmem_shared>> -> memref<64x128xf32, #tpu.memory_space<vmem_shared>>
      %dma_start3A_301 = arith.constant 0 : i32
      %dma_start3A_302 = arith.constant 0 : i32
      %dma_start3A_303 = tpu.memref_slice %arg8[%run_scoped3A_50, %dma_start3A_301, %dma_start3A_302] : memref<4x64x128xf32, #tpu.memory_space<vmem>> -> memref<1x64x128xf32, #tpu.memory_space<vmem>>
      %dma_start3A_304 = tpu.memref_squeeze %dma_start3A_303 : memref<1x64x128xf32, #tpu.memory_space<vmem>> -> memref<64x128xf32, #tpu.memory_space<vmem>>
      tpu.enqueue_dma source(%dma_start3A_304 : memref<64x128xf32, #tpu.memory_space<vmem>>) target(%dma_start3A_300 : memref<64x128xf32, #tpu.memory_space<vmem_shared>>) target_semaphore(%run_scoped3A_292 : memref<!tpu.dma_semaphore, #tpu.memory_space<semaphore_mem>>)
      %dma_wait3A = arith.constant 0 : i32
      %dma_wait3A_305 = arith.constant 0 : i32
      %dma_wait3A_306 = tpu.memref_slice %arg8[%run_scoped3A_50, %dma_wait3A, %dma_wait3A_305] : memref<4x64x128xf32, #tpu.memory_space<vmem>> -> memref<1x64x128xf32, #tpu.memory_space<vmem>>
      %dma_wait3A_307 = tpu.memref_squeeze %dma_wait3A_306 : memref<1x64x128xf32, #tpu.memory_space<vmem>> -> memref<64x128xf32, #tpu.memory_space<vmem>>
      %dma_wait3A_308 = arith.constant 0 : i32
      %dma_wait3A_309 = tpu.memref_slice %arg9[%add3A_49, %dma_wait3A_308] : memref<10240x128xf32, #tpu.memory_space<vmem_shared>> -> memref<64x128xf32, #tpu.memory_space<vmem_shared>>
      %dma_wait3A_310 = arith.constant 0 : i32
      %dma_wait3A_311 = tpu.memref_slice %arg9[%add3A_49, %dma_wait3A_310] : memref<10240x128xf32, #tpu.memory_space<vmem_shared>> -> memref<64x128xf32, #tpu.memory_space<vmem_shared>>
      %dma_wait3A_312 = arith.constant 0 : i32
      %dma_wait3A_313 = arith.constant 0 : i32
      %dma_wait3A_314 = tpu.memref_slice %arg8[%run_scoped3A_50, %dma_wait3A_312, %dma_wait3A_313] : memref<4x64x128xf32, #tpu.memory_space<vmem>> -> memref<1x64x128xf32, #tpu.memory_space<vmem>>
      %dma_wait3A_315 = tpu.memref_squeeze %dma_wait3A_314 : memref<1x64x128xf32, #tpu.memory_space<vmem>> -> memref<64x128xf32, #tpu.memory_space<vmem>>
      tpu.wait_dma2 semaphore(%run_scoped3A_292 : memref<!tpu.dma_semaphore, #tpu.memory_space<semaphore_mem>>) src(%dma_wait3A_315 : memref<64x128xf32, #tpu.memory_space<vmem>>) dst(%dma_wait3A_311 : memref<64x128xf32, #tpu.memory_space<vmem_shared>>)
      tpu.yield
    }) : () -> ()
    %mul3A_51 = arith.constant 640 : i32
    %mul3A_52 = arith.muli %arg1, %mul3A_51 : i32
    %add3A_53 = arith.constant 576 : i32
    %add3A_54 = arith.addi %mul3A_52, %add3A_53 : i32
    %run_scoped3A_55 = arith.constant 0 : i32
    "tpu.region"() ({
      %run_scoped3A_292 = tpu.sem_alloc : memref<!tpu.dma_semaphore, #tpu.memory_space<semaphore_mem>>
      %dma_start3A_293 = arith.constant 0 : i32
      %dma_start3A_294 = arith.constant 0 : i32
      %dma_start3A_295 = tpu.memref_slice %arg8[%run_scoped3A_55, %dma_start3A_293, %dma_start3A_294] : memref<4x64x128xf32, #tpu.memory_space<vmem>> -> memref<1x64x128xf32, #tpu.memory_space<vmem>>
      %dma_start3A_296 = tpu.memref_squeeze %dma_start3A_295 : memref<1x64x128xf32, #tpu.memory_space<vmem>> -> memref<64x128xf32, #tpu.memory_space<vmem>>
      %dma_start3A_297 = arith.constant 0 : i32
      %dma_start3A_298 = tpu.memref_slice %arg9[%add3A_54, %dma_start3A_297] : memref<10240x128xf32, #tpu.memory_space<vmem_shared>> -> memref<64x128xf32, #tpu.memory_space<vmem_shared>>
      %dma_start3A_299 = arith.constant 0 : i32
      %dma_start3A_300 = tpu.memref_slice %arg9[%add3A_54, %dma_start3A_299] : memref<10240x128xf32, #tpu.memory_space<vmem_shared>> -> memref<64x128xf32, #tpu.memory_space<vmem_shared>>
      %dma_start3A_301 = arith.constant 0 : i32
      %dma_start3A_302 = arith.constant 0 : i32
      %dma_start3A_303 = tpu.memref_slice %arg8[%run_scoped3A_55, %dma_start3A_301, %dma_start3A_302] : memref<4x64x128xf32, #tpu.memory_space<vmem>> -> memref<1x64x128xf32, #tpu.memory_space<vmem>>
      %dma_start3A_304 = tpu.memref_squeeze %dma_start3A_303 : memref<1x64x128xf32, #tpu.memory_space<vmem>> -> memref<64x128xf32, #tpu.memory_space<vmem>>
      tpu.enqueue_dma source(%dma_start3A_304 : memref<64x128xf32, #tpu.memory_space<vmem>>) target(%dma_start3A_300 : memref<64x128xf32, #tpu.memory_space<vmem_shared>>) target_semaphore(%run_scoped3A_292 : memref<!tpu.dma_semaphore, #tpu.memory_space<semaphore_mem>>)
      %dma_wait3A = arith.constant 0 : i32
      %dma_wait3A_305 = arith.constant 0 : i32
      %dma_wait3A_306 = tpu.memref_slice %arg8[%run_scoped3A_55, %dma_wait3A, %dma_wait3A_305] : memref<4x64x128xf32, #tpu.memory_space<vmem>> -> memref<1x64x128xf32, #tpu.memory_space<vmem>>
      %dma_wait3A_307 = tpu.memref_squeeze %dma_wait3A_306 : memref<1x64x128xf32, #tpu.memory_space<vmem>> -> memref<64x128xf32, #tpu.memory_space<vmem>>
      %dma_wait3A_308 = arith.constant 0 : i32
      %dma_wait3A_309 = tpu.memref_slice %arg9[%add3A_54, %dma_wait3A_308] : memref<10240x128xf32, #tpu.memory_space<vmem_shared>> -> memref<64x128xf32, #tpu.memory_space<vmem_shared>>
      %dma_wait3A_310 = arith.constant 0 : i32
      %dma_wait3A_311 = tpu.memref_slice %arg9[%add3A_54, %dma_wait3A_310] : memref<10240x128xf32, #tpu.memory_space<vmem_shared>> -> memref<64x128xf32, #tpu.memory_space<vmem_shared>>
      %dma_wait3A_312 = arith.constant 0 : i32
      %dma_wait3A_313 = arith.constant 0 : i32
      %dma_wait3A_314 = tpu.memref_slice %arg8[%run_scoped3A_55, %dma_wait3A_312, %dma_wait3A_313] : memref<4x64x128xf32, #tpu.memory_space<vmem>> -> memref<1x64x128xf32, #tpu.memory_space<vmem>>
      %dma_wait3A_315 = tpu.memref_squeeze %dma_wait3A_314 : memref<1x64x128xf32, #tpu.memory_space<vmem>> -> memref<64x128xf32, #tpu.memory_space<vmem>>
      tpu.wait_dma2 semaphore(%run_scoped3A_292 : memref<!tpu.dma_semaphore, #tpu.memory_space<semaphore_mem>>) src(%dma_wait3A_315 : memref<64x128xf32, #tpu.memory_space<vmem>>) dst(%dma_wait3A_311 : memref<64x128xf32, #tpu.memory_space<vmem_shared>>)
      tpu.yield
    }) : () -> ()
    %barrier3A = arith.constant 0 : index
    tpu.barrier barrier_id(%barrier3A)
    %mul3A_56 = arith.constant 160 : i32
    %mul3A_57 = arith.muli %add3A, %mul3A_56 : i32
    %add3A_58 = arith.constant 0 : i32
    %add3A_59 = arith.addi %mul3A_57, %add3A_58 : i32
    "tpu.region"() ({
      %run_scoped3A_292 = tpu.sem_alloc : memref<!tpu.dma_semaphore, #tpu.memory_space<semaphore_mem>>
      %dma_start3A_293 = arith.constant 0 : i32
      %dma_start3A_294 = tpu.memref_slice %arg3[%add3A_59, %dma_start3A_293] : memref<5120x64xi32, #tpu.memory_space<hbm>> -> memref<40x64xi32, #tpu.memory_space<hbm>>
      %dma_start3A_295 = arith.constant 0 : i32
      %dma_start3A_296 = tpu.memref_slice %arg3[%add3A_59, %dma_start3A_295] : memref<5120x64xi32, #tpu.memory_space<hbm>> -> memref<40x64xi32, #tpu.memory_space<hbm>>
      tpu.enqueue_dma source(%dma_start3A_296 : memref<40x64xi32, #tpu.memory_space<hbm>>) target(%arg6 : memref<40x64xi32, #tpu.memory_space<vmem>>) target_semaphore(%run_scoped3A_292 : memref<!tpu.dma_semaphore, #tpu.memory_space<semaphore_mem>>)
      %dma_wait3A = arith.constant 0 : i32
      %dma_wait3A_297 = tpu.memref_slice %arg3[%add3A_59, %dma_wait3A] : memref<5120x64xi32, #tpu.memory_space<hbm>> -> memref<40x64xi32, #tpu.memory_space<hbm>>
      %dma_wait3A_298 = arith.constant 0 : i32
      %dma_wait3A_299 = tpu.memref_slice %arg3[%add3A_59, %dma_wait3A_298] : memref<5120x64xi32, #tpu.memory_space<hbm>> -> memref<40x64xi32, #tpu.memory_space<hbm>>
      tpu.wait_dma2 semaphore(%run_scoped3A_292 : memref<!tpu.dma_semaphore, #tpu.memory_space<semaphore_mem>>) src(%dma_wait3A_299 : memref<40x64xi32, #tpu.memory_space<hbm>>) dst(%arg6 : memref<40x64xi32, #tpu.memory_space<vmem>>)
      tpu.yield
    }) : () -> ()
    "tpu.region"() ({
      %run_scoped3A_292 = tpu.sem_alloc : memref<!tpu.dma_semaphore, #tpu.memory_space<semaphore_mem>>
      %dma_start3A_293 = arith.constant 0 : i32
      %dma_start3A_294 = tpu.memref_slice %arg4[%add3A_59, %dma_start3A_293] : memref<5120x64xi32, #tpu.memory_space<hbm>> -> memref<40x64xi32, #tpu.memory_space<hbm>>
      %dma_start3A_295 = arith.constant 0 : i32
      %dma_start3A_296 = tpu.memref_slice %arg4[%add3A_59, %dma_start3A_295] : memref<5120x64xi32, #tpu.memory_space<hbm>> -> memref<40x64xi32, #tpu.memory_space<hbm>>
      tpu.enqueue_dma source(%dma_start3A_296 : memref<40x64xi32, #tpu.memory_space<hbm>>) target(%arg7 : memref<40x64xi32, #tpu.memory_space<vmem>>) target_semaphore(%run_scoped3A_292 : memref<!tpu.dma_semaphore, #tpu.memory_space<semaphore_mem>>)
      %dma_wait3A = arith.constant 0 : i32
      %dma_wait3A_297 = tpu.memref_slice %arg4[%add3A_59, %dma_wait3A] : memref<5120x64xi32, #tpu.memory_space<hbm>> -> memref<40x64xi32, #tpu.memory_space<hbm>>
      %dma_wait3A_298 = arith.constant 0 : i32
      %dma_wait3A_299 = tpu.memref_slice %arg4[%add3A_59, %dma_wait3A_298] : memref<5120x64xi32, #tpu.memory_space<hbm>> -> memref<40x64xi32, #tpu.memory_space<hbm>>
      tpu.wait_dma2 semaphore(%run_scoped3A_292 : memref<!tpu.dma_semaphore, #tpu.memory_space<semaphore_mem>>) src(%dma_wait3A_299 : memref<40x64xi32, #tpu.memory_space<hbm>>) dst(%arg7 : memref<40x64xi32, #tpu.memory_space<vmem>>)
      tpu.yield
    }) : () -> ()
    %dma_start3A = arith.constant 0 : i32
    %dma_start3A_60 = arith.constant 0 : i32
    %dma_start3A_61 = arith.constant 0 : i32
    %dma_start3A_62 = arith.constant 0 : i32
    %dma_start3A_63 = tpu.memref_slice %arg8[%dma_start3A_60, %dma_start3A_61, %dma_start3A_62] : memref<4x64x128xf32, #tpu.memory_space<vmem>> -> memref<1x64x128xf32, #tpu.memory_space<vmem>>
    %dma_start3A_64 = tpu.memref_squeeze %dma_start3A_63 : memref<1x64x128xf32, #tpu.memory_space<vmem>> -> memref<64x128xf32, #tpu.memory_space<vmem>>
    %dma_start3A_65 = arith.constant 0 : i32
    %dma_start3A_66 = tpu.memref_slice %arg6[%dma_start3A, %dma_start3A_65] : memref<40x64xi32, #tpu.memory_space<vmem>> -> memref<1x64xi32, #tpu.memory_space<vmem>>
    %dma_start3A_67 = tpu.memref_squeeze %dma_start3A_66 : memref<1x64xi32, #tpu.memory_space<vmem>> -> memref<64xi32, #tpu.memory_space<vmem>>
    %dma_start3A_68 = arith.constant 0 : i32
    %dma_start3A_69 = arith.constant 0 : i32
    %dma_start3A_70 = tpu.memref_slice %arg2[%dma_start3A_68, %dma_start3A_69] : memref<10000x128xf32, #tpu.memory_space<hbm>> -> memref<10000x128xf32, #tpu.memory_space<hbm>>
    tpu.enqueue_indirect_dma source(%dma_start3A_70 : memref<10000x128xf32, #tpu.memory_space<hbm>>) target(%dma_start3A_64 : memref<64x128xf32, #tpu.memory_space<vmem>>) offsets(%dma_start3A_67 : memref<64xi32, #tpu.memory_space<vmem>>) semaphore(%arg10 : memref<!tpu.dma_semaphore, #tpu.memory_space<semaphore_mem>>)
    %dma_start3A_71 = arith.constant 1 : i32
    %dma_start3A_72 = arith.constant 1 : i32
    %dma_start3A_73 = arith.constant 0 : i32
    %dma_start3A_74 = arith.constant 0 : i32
    %dma_start3A_75 = tpu.memref_slice %arg8[%dma_start3A_72, %dma_start3A_73, %dma_start3A_74] : memref<4x64x128xf32, #tpu.memory_space<vmem>> -> memref<1x64x128xf32, #tpu.memory_space<vmem>>
    %dma_start3A_76 = tpu.memref_squeeze %dma_start3A_75 : memref<1x64x128xf32, #tpu.memory_space<vmem>> -> memref<64x128xf32, #tpu.memory_space<vmem>>
    %dma_start3A_77 = arith.constant 0 : i32
    %dma_start3A_78 = tpu.memref_slice %arg6[%dma_start3A_71, %dma_start3A_77] : memref<40x64xi32, #tpu.memory_space<vmem>> -> memref<1x64xi32, #tpu.memory_space<vmem>>
    %dma_start3A_79 = tpu.memref_squeeze %dma_start3A_78 : memref<1x64xi32, #tpu.memory_space<vmem>> -> memref<64xi32, #tpu.memory_space<vmem>>
    %dma_start3A_80 = arith.constant 0 : i32
    %dma_start3A_81 = arith.constant 0 : i32
    %dma_start3A_82 = tpu.memref_slice %arg2[%dma_start3A_80, %dma_start3A_81] : memref<10000x128xf32, #tpu.memory_space<hbm>> -> memref<10000x128xf32, #tpu.memory_space<hbm>>
    tpu.enqueue_indirect_dma source(%dma_start3A_82 : memref<10000x128xf32, #tpu.memory_space<hbm>>) target(%dma_start3A_76 : memref<64x128xf32, #tpu.memory_space<vmem>>) offsets(%dma_start3A_79 : memref<64xi32, #tpu.memory_space<vmem>>) semaphore(%arg11 : memref<!tpu.dma_semaphore, #tpu.memory_space<semaphore_mem>>)
    %dma_start3A_83 = arith.constant 2 : i32
    %dma_start3A_84 = arith.constant 2 : i32
    %dma_start3A_85 = arith.constant 0 : i32
    %dma_start3A_86 = arith.constant 0 : i32
    %dma_start3A_87 = tpu.memref_slice %arg8[%dma_start3A_84, %dma_start3A_85, %dma_start3A_86] : memref<4x64x128xf32, #tpu.memory_space<vmem>> -> memref<1x64x128xf32, #tpu.memory_space<vmem>>
    %dma_start3A_88 = tpu.memref_squeeze %dma_start3A_87 : memref<1x64x128xf32, #tpu.memory_space<vmem>> -> memref<64x128xf32, #tpu.memory_space<vmem>>
    %dma_start3A_89 = arith.constant 0 : i32
    %dma_start3A_90 = tpu.memref_slice %arg6[%dma_start3A_83, %dma_start3A_89] : memref<40x64xi32, #tpu.memory_space<vmem>> -> memref<1x64xi32, #tpu.memory_space<vmem>>
    %dma_start3A_91 = tpu.memref_squeeze %dma_start3A_90 : memref<1x64xi32, #tpu.memory_space<vmem>> -> memref<64xi32, #tpu.memory_space<vmem>>
    %dma_start3A_92 = arith.constant 0 : i32
    %dma_start3A_93 = arith.constant 0 : i32
    %dma_start3A_94 = tpu.memref_slice %arg2[%dma_start3A_92, %dma_start3A_93] : memref<10000x128xf32, #tpu.memory_space<hbm>> -> memref<10000x128xf32, #tpu.memory_space<hbm>>
    tpu.enqueue_indirect_dma source(%dma_start3A_94 : memref<10000x128xf32, #tpu.memory_space<hbm>>) target(%dma_start3A_88 : memref<64x128xf32, #tpu.memory_space<vmem>>) offsets(%dma_start3A_91 : memref<64xi32, #tpu.memory_space<vmem>>) semaphore(%arg12 : memref<!tpu.dma_semaphore, #tpu.memory_space<semaphore_mem>>)
    %dma_start3A_95 = arith.constant 3 : i32
    %dma_start3A_96 = arith.constant 3 : i32
    %dma_start3A_97 = arith.constant 0 : i32
    %dma_start3A_98 = arith.constant 0 : i32
    %dma_start3A_99 = tpu.memref_slice %arg8[%dma_start3A_96, %dma_start3A_97, %dma_start3A_98] : memref<4x64x128xf32, #tpu.memory_space<vmem>> -> memref<1x64x128xf32, #tpu.memory_space<vmem>>
    %dma_start3A_100 = tpu.memref_squeeze %dma_start3A_99 : memref<1x64x128xf32, #tpu.memory_space<vmem>> -> memref<64x128xf32, #tpu.memory_space<vmem>>
    %dma_start3A_101 = arith.constant 0 : i32
    %dma_start3A_102 = tpu.memref_slice %arg6[%dma_start3A_95, %dma_start3A_101] : memref<40x64xi32, #tpu.memory_space<vmem>> -> memref<1x64xi32, #tpu.memory_space<vmem>>
    %dma_start3A_103 = tpu.memref_squeeze %dma_start3A_102 : memref<1x64xi32, #tpu.memory_space<vmem>> -> memref<64xi32, #tpu.memory_space<vmem>>
    %dma_start3A_104 = arith.constant 0 : i32
    %dma_start3A_105 = arith.constant 0 : i32
    %dma_start3A_106 = tpu.memref_slice %arg2[%dma_start3A_104, %dma_start3A_105] : memref<10000x128xf32, #tpu.memory_space<hbm>> -> memref<10000x128xf32, #tpu.memory_space<hbm>>
    tpu.enqueue_indirect_dma source(%dma_start3A_106 : memref<10000x128xf32, #tpu.memory_space<hbm>>) target(%dma_start3A_100 : memref<64x128xf32, #tpu.memory_space<vmem>>) offsets(%dma_start3A_103 : memref<64xi32, #tpu.memory_space<vmem>>) semaphore(%arg13 : memref<!tpu.dma_semaphore, #tpu.memory_space<semaphore_mem>>)
    %scan3A_107 = arith.constant 0 : i32
    %scan3A_108 = arith.constant 0 : i32
    %scan3A_109 = arith.constant 10 : i32
    %scan3A_110 = arith.addi %scan3A_108, %scan3A_109 : i32
    %scan3A_111 = arith.constant 1 : i32
    scf.for %scan3A_292 = %scan3A_108 to %scan3A_110 step %scan3A_111  : i32 {
      %mul3A_293 = arith.constant 4 : i32
      %mul3A_294 = arith.muli %scan3A_292, %mul3A_293 : i32
      %add3A_295 = arith.constant 0 : i32
      %add3A_296 = arith.addi %mul3A_294, %add3A_295 : i32
      %dma_wait3A = arith.constant 0 : i32
      %dma_wait3A_297 = arith.constant 0 : i32
      %dma_wait3A_298 = arith.constant 0 : i32
      %dma_wait3A_299 = tpu.memref_slice %arg8[%dma_wait3A, %dma_wait3A_297, %dma_wait3A_298] : memref<4x64x128xf32, #tpu.memory_space<vmem>> -> memref<1x64x128xf32, #tpu.memory_space<vmem>>
      %dma_wait3A_300 = tpu.memref_squeeze %dma_wait3A_299 : memref<1x64x128xf32, #tpu.memory_space<vmem>> -> memref<64x128xf32, #tpu.memory_space<vmem>>
      %dma_wait3A_301 = arith.constant 0 : i32
      %dma_wait3A_302 = tpu.memref_slice %arg6[%add3A_296, %dma_wait3A_301] : memref<40x64xi32, #tpu.memory_space<vmem>> -> memref<1x64xi32, #tpu.memory_space<vmem>>
      %dma_wait3A_303 = tpu.memref_squeeze %dma_wait3A_302 : memref<1x64xi32, #tpu.memory_space<vmem>> -> memref<64xi32, #tpu.memory_space<vmem>>
      %dma_wait3A_304 = arith.constant 0 : i32
      %dma_wait3A_305 = arith.constant 0 : i32
      %dma_wait3A_306 = tpu.memref_slice %arg2[%dma_wait3A_304, %dma_wait3A_305] : memref<10000x128xf32, #tpu.memory_space<hbm>> -> memref<10000x128xf32, #tpu.memory_space<hbm>>
      tpu.wait_indirect_dma semaphore(%arg10 : memref<!tpu.dma_semaphore, #tpu.memory_space<semaphore_mem>>) src(%dma_wait3A_306 : memref<10000x128xf32, #tpu.memory_space<hbm>>) dst(%dma_wait3A_300 : memref<64x128xf32, #tpu.memory_space<vmem>>)
      %dma_start3A_307 = arith.constant 0 : i32
      %dma_start3A_308 = arith.constant 0 : i32
      %dma_start3A_309 = arith.constant 0 : i32
      %dma_start3A_310 = tpu.memref_slice %arg8[%dma_start3A_307, %dma_start3A_308, %dma_start3A_309] : memref<4x64x128xf32, #tpu.memory_space<vmem>> -> memref<1x64x128xf32, #tpu.memory_space<vmem>>
      %dma_start3A_311 = tpu.memref_squeeze %dma_start3A_310 : memref<1x64x128xf32, #tpu.memory_space<vmem>> -> memref<64x128xf32, #tpu.memory_space<vmem>>
      %dma_start3A_312 = arith.constant 0 : i32
      %dma_start3A_313 = tpu.memref_slice %arg7[%add3A_296, %dma_start3A_312] : memref<40x64xi32, #tpu.memory_space<vmem>> -> memref<1x64xi32, #tpu.memory_space<vmem>>
      %dma_start3A_314 = tpu.memref_squeeze %dma_start3A_313 : memref<1x64xi32, #tpu.memory_space<vmem>> -> memref<64xi32, #tpu.memory_space<vmem>>
      %dma_start3A_315 = arith.constant 0 : i32
      %dma_start3A_316 = arith.constant 0 : i32
      %dma_start3A_317 = tpu.memref_slice %arg9[%dma_start3A_315, %dma_start3A_316] : memref<10240x128xf32, #tpu.memory_space<vmem_shared>> -> memref<10240x128xf32, #tpu.memory_space<vmem_shared>>
      tpu.enqueue_indirect_dma source(%dma_start3A_311 : memref<64x128xf32, #tpu.memory_space<vmem>>) target(%dma_start3A_317 : memref<10240x128xf32, #tpu.memory_space<vmem_shared>>) offsets(%dma_start3A_314 : memref<64xi32, #tpu.memory_space<vmem>>) semaphore(%arg14 : memref<!tpu.dma_semaphore, #tpu.memory_space<semaphore_mem>>) {add = true}
      %mul3A_318 = arith.constant 4 : i32
      %mul3A_319 = arith.muli %scan3A_292, %mul3A_318 : i32
      %add3A_320 = arith.constant 1 : i32
      %add3A_321 = arith.addi %mul3A_319, %add3A_320 : i32
      %dma_wait3A_322 = arith.constant 1 : i32
      %dma_wait3A_323 = arith.constant 0 : i32
      %dma_wait3A_324 = arith.constant 0 : i32
      %dma_wait3A_325 = tpu.memref_slice %arg8[%dma_wait3A_322, %dma_wait3A_323, %dma_wait3A_324] : memref<4x64x128xf32, #tpu.memory_space<vmem>> -> memref<1x64x128xf32, #tpu.memory_space<vmem>>
      %dma_wait3A_326 = tpu.memref_squeeze %dma_wait3A_325 : memref<1x64x128xf32, #tpu.memory_space<vmem>> -> memref<64x128xf32, #tpu.memory_space<vmem>>
      %dma_wait3A_327 = arith.constant 0 : i32
      %dma_wait3A_328 = tpu.memref_slice %arg6[%add3A_321, %dma_wait3A_327] : memref<40x64xi32, #tpu.memory_space<vmem>> -> memref<1x64xi32, #tpu.memory_space<vmem>>
      %dma_wait3A_329 = tpu.memref_squeeze %dma_wait3A_328 : memref<1x64xi32, #tpu.memory_space<vmem>> -> memref<64xi32, #tpu.memory_space<vmem>>
      %dma_wait3A_330 = arith.constant 0 : i32
      %dma_wait3A_331 = arith.constant 0 : i32
      %dma_wait3A_332 = tpu.memref_slice %arg2[%dma_wait3A_330, %dma_wait3A_331] : memref<10000x128xf32, #tpu.memory_space<hbm>> -> memref<10000x128xf32, #tpu.memory_space<hbm>>
      tpu.wait_indirect_dma semaphore(%arg11 : memref<!tpu.dma_semaphore, #tpu.memory_space<semaphore_mem>>) src(%dma_wait3A_332 : memref<10000x128xf32, #tpu.memory_space<hbm>>) dst(%dma_wait3A_326 : memref<64x128xf32, #tpu.memory_space<vmem>>)
      %dma_start3A_333 = arith.constant 1 : i32
      %dma_start3A_334 = arith.constant 0 : i32
      %dma_start3A_335 = arith.constant 0 : i32
      %dma_start3A_336 = tpu.memref_slice %arg8[%dma_start3A_333, %dma_start3A_334, %dma_start3A_335] : memref<4x64x128xf32, #tpu.memory_space<vmem>> -> memref<1x64x128xf32, #tpu.memory_space<vmem>>
      %dma_start3A_337 = tpu.memref_squeeze %dma_start3A_336 : memref<1x64x128xf32, #tpu.memory_space<vmem>> -> memref<64x128xf32, #tpu.memory_space<vmem>>
      %dma_start3A_338 = arith.constant 0 : i32
      %dma_start3A_339 = tpu.memref_slice %arg7[%add3A_321, %dma_start3A_338] : memref<40x64xi32, #tpu.memory_space<vmem>> -> memref<1x64xi32, #tpu.memory_space<vmem>>
      %dma_start3A_340 = tpu.memref_squeeze %dma_start3A_339 : memref<1x64xi32, #tpu.memory_space<vmem>> -> memref<64xi32, #tpu.memory_space<vmem>>
      %dma_start3A_341 = arith.constant 0 : i32
      %dma_start3A_342 = arith.constant 0 : i32
      %dma_start3A_343 = tpu.memref_slice %arg9[%dma_start3A_341, %dma_start3A_342] : memref<10240x128xf32, #tpu.memory_space<vmem_shared>> -> memref<10240x128xf32, #tpu.memory_space<vmem_shared>>
      tpu.enqueue_indirect_dma source(%dma_start3A_337 : memref<64x128xf32, #tpu.memory_space<vmem>>) target(%dma_start3A_343 : memref<10240x128xf32, #tpu.memory_space<vmem_shared>>) offsets(%dma_start3A_340 : memref<64xi32, #tpu.memory_space<vmem>>) semaphore(%arg15 : memref<!tpu.dma_semaphore, #tpu.memory_space<semaphore_mem>>) {add = true}
      %mul3A_344 = arith.constant 4 : i32
      %mul3A_345 = arith.muli %scan3A_292, %mul3A_344 : i32
      %add3A_346 = arith.constant 2 : i32
      %add3A_347 = arith.addi %mul3A_345, %add3A_346 : i32
      %dma_wait3A_348 = arith.constant 2 : i32
      %dma_wait3A_349 = arith.constant 0 : i32
      %dma_wait3A_350 = arith.constant 0 : i32
      %dma_wait3A_351 = tpu.memref_slice %arg8[%dma_wait3A_348, %dma_wait3A_349, %dma_wait3A_350] : memref<4x64x128xf32, #tpu.memory_space<vmem>> -> memref<1x64x128xf32, #tpu.memory_space<vmem>>
      %dma_wait3A_352 = tpu.memref_squeeze %dma_wait3A_351 : memref<1x64x128xf32, #tpu.memory_space<vmem>> -> memref<64x128xf32, #tpu.memory_space<vmem>>
      %dma_wait3A_353 = arith.constant 0 : i32
      %dma_wait3A_354 = tpu.memref_slice %arg6[%add3A_347, %dma_wait3A_353] : memref<40x64xi32, #tpu.memory_space<vmem>> -> memref<1x64xi32, #tpu.memory_space<vmem>>
      %dma_wait3A_355 = tpu.memref_squeeze %dma_wait3A_354 : memref<1x64xi32, #tpu.memory_space<vmem>> -> memref<64xi32, #tpu.memory_space<vmem>>
      %dma_wait3A_356 = arith.constant 0 : i32
      %dma_wait3A_357 = arith.constant 0 : i32
      %dma_wait3A_358 = tpu.memref_slice %arg2[%dma_wait3A_356, %dma_wait3A_357] : memref<10000x128xf32, #tpu.memory_space<hbm>> -> memref<10000x128xf32, #tpu.memory_space<hbm>>
      tpu.wait_indirect_dma semaphore(%arg12 : memref<!tpu.dma_semaphore, #tpu.memory_space<semaphore_mem>>) src(%dma_wait3A_358 : memref<10000x128xf32, #tpu.memory_space<hbm>>) dst(%dma_wait3A_352 : memref<64x128xf32, #tpu.memory_space<vmem>>)
      %dma_start3A_359 = arith.constant 2 : i32
      %dma_start3A_360 = arith.constant 0 : i32
      %dma_start3A_361 = arith.constant 0 : i32
      %dma_start3A_362 = tpu.memref_slice %arg8[%dma_start3A_359, %dma_start3A_360, %dma_start3A_361] : memref<4x64x128xf32, #tpu.memory_space<vmem>> -> memref<1x64x128xf32, #tpu.memory_space<vmem>>
      %dma_start3A_363 = tpu.memref_squeeze %dma_start3A_362 : memref<1x64x128xf32, #tpu.memory_space<vmem>> -> memref<64x128xf32, #tpu.memory_space<vmem>>
      %dma_start3A_364 = arith.constant 0 : i32
      %dma_start3A_365 = tpu.memref_slice %arg7[%add3A_347, %dma_start3A_364] : memref<40x64xi32, #tpu.memory_space<vmem>> -> memref<1x64xi32, #tpu.memory_space<vmem>>
      %dma_start3A_366 = tpu.memref_squeeze %dma_start3A_365 : memref<1x64xi32, #tpu.memory_space<vmem>> -> memref<64xi32, #tpu.memory_space<vmem>>
      %dma_start3A_367 = arith.constant 0 : i32
      %dma_start3A_368 = arith.constant 0 : i32
      %dma_start3A_369 = tpu.memref_slice %arg9[%dma_start3A_367, %dma_start3A_368] : memref<10240x128xf32, #tpu.memory_space<vmem_shared>> -> memref<10240x128xf32, #tpu.memory_space<vmem_shared>>
      tpu.enqueue_indirect_dma source(%dma_start3A_363 : memref<64x128xf32, #tpu.memory_space<vmem>>) target(%dma_start3A_369 : memref<10240x128xf32, #tpu.memory_space<vmem_shared>>) offsets(%dma_start3A_366 : memref<64xi32, #tpu.memory_space<vmem>>) semaphore(%arg16 : memref<!tpu.dma_semaphore, #tpu.memory_space<semaphore_mem>>) {add = true}
      %mul3A_370 = arith.constant 4 : i32
      %mul3A_371 = arith.muli %scan3A_292, %mul3A_370 : i32
      %add3A_372 = arith.constant 3 : i32
      %add3A_373 = arith.addi %mul3A_371, %add3A_372 : i32
      %dma_wait3A_374 = arith.constant 3 : i32
      %dma_wait3A_375 = arith.constant 0 : i32
      %dma_wait3A_376 = arith.constant 0 : i32
      %dma_wait3A_377 = tpu.memref_slice %arg8[%dma_wait3A_374, %dma_wait3A_375, %dma_wait3A_376] : memref<4x64x128xf32, #tpu.memory_space<vmem>> -> memref<1x64x128xf32, #tpu.memory_space<vmem>>
      %dma_wait3A_378 = tpu.memref_squeeze %dma_wait3A_377 : memref<1x64x128xf32, #tpu.memory_space<vmem>> -> memref<64x128xf32, #tpu.memory_space<vmem>>
      %dma_wait3A_379 = arith.constant 0 : i32
      %dma_wait3A_380 = tpu.memref_slice %arg6[%add3A_373, %dma_wait3A_379] : memref<40x64xi32, #tpu.memory_space<vmem>> -> memref<1x64xi32, #tpu.memory_space<vmem>>
      %dma_wait3A_381 = tpu.memref_squeeze %dma_wait3A_380 : memref<1x64xi32, #tpu.memory_space<vmem>> -> memref<64xi32, #tpu.memory_space<vmem>>
      %dma_wait3A_382 = arith.constant 0 : i32
      %dma_wait3A_383 = arith.constant 0 : i32
      %dma_wait3A_384 = tpu.memref_slice %arg2[%dma_wait3A_382, %dma_wait3A_383] : memref<10000x128xf32, #tpu.memory_space<hbm>> -> memref<10000x128xf32, #tpu.memory_space<hbm>>
      tpu.wait_indirect_dma semaphore(%arg13 : memref<!tpu.dma_semaphore, #tpu.memory_space<semaphore_mem>>) src(%dma_wait3A_384 : memref<10000x128xf32, #tpu.memory_space<hbm>>) dst(%dma_wait3A_378 : memref<64x128xf32, #tpu.memory_space<vmem>>)
      %dma_start3A_385 = arith.constant 3 : i32
      %dma_start3A_386 = arith.constant 0 : i32
      %dma_start3A_387 = arith.constant 0 : i32
      %dma_start3A_388 = tpu.memref_slice %arg8[%dma_start3A_385, %dma_start3A_386, %dma_start3A_387] : memref<4x64x128xf32, #tpu.memory_space<vmem>> -> memref<1x64x128xf32, #tpu.memory_space<vmem>>
      %dma_start3A_389 = tpu.memref_squeeze %dma_start3A_388 : memref<1x64x128xf32, #tpu.memory_space<vmem>> -> memref<64x128xf32, #tpu.memory_space<vmem>>
      %dma_start3A_390 = arith.constant 0 : i32
      %dma_start3A_391 = tpu.memref_slice %arg7[%add3A_373, %dma_start3A_390] : memref<40x64xi32, #tpu.memory_space<vmem>> -> memref<1x64xi32, #tpu.memory_space<vmem>>
      %dma_start3A_392 = tpu.memref_squeeze %dma_start3A_391 : memref<1x64xi32, #tpu.memory_space<vmem>> -> memref<64xi32, #tpu.memory_space<vmem>>
      %dma_start3A_393 = arith.constant 0 : i32
      %dma_start3A_394 = arith.constant 0 : i32
      %dma_start3A_395 = tpu.memref_slice %arg9[%dma_start3A_393, %dma_start3A_394] : memref<10240x128xf32, #tpu.memory_space<vmem_shared>> -> memref<10240x128xf32, #tpu.memory_space<vmem_shared>>
      tpu.enqueue_indirect_dma source(%dma_start3A_389 : memref<64x128xf32, #tpu.memory_space<vmem>>) target(%dma_start3A_395 : memref<10240x128xf32, #tpu.memory_space<vmem_shared>>) offsets(%dma_start3A_392 : memref<64xi32, #tpu.memory_space<vmem>>) semaphore(%arg17 : memref<!tpu.dma_semaphore, #tpu.memory_space<semaphore_mem>>) {add = true}
      %mul3A_396 = arith.constant 4 : i32
      %mul3A_397 = arith.muli %scan3A_292, %mul3A_396 : i32
      %add3A_398 = arith.constant 0 : i32
      %add3A_399 = arith.addi %mul3A_397, %add3A_398 : i32
      %dma_wait3A_400 = arith.constant 0 : i32
      %dma_wait3A_401 = arith.constant 0 : i32
      %dma_wait3A_402 = arith.constant 0 : i32
      %dma_wait3A_403 = tpu.memref_slice %arg8[%dma_wait3A_400, %dma_wait3A_401, %dma_wait3A_402] : memref<4x64x128xf32, #tpu.memory_space<vmem>> -> memref<1x64x128xf32, #tpu.memory_space<vmem>>
      %dma_wait3A_404 = tpu.memref_squeeze %dma_wait3A_403 : memref<1x64x128xf32, #tpu.memory_space<vmem>> -> memref<64x128xf32, #tpu.memory_space<vmem>>
      %dma_wait3A_405 = arith.constant 0 : i32
      %dma_wait3A_406 = tpu.memref_slice %arg7[%add3A_399, %dma_wait3A_405] : memref<40x64xi32, #tpu.memory_space<vmem>> -> memref<1x64xi32, #tpu.memory_space<vmem>>
      %dma_wait3A_407 = tpu.memref_squeeze %dma_wait3A_406 : memref<1x64xi32, #tpu.memory_space<vmem>> -> memref<64xi32, #tpu.memory_space<vmem>>
      %dma_wait3A_408 = arith.constant 0 : i32
      %dma_wait3A_409 = arith.constant 0 : i32
      %dma_wait3A_410 = tpu.memref_slice %arg9[%dma_wait3A_408, %dma_wait3A_409] : memref<10240x128xf32, #tpu.memory_space<vmem_shared>> -> memref<10240x128xf32, #tpu.memory_space<vmem_shared>>
      tpu.wait_indirect_dma semaphore(%arg14 : memref<!tpu.dma_semaphore, #tpu.memory_space<semaphore_mem>>) src(%dma_wait3A_404 : memref<64x128xf32, #tpu.memory_space<vmem>>) dst(%dma_wait3A_410 : memref<10240x128xf32, #tpu.memory_space<vmem_shared>>)
      %add3A_411 = arith.constant 4 : i32
      %add3A_412 = arith.addi %add3A_399, %add3A_411 : i32
      %lt3A = arith.constant 40 : i32
      %lt3A_413 = arith.cmpi slt, %add3A_412, %lt3A : i32
      %convert_element_type3A = arith.extui %lt3A_413 : i1 to i32
      %cond3A = arith.constant 0 : i32
      %cond3A_414 = arith.cmpi ne, %convert_element_type3A, %cond3A : i32
      scf.if %cond3A_414 {
        %add3A_481 = arith.constant 4 : i32
        %add3A_482 = arith.addi %add3A_399, %add3A_481 : i32
        %dma_start3A_483 = arith.constant 0 : i32
        %dma_start3A_484 = arith.constant 0 : i32
        %dma_start3A_485 = arith.constant 0 : i32
        %dma_start3A_486 = tpu.memref_slice %arg8[%dma_start3A_483, %dma_start3A_484, %dma_start3A_485] : memref<4x64x128xf32, #tpu.memory_space<vmem>> -> memref<1x64x128xf32, #tpu.memory_space<vmem>>
        %dma_start3A_487 = tpu.memref_squeeze %dma_start3A_486 : memref<1x64x128xf32, #tpu.memory_space<vmem>> -> memref<64x128xf32, #tpu.memory_space<vmem>>
        %dma_start3A_488 = arith.constant 0 : i32
        %dma_start3A_489 = tpu.memref_slice %arg6[%add3A_482, %dma_start3A_488] : memref<40x64xi32, #tpu.memory_space<vmem>> -> memref<1x64xi32, #tpu.memory_space<vmem>>
        %dma_start3A_490 = tpu.memref_squeeze %dma_start3A_489 : memref<1x64xi32, #tpu.memory_space<vmem>> -> memref<64xi32, #tpu.memory_space<vmem>>
        %dma_start3A_491 = arith.constant 0 : i32
        %dma_start3A_492 = arith.constant 0 : i32
        %dma_start3A_493 = tpu.memref_slice %arg2[%dma_start3A_491, %dma_start3A_492] : memref<10000x128xf32, #tpu.memory_space<hbm>> -> memref<10000x128xf32, #tpu.memory_space<hbm>>
        tpu.enqueue_indirect_dma source(%dma_start3A_493 : memref<10000x128xf32, #tpu.memory_space<hbm>>) target(%dma_start3A_487 : memref<64x128xf32, #tpu.memory_space<vmem>>) offsets(%dma_start3A_490 : memref<64xi32, #tpu.memory_space<vmem>>) semaphore(%arg10 : memref<!tpu.dma_semaphore, #tpu.memory_space<semaphore_mem>>)
      } else {
      }
      %mul3A_415 = arith.constant 4 : i32
      %mul3A_416 = arith.muli %scan3A_292, %mul3A_415 : i32
      %add3A_417 = arith.constant 1 : i32
      %add3A_418 = arith.addi %mul3A_416, %add3A_417 : i32
      %dma_wait3A_419 = arith.constant 1 : i32
      %dma_wait3A_420 = arith.constant 0 : i32
      %dma_wait3A_421 = arith.constant 0 : i32
      %dma_wait3A_422 = tpu.memref_slice %arg8[%dma_wait3A_419, %dma_wait3A_420, %dma_wait3A_421] : memref<4x64x128xf32, #tpu.memory_space<vmem>> -> memref<1x64x128xf32, #tpu.memory_space<vmem>>
      %dma_wait3A_423 = tpu.memref_squeeze %dma_wait3A_422 : memref<1x64x128xf32, #tpu.memory_space<vmem>> -> memref<64x128xf32, #tpu.memory_space<vmem>>
      %dma_wait3A_424 = arith.constant 0 : i32
      %dma_wait3A_425 = tpu.memref_slice %arg7[%add3A_418, %dma_wait3A_424] : memref<40x64xi32, #tpu.memory_space<vmem>> -> memref<1x64xi32, #tpu.memory_space<vmem>>
      %dma_wait3A_426 = tpu.memref_squeeze %dma_wait3A_425 : memref<1x64xi32, #tpu.memory_space<vmem>> -> memref<64xi32, #tpu.memory_space<vmem>>
      %dma_wait3A_427 = arith.constant 0 : i32
      %dma_wait3A_428 = arith.constant 0 : i32
      %dma_wait3A_429 = tpu.memref_slice %arg9[%dma_wait3A_427, %dma_wait3A_428] : memref<10240x128xf32, #tpu.memory_space<vmem_shared>> -> memref<10240x128xf32, #tpu.memory_space<vmem_shared>>
      tpu.wait_indirect_dma semaphore(%arg15 : memref<!tpu.dma_semaphore, #tpu.memory_space<semaphore_mem>>) src(%dma_wait3A_423 : memref<64x128xf32, #tpu.memory_space<vmem>>) dst(%dma_wait3A_429 : memref<10240x128xf32, #tpu.memory_space<vmem_shared>>)
      %add3A_430 = arith.constant 4 : i32
      %add3A_431 = arith.addi %add3A_418, %add3A_430 : i32
      %lt3A_432 = arith.constant 40 : i32
      %lt3A_433 = arith.cmpi slt, %add3A_431, %lt3A_432 : i32
      %convert_element_type3A_434 = arith.extui %lt3A_433 : i1 to i32
      %cond3A_435 = arith.constant 0 : i32
      %cond3A_436 = arith.cmpi ne, %convert_element_type3A_434, %cond3A_435 : i32
      scf.if %cond3A_436 {
        %add3A_481 = arith.constant 4 : i32
        %add3A_482 = arith.addi %add3A_418, %add3A_481 : i32
        %dma_start3A_483 = arith.constant 1 : i32
        %dma_start3A_484 = arith.constant 0 : i32
        %dma_start3A_485 = arith.constant 0 : i32
        %dma_start3A_486 = tpu.memref_slice %arg8[%dma_start3A_483, %dma_start3A_484, %dma_start3A_485] : memref<4x64x128xf32, #tpu.memory_space<vmem>> -> memref<1x64x128xf32, #tpu.memory_space<vmem>>
        %dma_start3A_487 = tpu.memref_squeeze %dma_start3A_486 : memref<1x64x128xf32, #tpu.memory_space<vmem>> -> memref<64x128xf32, #tpu.memory_space<vmem>>
        %dma_start3A_488 = arith.constant 0 : i32
        %dma_start3A_489 = tpu.memref_slice %arg6[%add3A_482, %dma_start3A_488] : memref<40x64xi32, #tpu.memory_space<vmem>> -> memref<1x64xi32, #tpu.memory_space<vmem>>
        %dma_start3A_490 = tpu.memref_squeeze %dma_start3A_489 : memref<1x64xi32, #tpu.memory_space<vmem>> -> memref<64xi32, #tpu.memory_space<vmem>>
        %dma_start3A_491 = arith.constant 0 : i32
        %dma_start3A_492 = arith.constant 0 : i32
        %dma_start3A_493 = tpu.memref_slice %arg2[%dma_start3A_491, %dma_start3A_492] : memref<10000x128xf32, #tpu.memory_space<hbm>> -> memref<10000x128xf32, #tpu.memory_space<hbm>>
        tpu.enqueue_indirect_dma source(%dma_start3A_493 : memref<10000x128xf32, #tpu.memory_space<hbm>>) target(%dma_start3A_487 : memref<64x128xf32, #tpu.memory_space<vmem>>) offsets(%dma_start3A_490 : memref<64xi32, #tpu.memory_space<vmem>>) semaphore(%arg11 : memref<!tpu.dma_semaphore, #tpu.memory_space<semaphore_mem>>)
      } else {
      }
      %mul3A_437 = arith.constant 4 : i32
      %mul3A_438 = arith.muli %scan3A_292, %mul3A_437 : i32
      %add3A_439 = arith.constant 2 : i32
      %add3A_440 = arith.addi %mul3A_438, %add3A_439 : i32
      %dma_wait3A_441 = arith.constant 2 : i32
      %dma_wait3A_442 = arith.constant 0 : i32
      %dma_wait3A_443 = arith.constant 0 : i32
      %dma_wait3A_444 = tpu.memref_slice %arg8[%dma_wait3A_441, %dma_wait3A_442, %dma_wait3A_443] : memref<4x64x128xf32, #tpu.memory_space<vmem>> -> memref<1x64x128xf32, #tpu.memory_space<vmem>>
      %dma_wait3A_445 = tpu.memref_squeeze %dma_wait3A_444 : memref<1x64x128xf32, #tpu.memory_space<vmem>> -> memref<64x128xf32, #tpu.memory_space<vmem>>
      %dma_wait3A_446 = arith.constant 0 : i32
      %dma_wait3A_447 = tpu.memref_slice %arg7[%add3A_440, %dma_wait3A_446] : memref<40x64xi32, #tpu.memory_space<vmem>> -> memref<1x64xi32, #tpu.memory_space<vmem>>
      %dma_wait3A_448 = tpu.memref_squeeze %dma_wait3A_447 : memref<1x64xi32, #tpu.memory_space<vmem>> -> memref<64xi32, #tpu.memory_space<vmem>>
      %dma_wait3A_449 = arith.constant 0 : i32
      %dma_wait3A_450 = arith.constant 0 : i32
      %dma_wait3A_451 = tpu.memref_slice %arg9[%dma_wait3A_449, %dma_wait3A_450] : memref<10240x128xf32, #tpu.memory_space<vmem_shared>> -> memref<10240x128xf32, #tpu.memory_space<vmem_shared>>
      tpu.wait_indirect_dma semaphore(%arg16 : memref<!tpu.dma_semaphore, #tpu.memory_space<semaphore_mem>>) src(%dma_wait3A_445 : memref<64x128xf32, #tpu.memory_space<vmem>>) dst(%dma_wait3A_451 : memref<10240x128xf32, #tpu.memory_space<vmem_shared>>)
      %add3A_452 = arith.constant 4 : i32
      %add3A_453 = arith.addi %add3A_440, %add3A_452 : i32
      %lt3A_454 = arith.constant 40 : i32
      %lt3A_455 = arith.cmpi slt, %add3A_453, %lt3A_454 : i32
      %convert_element_type3A_456 = arith.extui %lt3A_455 : i1 to i32
      %cond3A_457 = arith.constant 0 : i32
      %cond3A_458 = arith.cmpi ne, %convert_element_type3A_456, %cond3A_457 : i32
      scf.if %cond3A_458 {
        %add3A_481 = arith.constant 4 : i32
        %add3A_482 = arith.addi %add3A_440, %add3A_481 : i32
        %dma_start3A_483 = arith.constant 2 : i32
        %dma_start3A_484 = arith.constant 0 : i32
        %dma_start3A_485 = arith.constant 0 : i32
        %dma_start3A_486 = tpu.memref_slice %arg8[%dma_start3A_483, %dma_start3A_484, %dma_start3A_485] : memref<4x64x128xf32, #tpu.memory_space<vmem>> -> memref<1x64x128xf32, #tpu.memory_space<vmem>>
        %dma_start3A_487 = tpu.memref_squeeze %dma_start3A_486 : memref<1x64x128xf32, #tpu.memory_space<vmem>> -> memref<64x128xf32, #tpu.memory_space<vmem>>
        %dma_start3A_488 = arith.constant 0 : i32
        %dma_start3A_489 = tpu.memref_slice %arg6[%add3A_482, %dma_start3A_488] : memref<40x64xi32, #tpu.memory_space<vmem>> -> memref<1x64xi32, #tpu.memory_space<vmem>>
        %dma_start3A_490 = tpu.memref_squeeze %dma_start3A_489 : memref<1x64xi32, #tpu.memory_space<vmem>> -> memref<64xi32, #tpu.memory_space<vmem>>
        %dma_start3A_491 = arith.constant 0 : i32
        %dma_start3A_492 = arith.constant 0 : i32
        %dma_start3A_493 = tpu.memref_slice %arg2[%dma_start3A_491, %dma_start3A_492] : memref<10000x128xf32, #tpu.memory_space<hbm>> -> memref<10000x128xf32, #tpu.memory_space<hbm>>
        tpu.enqueue_indirect_dma source(%dma_start3A_493 : memref<10000x128xf32, #tpu.memory_space<hbm>>) target(%dma_start3A_487 : memref<64x128xf32, #tpu.memory_space<vmem>>) offsets(%dma_start3A_490 : memref<64xi32, #tpu.memory_space<vmem>>) semaphore(%arg12 : memref<!tpu.dma_semaphore, #tpu.memory_space<semaphore_mem>>)
      } else {
      }
      %mul3A_459 = arith.constant 4 : i32
      %mul3A_460 = arith.muli %scan3A_292, %mul3A_459 : i32
      %add3A_461 = arith.constant 3 : i32
      %add3A_462 = arith.addi %mul3A_460, %add3A_461 : i32
      %dma_wait3A_463 = arith.constant 3 : i32
      %dma_wait3A_464 = arith.constant 0 : i32
      %dma_wait3A_465 = arith.constant 0 : i32
      %dma_wait3A_466 = tpu.memref_slice %arg8[%dma_wait3A_463, %dma_wait3A_464, %dma_wait3A_465] : memref<4x64x128xf32, #tpu.memory_space<vmem>> -> memref<1x64x128xf32, #tpu.memory_space<vmem>>
      %dma_wait3A_467 = tpu.memref_squeeze %dma_wait3A_466 : memref<1x64x128xf32, #tpu.memory_space<vmem>> -> memref<64x128xf32, #tpu.memory_space<vmem>>
      %dma_wait3A_468 = arith.constant 0 : i32
      %dma_wait3A_469 = tpu.memref_slice %arg7[%add3A_462, %dma_wait3A_468] : memref<40x64xi32, #tpu.memory_space<vmem>> -> memref<1x64xi32, #tpu.memory_space<vmem>>
      %dma_wait3A_470 = tpu.memref_squeeze %dma_wait3A_469 : memref<1x64xi32, #tpu.memory_space<vmem>> -> memref<64xi32, #tpu.memory_space<vmem>>
      %dma_wait3A_471 = arith.constant 0 : i32
      %dma_wait3A_472 = arith.constant 0 : i32
      %dma_wait3A_473 = tpu.memref_slice %arg9[%dma_wait3A_471, %dma_wait3A_472] : memref<10240x128xf32, #tpu.memory_space<vmem_shared>> -> memref<10240x128xf32, #tpu.memory_space<vmem_shared>>
      tpu.wait_indirect_dma semaphore(%arg17 : memref<!tpu.dma_semaphore, #tpu.memory_space<semaphore_mem>>) src(%dma_wait3A_467 : memref<64x128xf32, #tpu.memory_space<vmem>>) dst(%dma_wait3A_473 : memref<10240x128xf32, #tpu.memory_space<vmem_shared>>)
      %add3A_474 = arith.constant 4 : i32
      %add3A_475 = arith.addi %add3A_462, %add3A_474 : i32
      %lt3A_476 = arith.constant 40 : i32
      %lt3A_477 = arith.cmpi slt, %add3A_475, %lt3A_476 : i32
      %convert_element_type3A_478 = arith.extui %lt3A_477 : i1 to i32
      %cond3A_479 = arith.constant 0 : i32
      %cond3A_480 = arith.cmpi ne, %convert_element_type3A_478, %cond3A_479 : i32
      scf.if %cond3A_480 {
        %add3A_481 = arith.constant 4 : i32
        %add3A_482 = arith.addi %add3A_462, %add3A_481 : i32
        %dma_start3A_483 = arith.constant 3 : i32
        %dma_start3A_484 = arith.constant 0 : i32
        %dma_start3A_485 = arith.constant 0 : i32
        %dma_start3A_486 = tpu.memref_slice %arg8[%dma_start3A_483, %dma_start3A_484, %dma_start3A_485] : memref<4x64x128xf32, #tpu.memory_space<vmem>> -> memref<1x64x128xf32, #tpu.memory_space<vmem>>
        %dma_start3A_487 = tpu.memref_squeeze %dma_start3A_486 : memref<1x64x128xf32, #tpu.memory_space<vmem>> -> memref<64x128xf32, #tpu.memory_space<vmem>>
        %dma_start3A_488 = arith.constant 0 : i32
        %dma_start3A_489 = tpu.memref_slice %arg6[%add3A_482, %dma_start3A_488] : memref<40x64xi32, #tpu.memory_space<vmem>> -> memref<1x64xi32, #tpu.memory_space<vmem>>
        %dma_start3A_490 = tpu.memref_squeeze %dma_start3A_489 : memref<1x64xi32, #tpu.memory_space<vmem>> -> memref<64xi32, #tpu.memory_space<vmem>>
        %dma_start3A_491 = arith.constant 0 : i32
        %dma_start3A_492 = arith.constant 0 : i32
        %dma_start3A_493 = tpu.memref_slice %arg2[%dma_start3A_491, %dma_start3A_492] : memref<10000x128xf32, #tpu.memory_space<hbm>> -> memref<10000x128xf32, #tpu.memory_space<hbm>>
        tpu.enqueue_indirect_dma source(%dma_start3A_493 : memref<10000x128xf32, #tpu.memory_space<hbm>>) target(%dma_start3A_487 : memref<64x128xf32, #tpu.memory_space<vmem>>) offsets(%dma_start3A_490 : memref<64xi32, #tpu.memory_space<vmem>>) semaphore(%arg13 : memref<!tpu.dma_semaphore, #tpu.memory_space<semaphore_mem>>)
      } else {
      }
    }
    %scan3A_112 = arith.constant 10 : i32
    %mul3A_113 = arith.constant 160 : i32
    %mul3A_114 = arith.muli %add3A, %mul3A_113 : i32
    %add3A_115 = arith.constant 40 : i32
    %add3A_116 = arith.addi %mul3A_114, %add3A_115 : i32
    "tpu.region"() ({
      %run_scoped3A_292 = tpu.sem_alloc : memref<!tpu.dma_semaphore, #tpu.memory_space<semaphore_mem>>
      %dma_start3A_293 = arith.constant 0 : i32
      %dma_start3A_294 = tpu.memref_slice %arg3[%add3A_116, %dma_start3A_293] : memref<5120x64xi32, #tpu.memory_space<hbm>> -> memref<40x64xi32, #tpu.memory_space<hbm>>
      %dma_start3A_295 = arith.constant 0 : i32
      %dma_start3A_296 = tpu.memref_slice %arg3[%add3A_116, %dma_start3A_295] : memref<5120x64xi32, #tpu.memory_space<hbm>> -> memref<40x64xi32, #tpu.memory_space<hbm>>
      tpu.enqueue_dma source(%dma_start3A_296 : memref<40x64xi32, #tpu.memory_space<hbm>>) target(%arg6 : memref<40x64xi32, #tpu.memory_space<vmem>>) target_semaphore(%run_scoped3A_292 : memref<!tpu.dma_semaphore, #tpu.memory_space<semaphore_mem>>)
      %dma_wait3A = arith.constant 0 : i32
      %dma_wait3A_297 = tpu.memref_slice %arg3[%add3A_116, %dma_wait3A] : memref<5120x64xi32, #tpu.memory_space<hbm>> -> memref<40x64xi32, #tpu.memory_space<hbm>>
      %dma_wait3A_298 = arith.constant 0 : i32
      %dma_wait3A_299 = tpu.memref_slice %arg3[%add3A_116, %dma_wait3A_298] : memref<5120x64xi32, #tpu.memory_space<hbm>> -> memref<40x64xi32, #tpu.memory_space<hbm>>
      tpu.wait_dma2 semaphore(%run_scoped3A_292 : memref<!tpu.dma_semaphore, #tpu.memory_space<semaphore_mem>>) src(%dma_wait3A_299 : memref<40x64xi32, #tpu.memory_space<hbm>>) dst(%arg6 : memref<40x64xi32, #tpu.memory_space<vmem>>)
      tpu.yield
    }) : () -> ()
    "tpu.region"() ({
      %run_scoped3A_292 = tpu.sem_alloc : memref<!tpu.dma_semaphore, #tpu.memory_space<semaphore_mem>>
      %dma_start3A_293 = arith.constant 0 : i32
      %dma_start3A_294 = tpu.memref_slice %arg4[%add3A_116, %dma_start3A_293] : memref<5120x64xi32, #tpu.memory_space<hbm>> -> memref<40x64xi32, #tpu.memory_space<hbm>>
      %dma_start3A_295 = arith.constant 0 : i32
      %dma_start3A_296 = tpu.memref_slice %arg4[%add3A_116, %dma_start3A_295] : memref<5120x64xi32, #tpu.memory_space<hbm>> -> memref<40x64xi32, #tpu.memory_space<hbm>>
      tpu.enqueue_dma source(%dma_start3A_296 : memref<40x64xi32, #tpu.memory_space<hbm>>) target(%arg7 : memref<40x64xi32, #tpu.memory_space<vmem>>) target_semaphore(%run_scoped3A_292 : memref<!tpu.dma_semaphore, #tpu.memory_space<semaphore_mem>>)
      %dma_wait3A = arith.constant 0 : i32
      %dma_wait3A_297 = tpu.memref_slice %arg4[%add3A_116, %dma_wait3A] : memref<5120x64xi32, #tpu.memory_space<hbm>> -> memref<40x64xi32, #tpu.memory_space<hbm>>
      %dma_wait3A_298 = arith.constant 0 : i32
      %dma_wait3A_299 = tpu.memref_slice %arg4[%add3A_116, %dma_wait3A_298] : memref<5120x64xi32, #tpu.memory_space<hbm>> -> memref<40x64xi32, #tpu.memory_space<hbm>>
      tpu.wait_dma2 semaphore(%run_scoped3A_292 : memref<!tpu.dma_semaphore, #tpu.memory_space<semaphore_mem>>) src(%dma_wait3A_299 : memref<40x64xi32, #tpu.memory_space<hbm>>) dst(%arg7 : memref<40x64xi32, #tpu.memory_space<vmem>>)
      tpu.yield
    }) : () -> ()
    %dma_start3A_117 = arith.constant 0 : i32
    %dma_start3A_118 = arith.constant 0 : i32
    %dma_start3A_119 = arith.constant 0 : i32
    %dma_start3A_120 = arith.constant 0 : i32
    %dma_start3A_121 = tpu.memref_slice %arg8[%dma_start3A_118, %dma_start3A_119, %dma_start3A_120] : memref<4x64x128xf32, #tpu.memory_space<vmem>> -> memref<1x64x128xf32, #tpu.memory_space<vmem>>
    %dma_start3A_122 = tpu.memref_squeeze %dma_start3A_121 : memref<1x64x128xf32, #tpu.memory_space<vmem>> -> memref<64x128xf32, #tpu.memory_space<vmem>>
    %dma_start3A_123 = arith.constant 0 : i32
    %dma_start3A_124 = tpu.memref_slice %arg6[%dma_start3A_117, %dma_start3A_123] : memref<40x64xi32, #tpu.memory_space<vmem>> -> memref<1x64xi32, #tpu.memory_space<vmem>>
    %dma_start3A_125 = tpu.memref_squeeze %dma_start3A_124 : memref<1x64xi32, #tpu.memory_space<vmem>> -> memref<64xi32, #tpu.memory_space<vmem>>
    %dma_start3A_126 = arith.constant 0 : i32
    %dma_start3A_127 = arith.constant 0 : i32
    %dma_start3A_128 = tpu.memref_slice %arg2[%dma_start3A_126, %dma_start3A_127] : memref<10000x128xf32, #tpu.memory_space<hbm>> -> memref<10000x128xf32, #tpu.memory_space<hbm>>
    tpu.enqueue_indirect_dma source(%dma_start3A_128 : memref<10000x128xf32, #tpu.memory_space<hbm>>) target(%dma_start3A_122 : memref<64x128xf32, #tpu.memory_space<vmem>>) offsets(%dma_start3A_125 : memref<64xi32, #tpu.memory_space<vmem>>) semaphore(%arg10 : memref<!tpu.dma_semaphore, #tpu.memory_space<semaphore_mem>>)
    %dma_start3A_129 = arith.constant 1 : i32
    %dma_start3A_130 = arith.constant 1 : i32
    %dma_start3A_131 = arith.constant 0 : i32
    %dma_start3A_132 = arith.constant 0 : i32
    %dma_start3A_133 = tpu.memref_slice %arg8[%dma_start3A_130, %dma_start3A_131, %dma_start3A_132] : memref<4x64x128xf32, #tpu.memory_space<vmem>> -> memref<1x64x128xf32, #tpu.memory_space<vmem>>
    %dma_start3A_134 = tpu.memref_squeeze %dma_start3A_133 : memref<1x64x128xf32, #tpu.memory_space<vmem>> -> memref<64x128xf32, #tpu.memory_space<vmem>>
    %dma_start3A_135 = arith.constant 0 : i32
    %dma_start3A_136 = tpu.memref_slice %arg6[%dma_start3A_129, %dma_start3A_135] : memref<40x64xi32, #tpu.memory_space<vmem>> -> memref<1x64xi32, #tpu.memory_space<vmem>>
    %dma_start3A_137 = tpu.memref_squeeze %dma_start3A_136 : memref<1x64xi32, #tpu.memory_space<vmem>> -> memref<64xi32, #tpu.memory_space<vmem>>
    %dma_start3A_138 = arith.constant 0 : i32
    %dma_start3A_139 = arith.constant 0 : i32
    %dma_start3A_140 = tpu.memref_slice %arg2[%dma_start3A_138, %dma_start3A_139] : memref<10000x128xf32, #tpu.memory_space<hbm>> -> memref<10000x128xf32, #tpu.memory_space<hbm>>
    tpu.enqueue_indirect_dma source(%dma_start3A_140 : memref<10000x128xf32, #tpu.memory_space<hbm>>) target(%dma_start3A_134 : memref<64x128xf32, #tpu.memory_space<vmem>>) offsets(%dma_start3A_137 : memref<64xi32, #tpu.memory_space<vmem>>) semaphore(%arg11 : memref<!tpu.dma_semaphore, #tpu.memory_space<semaphore_mem>>)
    %dma_start3A_141 = arith.constant 2 : i32
    %dma_start3A_142 = arith.constant 2 : i32
    %dma_start3A_143 = arith.constant 0 : i32
    %dma_start3A_144 = arith.constant 0 : i32
    %dma_start3A_145 = tpu.memref_slice %arg8[%dma_start3A_142, %dma_start3A_143, %dma_start3A_144] : memref<4x64x128xf32, #tpu.memory_space<vmem>> -> memref<1x64x128xf32, #tpu.memory_space<vmem>>
    %dma_start3A_146 = tpu.memref_squeeze %dma_start3A_145 : memref<1x64x128xf32, #tpu.memory_space<vmem>> -> memref<64x128xf32, #tpu.memory_space<vmem>>
    %dma_start3A_147 = arith.constant 0 : i32
    %dma_start3A_148 = tpu.memref_slice %arg6[%dma_start3A_141, %dma_start3A_147] : memref<40x64xi32, #tpu.memory_space<vmem>> -> memref<1x64xi32, #tpu.memory_space<vmem>>
    %dma_start3A_149 = tpu.memref_squeeze %dma_start3A_148 : memref<1x64xi32, #tpu.memory_space<vmem>> -> memref<64xi32, #tpu.memory_space<vmem>>
    %dma_start3A_150 = arith.constant 0 : i32
    %dma_start3A_151 = arith.constant 0 : i32
    %dma_start3A_152 = tpu.memref_slice %arg2[%dma_start3A_150, %dma_start3A_151] : memref<10000x128xf32, #tpu.memory_space<hbm>> -> memref<10000x128xf32, #tpu.memory_space<hbm>>
    tpu.enqueue_indirect_dma source(%dma_start3A_152 : memref<10000x128xf32, #tpu.memory_space<hbm>>) target(%dma_start3A_146 : memref<64x128xf32, #tpu.memory_space<vmem>>) offsets(%dma_start3A_149 : memref<64xi32, #tpu.memory_space<vmem>>) semaphore(%arg12 : memref<!tpu.dma_semaphore, #tpu.memory_space<semaphore_mem>>)
    %dma_start3A_153 = arith.constant 3 : i32
    %dma_start3A_154 = arith.constant 3 : i32
    %dma_start3A_155 = arith.constant 0 : i32
    %dma_start3A_156 = arith.constant 0 : i32
    %dma_start3A_157 = tpu.memref_slice %arg8[%dma_start3A_154, %dma_start3A_155, %dma_start3A_156] : memref<4x64x128xf32, #tpu.memory_space<vmem>> -> memref<1x64x128xf32, #tpu.memory_space<vmem>>
    %dma_start3A_158 = tpu.memref_squeeze %dma_start3A_157 : memref<1x64x128xf32, #tpu.memory_space<vmem>> -> memref<64x128xf32, #tpu.memory_space<vmem>>
    %dma_start3A_159 = arith.constant 0 : i32
    %dma_start3A_160 = tpu.memref_slice %arg6[%dma_start3A_153, %dma_start3A_159] : memref<40x64xi32, #tpu.memory_space<vmem>> -> memref<1x64xi32, #tpu.memory_space<vmem>>
    %dma_start3A_161 = tpu.memref_squeeze %dma_start3A_160 : memref<1x64xi32, #tpu.memory_space<vmem>> -> memref<64xi32, #tpu.memory_space<vmem>>
    %dma_start3A_162 = arith.constant 0 : i32
    %dma_start3A_163 = arith.constant 0 : i32
    %dma_start3A_164 = tpu.memref_slice %arg2[%dma_start3A_162, %dma_start3A_163] : memref<10000x128xf32, #tpu.memory_space<hbm>> -> memref<10000x128xf32, #tpu.memory_space<hbm>>
    tpu.enqueue_indirect_dma source(%dma_start3A_164 : memref<10000x128xf32, #tpu.memory_space<hbm>>) target(%dma_start3A_158 : memref<64x128xf32, #tpu.memory_space<vmem>>) offsets(%dma_start3A_161 : memref<64xi32, #tpu.memory_space<vmem>>) semaphore(%arg13 : memref<!tpu.dma_semaphore, #tpu.memory_space<semaphore_mem>>)
    %scan3A_165 = arith.constant 0 : i32
    %scan3A_166 = arith.constant 0 : i32
    %scan3A_167 = arith.constant 10 : i32
    %scan3A_168 = arith.addi %scan3A_166, %scan3A_167 : i32
    %scan3A_169 = arith.constant 1 : i32
    scf.for %scan3A_292 = %scan3A_166 to %scan3A_168 step %scan3A_169  : i32 {
      %mul3A_293 = arith.constant 4 : i32
      %mul3A_294 = arith.muli %scan3A_292, %mul3A_293 : i32
      %add3A_295 = arith.constant 0 : i32
      %add3A_296 = arith.addi %mul3A_294, %add3A_295 : i32
      %dma_wait3A = arith.constant 0 : i32
      %dma_wait3A_297 = arith.constant 0 : i32
      %dma_wait3A_298 = arith.constant 0 : i32
      %dma_wait3A_299 = tpu.memref_slice %arg8[%dma_wait3A, %dma_wait3A_297, %dma_wait3A_298] : memref<4x64x128xf32, #tpu.memory_space<vmem>> -> memref<1x64x128xf32, #tpu.memory_space<vmem>>
      %dma_wait3A_300 = tpu.memref_squeeze %dma_wait3A_299 : memref<1x64x128xf32, #tpu.memory_space<vmem>> -> memref<64x128xf32, #tpu.memory_space<vmem>>
      %dma_wait3A_301 = arith.constant 0 : i32
      %dma_wait3A_302 = tpu.memref_slice %arg6[%add3A_296, %dma_wait3A_301] : memref<40x64xi32, #tpu.memory_space<vmem>> -> memref<1x64xi32, #tpu.memory_space<vmem>>
      %dma_wait3A_303 = tpu.memref_squeeze %dma_wait3A_302 : memref<1x64xi32, #tpu.memory_space<vmem>> -> memref<64xi32, #tpu.memory_space<vmem>>
      %dma_wait3A_304 = arith.constant 0 : i32
      %dma_wait3A_305 = arith.constant 0 : i32
      %dma_wait3A_306 = tpu.memref_slice %arg2[%dma_wait3A_304, %dma_wait3A_305] : memref<10000x128xf32, #tpu.memory_space<hbm>> -> memref<10000x128xf32, #tpu.memory_space<hbm>>
      tpu.wait_indirect_dma semaphore(%arg10 : memref<!tpu.dma_semaphore, #tpu.memory_space<semaphore_mem>>) src(%dma_wait3A_306 : memref<10000x128xf32, #tpu.memory_space<hbm>>) dst(%dma_wait3A_300 : memref<64x128xf32, #tpu.memory_space<vmem>>)
      %dma_start3A_307 = arith.constant 0 : i32
      %dma_start3A_308 = arith.constant 0 : i32
      %dma_start3A_309 = arith.constant 0 : i32
      %dma_start3A_310 = tpu.memref_slice %arg8[%dma_start3A_307, %dma_start3A_308, %dma_start3A_309] : memref<4x64x128xf32, #tpu.memory_space<vmem>> -> memref<1x64x128xf32, #tpu.memory_space<vmem>>
      %dma_start3A_311 = tpu.memref_squeeze %dma_start3A_310 : memref<1x64x128xf32, #tpu.memory_space<vmem>> -> memref<64x128xf32, #tpu.memory_space<vmem>>
      %dma_start3A_312 = arith.constant 0 : i32
      %dma_start3A_313 = tpu.memref_slice %arg7[%add3A_296, %dma_start3A_312] : memref<40x64xi32, #tpu.memory_space<vmem>> -> memref<1x64xi32, #tpu.memory_space<vmem>>
      %dma_start3A_314 = tpu.memref_squeeze %dma_start3A_313 : memref<1x64xi32, #tpu.memory_space<vmem>> -> memref<64xi32, #tpu.memory_space<vmem>>
      %dma_start3A_315 = arith.constant 0 : i32
      %dma_start3A_316 = arith.constant 0 : i32
      %dma_start3A_317 = tpu.memref_slice %arg9[%dma_start3A_315, %dma_start3A_316] : memref<10240x128xf32, #tpu.memory_space<vmem_shared>> -> memref<10240x128xf32, #tpu.memory_space<vmem_shared>>
      tpu.enqueue_indirect_dma source(%dma_start3A_311 : memref<64x128xf32, #tpu.memory_space<vmem>>) target(%dma_start3A_317 : memref<10240x128xf32, #tpu.memory_space<vmem_shared>>) offsets(%dma_start3A_314 : memref<64xi32, #tpu.memory_space<vmem>>) semaphore(%arg14 : memref<!tpu.dma_semaphore, #tpu.memory_space<semaphore_mem>>) {add = true}
      %mul3A_318 = arith.constant 4 : i32
      %mul3A_319 = arith.muli %scan3A_292, %mul3A_318 : i32
      %add3A_320 = arith.constant 1 : i32
      %add3A_321 = arith.addi %mul3A_319, %add3A_320 : i32
      %dma_wait3A_322 = arith.constant 1 : i32
      %dma_wait3A_323 = arith.constant 0 : i32
      %dma_wait3A_324 = arith.constant 0 : i32
      %dma_wait3A_325 = tpu.memref_slice %arg8[%dma_wait3A_322, %dma_wait3A_323, %dma_wait3A_324] : memref<4x64x128xf32, #tpu.memory_space<vmem>> -> memref<1x64x128xf32, #tpu.memory_space<vmem>>
      %dma_wait3A_326 = tpu.memref_squeeze %dma_wait3A_325 : memref<1x64x128xf32, #tpu.memory_space<vmem>> -> memref<64x128xf32, #tpu.memory_space<vmem>>
      %dma_wait3A_327 = arith.constant 0 : i32
      %dma_wait3A_328 = tpu.memref_slice %arg6[%add3A_321, %dma_wait3A_327] : memref<40x64xi32, #tpu.memory_space<vmem>> -> memref<1x64xi32, #tpu.memory_space<vmem>>
      %dma_wait3A_329 = tpu.memref_squeeze %dma_wait3A_328 : memref<1x64xi32, #tpu.memory_space<vmem>> -> memref<64xi32, #tpu.memory_space<vmem>>
      %dma_wait3A_330 = arith.constant 0 : i32
      %dma_wait3A_331 = arith.constant 0 : i32
      %dma_wait3A_332 = tpu.memref_slice %arg2[%dma_wait3A_330, %dma_wait3A_331] : memref<10000x128xf32, #tpu.memory_space<hbm>> -> memref<10000x128xf32, #tpu.memory_space<hbm>>
      tpu.wait_indirect_dma semaphore(%arg11 : memref<!tpu.dma_semaphore, #tpu.memory_space<semaphore_mem>>) src(%dma_wait3A_332 : memref<10000x128xf32, #tpu.memory_space<hbm>>) dst(%dma_wait3A_326 : memref<64x128xf32, #tpu.memory_space<vmem>>)
      %dma_start3A_333 = arith.constant 1 : i32
      %dma_start3A_334 = arith.constant 0 : i32
      %dma_start3A_335 = arith.constant 0 : i32
      %dma_start3A_336 = tpu.memref_slice %arg8[%dma_start3A_333, %dma_start3A_334, %dma_start3A_335] : memref<4x64x128xf32, #tpu.memory_space<vmem>> -> memref<1x64x128xf32, #tpu.memory_space<vmem>>
      %dma_start3A_337 = tpu.memref_squeeze %dma_start3A_336 : memref<1x64x128xf32, #tpu.memory_space<vmem>> -> memref<64x128xf32, #tpu.memory_space<vmem>>
      %dma_start3A_338 = arith.constant 0 : i32
      %dma_start3A_339 = tpu.memref_slice %arg7[%add3A_321, %dma_start3A_338] : memref<40x64xi32, #tpu.memory_space<vmem>> -> memref<1x64xi32, #tpu.memory_space<vmem>>
      %dma_start3A_340 = tpu.memref_squeeze %dma_start3A_339 : memref<1x64xi32, #tpu.memory_space<vmem>> -> memref<64xi32, #tpu.memory_space<vmem>>
      %dma_start3A_341 = arith.constant 0 : i32
      %dma_start3A_342 = arith.constant 0 : i32
      %dma_start3A_343 = tpu.memref_slice %arg9[%dma_start3A_341, %dma_start3A_342] : memref<10240x128xf32, #tpu.memory_space<vmem_shared>> -> memref<10240x128xf32, #tpu.memory_space<vmem_shared>>
      tpu.enqueue_indirect_dma source(%dma_start3A_337 : memref<64x128xf32, #tpu.memory_space<vmem>>) target(%dma_start3A_343 : memref<10240x128xf32, #tpu.memory_space<vmem_shared>>) offsets(%dma_start3A_340 : memref<64xi32, #tpu.memory_space<vmem>>) semaphore(%arg15 : memref<!tpu.dma_semaphore, #tpu.memory_space<semaphore_mem>>) {add = true}
      %mul3A_344 = arith.constant 4 : i32
      %mul3A_345 = arith.muli %scan3A_292, %mul3A_344 : i32
      %add3A_346 = arith.constant 2 : i32
      %add3A_347 = arith.addi %mul3A_345, %add3A_346 : i32
      %dma_wait3A_348 = arith.constant 2 : i32
      %dma_wait3A_349 = arith.constant 0 : i32
      %dma_wait3A_350 = arith.constant 0 : i32
      %dma_wait3A_351 = tpu.memref_slice %arg8[%dma_wait3A_348, %dma_wait3A_349, %dma_wait3A_350] : memref<4x64x128xf32, #tpu.memory_space<vmem>> -> memref<1x64x128xf32, #tpu.memory_space<vmem>>
      %dma_wait3A_352 = tpu.memref_squeeze %dma_wait3A_351 : memref<1x64x128xf32, #tpu.memory_space<vmem>> -> memref<64x128xf32, #tpu.memory_space<vmem>>
      %dma_wait3A_353 = arith.constant 0 : i32
      %dma_wait3A_354 = tpu.memref_slice %arg6[%add3A_347, %dma_wait3A_353] : memref<40x64xi32, #tpu.memory_space<vmem>> -> memref<1x64xi32, #tpu.memory_space<vmem>>
      %dma_wait3A_355 = tpu.memref_squeeze %dma_wait3A_354 : memref<1x64xi32, #tpu.memory_space<vmem>> -> memref<64xi32, #tpu.memory_space<vmem>>
      %dma_wait3A_356 = arith.constant 0 : i32
      %dma_wait3A_357 = arith.constant 0 : i32
      %dma_wait3A_358 = tpu.memref_slice %arg2[%dma_wait3A_356, %dma_wait3A_357] : memref<10000x128xf32, #tpu.memory_space<hbm>> -> memref<10000x128xf32, #tpu.memory_space<hbm>>
      tpu.wait_indirect_dma semaphore(%arg12 : memref<!tpu.dma_semaphore, #tpu.memory_space<semaphore_mem>>) src(%dma_wait3A_358 : memref<10000x128xf32, #tpu.memory_space<hbm>>) dst(%dma_wait3A_352 : memref<64x128xf32, #tpu.memory_space<vmem>>)
      %dma_start3A_359 = arith.constant 2 : i32
      %dma_start3A_360 = arith.constant 0 : i32
      %dma_start3A_361 = arith.constant 0 : i32
      %dma_start3A_362 = tpu.memref_slice %arg8[%dma_start3A_359, %dma_start3A_360, %dma_start3A_361] : memref<4x64x128xf32, #tpu.memory_space<vmem>> -> memref<1x64x128xf32, #tpu.memory_space<vmem>>
      %dma_start3A_363 = tpu.memref_squeeze %dma_start3A_362 : memref<1x64x128xf32, #tpu.memory_space<vmem>> -> memref<64x128xf32, #tpu.memory_space<vmem>>
      %dma_start3A_364 = arith.constant 0 : i32
      %dma_start3A_365 = tpu.memref_slice %arg7[%add3A_347, %dma_start3A_364] : memref<40x64xi32, #tpu.memory_space<vmem>> -> memref<1x64xi32, #tpu.memory_space<vmem>>
      %dma_start3A_366 = tpu.memref_squeeze %dma_start3A_365 : memref<1x64xi32, #tpu.memory_space<vmem>> -> memref<64xi32, #tpu.memory_space<vmem>>
      %dma_start3A_367 = arith.constant 0 : i32
      %dma_start3A_368 = arith.constant 0 : i32
      %dma_start3A_369 = tpu.memref_slice %arg9[%dma_start3A_367, %dma_start3A_368] : memref<10240x128xf32, #tpu.memory_space<vmem_shared>> -> memref<10240x128xf32, #tpu.memory_space<vmem_shared>>
      tpu.enqueue_indirect_dma source(%dma_start3A_363 : memref<64x128xf32, #tpu.memory_space<vmem>>) target(%dma_start3A_369 : memref<10240x128xf32, #tpu.memory_space<vmem_shared>>) offsets(%dma_start3A_366 : memref<64xi32, #tpu.memory_space<vmem>>) semaphore(%arg16 : memref<!tpu.dma_semaphore, #tpu.memory_space<semaphore_mem>>) {add = true}
      %mul3A_370 = arith.constant 4 : i32
      %mul3A_371 = arith.muli %scan3A_292, %mul3A_370 : i32
      %add3A_372 = arith.constant 3 : i32
      %add3A_373 = arith.addi %mul3A_371, %add3A_372 : i32
      %dma_wait3A_374 = arith.constant 3 : i32
      %dma_wait3A_375 = arith.constant 0 : i32
      %dma_wait3A_376 = arith.constant 0 : i32
      %dma_wait3A_377 = tpu.memref_slice %arg8[%dma_wait3A_374, %dma_wait3A_375, %dma_wait3A_376] : memref<4x64x128xf32, #tpu.memory_space<vmem>> -> memref<1x64x128xf32, #tpu.memory_space<vmem>>
      %dma_wait3A_378 = tpu.memref_squeeze %dma_wait3A_377 : memref<1x64x128xf32, #tpu.memory_space<vmem>> -> memref<64x128xf32, #tpu.memory_space<vmem>>
      %dma_wait3A_379 = arith.constant 0 : i32
      %dma_wait3A_380 = tpu.memref_slice %arg6[%add3A_373, %dma_wait3A_379] : memref<40x64xi32, #tpu.memory_space<vmem>> -> memref<1x64xi32, #tpu.memory_space<vmem>>
      %dma_wait3A_381 = tpu.memref_squeeze %dma_wait3A_380 : memref<1x64xi32, #tpu.memory_space<vmem>> -> memref<64xi32, #tpu.memory_space<vmem>>
      %dma_wait3A_382 = arith.constant 0 : i32
      %dma_wait3A_383 = arith.constant 0 : i32
      %dma_wait3A_384 = tpu.memref_slice %arg2[%dma_wait3A_382, %dma_wait3A_383] : memref<10000x128xf32, #tpu.memory_space<hbm>> -> memref<10000x128xf32, #tpu.memory_space<hbm>>
      tpu.wait_indirect_dma semaphore(%arg13 : memref<!tpu.dma_semaphore, #tpu.memory_space<semaphore_mem>>) src(%dma_wait3A_384 : memref<10000x128xf32, #tpu.memory_space<hbm>>) dst(%dma_wait3A_378 : memref<64x128xf32, #tpu.memory_space<vmem>>)
      %dma_start3A_385 = arith.constant 3 : i32
      %dma_start3A_386 = arith.constant 0 : i32
      %dma_start3A_387 = arith.constant 0 : i32
      %dma_start3A_388 = tpu.memref_slice %arg8[%dma_start3A_385, %dma_start3A_386, %dma_start3A_387] : memref<4x64x128xf32, #tpu.memory_space<vmem>> -> memref<1x64x128xf32, #tpu.memory_space<vmem>>
      %dma_start3A_389 = tpu.memref_squeeze %dma_start3A_388 : memref<1x64x128xf32, #tpu.memory_space<vmem>> -> memref<64x128xf32, #tpu.memory_space<vmem>>
      %dma_start3A_390 = arith.constant 0 : i32
      %dma_start3A_391 = tpu.memref_slice %arg7[%add3A_373, %dma_start3A_390] : memref<40x64xi32, #tpu.memory_space<vmem>> -> memref<1x64xi32, #tpu.memory_space<vmem>>
      %dma_start3A_392 = tpu.memref_squeeze %dma_start3A_391 : memref<1x64xi32, #tpu.memory_space<vmem>> -> memref<64xi32, #tpu.memory_space<vmem>>
      %dma_start3A_393 = arith.constant 0 : i32
      %dma_start3A_394 = arith.constant 0 : i32
      %dma_start3A_395 = tpu.memref_slice %arg9[%dma_start3A_393, %dma_start3A_394] : memref<10240x128xf32, #tpu.memory_space<vmem_shared>> -> memref<10240x128xf32, #tpu.memory_space<vmem_shared>>
      tpu.enqueue_indirect_dma source(%dma_start3A_389 : memref<64x128xf32, #tpu.memory_space<vmem>>) target(%dma_start3A_395 : memref<10240x128xf32, #tpu.memory_space<vmem_shared>>) offsets(%dma_start3A_392 : memref<64xi32, #tpu.memory_space<vmem>>) semaphore(%arg17 : memref<!tpu.dma_semaphore, #tpu.memory_space<semaphore_mem>>) {add = true}
      %mul3A_396 = arith.constant 4 : i32
      %mul3A_397 = arith.muli %scan3A_292, %mul3A_396 : i32
      %add3A_398 = arith.constant 0 : i32
      %add3A_399 = arith.addi %mul3A_397, %add3A_398 : i32
      %dma_wait3A_400 = arith.constant 0 : i32
      %dma_wait3A_401 = arith.constant 0 : i32
      %dma_wait3A_402 = arith.constant 0 : i32
      %dma_wait3A_403 = tpu.memref_slice %arg8[%dma_wait3A_400, %dma_wait3A_401, %dma_wait3A_402] : memref<4x64x128xf32, #tpu.memory_space<vmem>> -> memref<1x64x128xf32, #tpu.memory_space<vmem>>
      %dma_wait3A_404 = tpu.memref_squeeze %dma_wait3A_403 : memref<1x64x128xf32, #tpu.memory_space<vmem>> -> memref<64x128xf32, #tpu.memory_space<vmem>>
      %dma_wait3A_405 = arith.constant 0 : i32
      %dma_wait3A_406 = tpu.memref_slice %arg7[%add3A_399, %dma_wait3A_405] : memref<40x64xi32, #tpu.memory_space<vmem>> -> memref<1x64xi32, #tpu.memory_space<vmem>>
      %dma_wait3A_407 = tpu.memref_squeeze %dma_wait3A_406 : memref<1x64xi32, #tpu.memory_space<vmem>> -> memref<64xi32, #tpu.memory_space<vmem>>
      %dma_wait3A_408 = arith.constant 0 : i32
      %dma_wait3A_409 = arith.constant 0 : i32
      %dma_wait3A_410 = tpu.memref_slice %arg9[%dma_wait3A_408, %dma_wait3A_409] : memref<10240x128xf32, #tpu.memory_space<vmem_shared>> -> memref<10240x128xf32, #tpu.memory_space<vmem_shared>>
      tpu.wait_indirect_dma semaphore(%arg14 : memref<!tpu.dma_semaphore, #tpu.memory_space<semaphore_mem>>) src(%dma_wait3A_404 : memref<64x128xf32, #tpu.memory_space<vmem>>) dst(%dma_wait3A_410 : memref<10240x128xf32, #tpu.memory_space<vmem_shared>>)
      %add3A_411 = arith.constant 4 : i32
      %add3A_412 = arith.addi %add3A_399, %add3A_411 : i32
      %lt3A = arith.constant 40 : i32
      %lt3A_413 = arith.cmpi slt, %add3A_412, %lt3A : i32
      %convert_element_type3A = arith.extui %lt3A_413 : i1 to i32
      %cond3A = arith.constant 0 : i32
      %cond3A_414 = arith.cmpi ne, %convert_element_type3A, %cond3A : i32
      scf.if %cond3A_414 {
        %add3A_481 = arith.constant 4 : i32
        %add3A_482 = arith.addi %add3A_399, %add3A_481 : i32
        %dma_start3A_483 = arith.constant 0 : i32
        %dma_start3A_484 = arith.constant 0 : i32
        %dma_start3A_485 = arith.constant 0 : i32
        %dma_start3A_486 = tpu.memref_slice %arg8[%dma_start3A_483, %dma_start3A_484, %dma_start3A_485] : memref<4x64x128xf32, #tpu.memory_space<vmem>> -> memref<1x64x128xf32, #tpu.memory_space<vmem>>
        %dma_start3A_487 = tpu.memref_squeeze %dma_start3A_486 : memref<1x64x128xf32, #tpu.memory_space<vmem>> -> memref<64x128xf32, #tpu.memory_space<vmem>>
        %dma_start3A_488 = arith.constant 0 : i32
        %dma_start3A_489 = tpu.memref_slice %arg6[%add3A_482, %dma_start3A_488] : memref<40x64xi32, #tpu.memory_space<vmem>> -> memref<1x64xi32, #tpu.memory_space<vmem>>
        %dma_start3A_490 = tpu.memref_squeeze %dma_start3A_489 : memref<1x64xi32, #tpu.memory_space<vmem>> -> memref<64xi32, #tpu.memory_space<vmem>>
        %dma_start3A_491 = arith.constant 0 : i32
        %dma_start3A_492 = arith.constant 0 : i32
        %dma_start3A_493 = tpu.memref_slice %arg2[%dma_start3A_491, %dma_start3A_492] : memref<10000x128xf32, #tpu.memory_space<hbm>> -> memref<10000x128xf32, #tpu.memory_space<hbm>>
        tpu.enqueue_indirect_dma source(%dma_start3A_493 : memref<10000x128xf32, #tpu.memory_space<hbm>>) target(%dma_start3A_487 : memref<64x128xf32, #tpu.memory_space<vmem>>) offsets(%dma_start3A_490 : memref<64xi32, #tpu.memory_space<vmem>>) semaphore(%arg10 : memref<!tpu.dma_semaphore, #tpu.memory_space<semaphore_mem>>)
      } else {
      }
      %mul3A_415 = arith.constant 4 : i32
      %mul3A_416 = arith.muli %scan3A_292, %mul3A_415 : i32
      %add3A_417 = arith.constant 1 : i32
      %add3A_418 = arith.addi %mul3A_416, %add3A_417 : i32
      %dma_wait3A_419 = arith.constant 1 : i32
      %dma_wait3A_420 = arith.constant 0 : i32
      %dma_wait3A_421 = arith.constant 0 : i32
      %dma_wait3A_422 = tpu.memref_slice %arg8[%dma_wait3A_419, %dma_wait3A_420, %dma_wait3A_421] : memref<4x64x128xf32, #tpu.memory_space<vmem>> -> memref<1x64x128xf32, #tpu.memory_space<vmem>>
      %dma_wait3A_423 = tpu.memref_squeeze %dma_wait3A_422 : memref<1x64x128xf32, #tpu.memory_space<vmem>> -> memref<64x128xf32, #tpu.memory_space<vmem>>
      %dma_wait3A_424 = arith.constant 0 : i32
      %dma_wait3A_425 = tpu.memref_slice %arg7[%add3A_418, %dma_wait3A_424] : memref<40x64xi32, #tpu.memory_space<vmem>> -> memref<1x64xi32, #tpu.memory_space<vmem>>
      %dma_wait3A_426 = tpu.memref_squeeze %dma_wait3A_425 : memref<1x64xi32, #tpu.memory_space<vmem>> -> memref<64xi32, #tpu.memory_space<vmem>>
      %dma_wait3A_427 = arith.constant 0 : i32
      %dma_wait3A_428 = arith.constant 0 : i32
      %dma_wait3A_429 = tpu.memref_slice %arg9[%dma_wait3A_427, %dma_wait3A_428] : memref<10240x128xf32, #tpu.memory_space<vmem_shared>> -> memref<10240x128xf32, #tpu.memory_space<vmem_shared>>
      tpu.wait_indirect_dma semaphore(%arg15 : memref<!tpu.dma_semaphore, #tpu.memory_space<semaphore_mem>>) src(%dma_wait3A_423 : memref<64x128xf32, #tpu.memory_space<vmem>>) dst(%dma_wait3A_429 : memref<10240x128xf32, #tpu.memory_space<vmem_shared>>)
      %add3A_430 = arith.constant 4 : i32
      %add3A_431 = arith.addi %add3A_418, %add3A_430 : i32
      %lt3A_432 = arith.constant 40 : i32
      %lt3A_433 = arith.cmpi slt, %add3A_431, %lt3A_432 : i32
      %convert_element_type3A_434 = arith.extui %lt3A_433 : i1 to i32
      %cond3A_435 = arith.constant 0 : i32
      %cond3A_436 = arith.cmpi ne, %convert_element_type3A_434, %cond3A_435 : i32
      scf.if %cond3A_436 {
        %add3A_481 = arith.constant 4 : i32
        %add3A_482 = arith.addi %add3A_418, %add3A_481 : i32
        %dma_start3A_483 = arith.constant 1 : i32
        %dma_start3A_484 = arith.constant 0 : i32
        %dma_start3A_485 = arith.constant 0 : i32
        %dma_start3A_486 = tpu.memref_slice %arg8[%dma_start3A_483, %dma_start3A_484, %dma_start3A_485] : memref<4x64x128xf32, #tpu.memory_space<vmem>> -> memref<1x64x128xf32, #tpu.memory_space<vmem>>
        %dma_start3A_487 = tpu.memref_squeeze %dma_start3A_486 : memref<1x64x128xf32, #tpu.memory_space<vmem>> -> memref<64x128xf32, #tpu.memory_space<vmem>>
        %dma_start3A_488 = arith.constant 0 : i32
        %dma_start3A_489 = tpu.memref_slice %arg6[%add3A_482, %dma_start3A_488] : memref<40x64xi32, #tpu.memory_space<vmem>> -> memref<1x64xi32, #tpu.memory_space<vmem>>
        %dma_start3A_490 = tpu.memref_squeeze %dma_start3A_489 : memref<1x64xi32, #tpu.memory_space<vmem>> -> memref<64xi32, #tpu.memory_space<vmem>>
        %dma_start3A_491 = arith.constant 0 : i32
        %dma_start3A_492 = arith.constant 0 : i32
        %dma_start3A_493 = tpu.memref_slice %arg2[%dma_start3A_491, %dma_start3A_492] : memref<10000x128xf32, #tpu.memory_space<hbm>> -> memref<10000x128xf32, #tpu.memory_space<hbm>>
        tpu.enqueue_indirect_dma source(%dma_start3A_493 : memref<10000x128xf32, #tpu.memory_space<hbm>>) target(%dma_start3A_487 : memref<64x128xf32, #tpu.memory_space<vmem>>) offsets(%dma_start3A_490 : memref<64xi32, #tpu.memory_space<vmem>>) semaphore(%arg11 : memref<!tpu.dma_semaphore, #tpu.memory_space<semaphore_mem>>)
      } else {
      }
      %mul3A_437 = arith.constant 4 : i32
      %mul3A_438 = arith.muli %scan3A_292, %mul3A_437 : i32
      %add3A_439 = arith.constant 2 : i32
      %add3A_440 = arith.addi %mul3A_438, %add3A_439 : i32
      %dma_wait3A_441 = arith.constant 2 : i32
      %dma_wait3A_442 = arith.constant 0 : i32
      %dma_wait3A_443 = arith.constant 0 : i32
      %dma_wait3A_444 = tpu.memref_slice %arg8[%dma_wait3A_441, %dma_wait3A_442, %dma_wait3A_443] : memref<4x64x128xf32, #tpu.memory_space<vmem>> -> memref<1x64x128xf32, #tpu.memory_space<vmem>>
      %dma_wait3A_445 = tpu.memref_squeeze %dma_wait3A_444 : memref<1x64x128xf32, #tpu.memory_space<vmem>> -> memref<64x128xf32, #tpu.memory_space<vmem>>
      %dma_wait3A_446 = arith.constant 0 : i32
      %dma_wait3A_447 = tpu.memref_slice %arg7[%add3A_440, %dma_wait3A_446] : memref<40x64xi32, #tpu.memory_space<vmem>> -> memref<1x64xi32, #tpu.memory_space<vmem>>
      %dma_wait3A_448 = tpu.memref_squeeze %dma_wait3A_447 : memref<1x64xi32, #tpu.memory_space<vmem>> -> memref<64xi32, #tpu.memory_space<vmem>>
      %dma_wait3A_449 = arith.constant 0 : i32
      %dma_wait3A_450 = arith.constant 0 : i32
      %dma_wait3A_451 = tpu.memref_slice %arg9[%dma_wait3A_449, %dma_wait3A_450] : memref<10240x128xf32, #tpu.memory_space<vmem_shared>> -> memref<10240x128xf32, #tpu.memory_space<vmem_shared>>
      tpu.wait_indirect_dma semaphore(%arg16 : memref<!tpu.dma_semaphore, #tpu.memory_space<semaphore_mem>>) src(%dma_wait3A_445 : memref<64x128xf32, #tpu.memory_space<vmem>>) dst(%dma_wait3A_451 : memref<10240x128xf32, #tpu.memory_space<vmem_shared>>)
      %add3A_452 = arith.constant 4 : i32
      %add3A_453 = arith.addi %add3A_440, %add3A_452 : i32
      %lt3A_454 = arith.constant 40 : i32
      %lt3A_455 = arith.cmpi slt, %add3A_453, %lt3A_454 : i32
      %convert_element_type3A_456 = arith.extui %lt3A_455 : i1 to i32
      %cond3A_457 = arith.constant 0 : i32
      %cond3A_458 = arith.cmpi ne, %convert_element_type3A_456, %cond3A_457 : i32
      scf.if %cond3A_458 {
        %add3A_481 = arith.constant 4 : i32
        %add3A_482 = arith.addi %add3A_440, %add3A_481 : i32
        %dma_start3A_483 = arith.constant 2 : i32
        %dma_start3A_484 = arith.constant 0 : i32
        %dma_start3A_485 = arith.constant 0 : i32
        %dma_start3A_486 = tpu.memref_slice %arg8[%dma_start3A_483, %dma_start3A_484, %dma_start3A_485] : memref<4x64x128xf32, #tpu.memory_space<vmem>> -> memref<1x64x128xf32, #tpu.memory_space<vmem>>
        %dma_start3A_487 = tpu.memref_squeeze %dma_start3A_486 : memref<1x64x128xf32, #tpu.memory_space<vmem>> -> memref<64x128xf32, #tpu.memory_space<vmem>>
        %dma_start3A_488 = arith.constant 0 : i32
        %dma_start3A_489 = tpu.memref_slice %arg6[%add3A_482, %dma_start3A_488] : memref<40x64xi32, #tpu.memory_space<vmem>> -> memref<1x64xi32, #tpu.memory_space<vmem>>
        %dma_start3A_490 = tpu.memref_squeeze %dma_start3A_489 : memref<1x64xi32, #tpu.memory_space<vmem>> -> memref<64xi32, #tpu.memory_space<vmem>>
        %dma_start3A_491 = arith.constant 0 : i32
        %dma_start3A_492 = arith.constant 0 : i32
        %dma_start3A_493 = tpu.memref_slice %arg2[%dma_start3A_491, %dma_start3A_492] : memref<10000x128xf32, #tpu.memory_space<hbm>> -> memref<10000x128xf32, #tpu.memory_space<hbm>>
        tpu.enqueue_indirect_dma source(%dma_start3A_493 : memref<10000x128xf32, #tpu.memory_space<hbm>>) target(%dma_start3A_487 : memref<64x128xf32, #tpu.memory_space<vmem>>) offsets(%dma_start3A_490 : memref<64xi32, #tpu.memory_space<vmem>>) semaphore(%arg12 : memref<!tpu.dma_semaphore, #tpu.memory_space<semaphore_mem>>)
      } else {
      }
      %mul3A_459 = arith.constant 4 : i32
      %mul3A_460 = arith.muli %scan3A_292, %mul3A_459 : i32
      %add3A_461 = arith.constant 3 : i32
      %add3A_462 = arith.addi %mul3A_460, %add3A_461 : i32
      %dma_wait3A_463 = arith.constant 3 : i32
      %dma_wait3A_464 = arith.constant 0 : i32
      %dma_wait3A_465 = arith.constant 0 : i32
      %dma_wait3A_466 = tpu.memref_slice %arg8[%dma_wait3A_463, %dma_wait3A_464, %dma_wait3A_465] : memref<4x64x128xf32, #tpu.memory_space<vmem>> -> memref<1x64x128xf32, #tpu.memory_space<vmem>>
      %dma_wait3A_467 = tpu.memref_squeeze %dma_wait3A_466 : memref<1x64x128xf32, #tpu.memory_space<vmem>> -> memref<64x128xf32, #tpu.memory_space<vmem>>
      %dma_wait3A_468 = arith.constant 0 : i32
      %dma_wait3A_469 = tpu.memref_slice %arg7[%add3A_462, %dma_wait3A_468] : memref<40x64xi32, #tpu.memory_space<vmem>> -> memref<1x64xi32, #tpu.memory_space<vmem>>
      %dma_wait3A_470 = tpu.memref_squeeze %dma_wait3A_469 : memref<1x64xi32, #tpu.memory_space<vmem>> -> memref<64xi32, #tpu.memory_space<vmem>>
      %dma_wait3A_471 = arith.constant 0 : i32
      %dma_wait3A_472 = arith.constant 0 : i32
      %dma_wait3A_473 = tpu.memref_slice %arg9[%dma_wait3A_471, %dma_wait3A_472] : memref<10240x128xf32, #tpu.memory_space<vmem_shared>> -> memref<10240x128xf32, #tpu.memory_space<vmem_shared>>
      tpu.wait_indirect_dma semaphore(%arg17 : memref<!tpu.dma_semaphore, #tpu.memory_space<semaphore_mem>>) src(%dma_wait3A_467 : memref<64x128xf32, #tpu.memory_space<vmem>>) dst(%dma_wait3A_473 : memref<10240x128xf32, #tpu.memory_space<vmem_shared>>)
      %add3A_474 = arith.constant 4 : i32
      %add3A_475 = arith.addi %add3A_462, %add3A_474 : i32
      %lt3A_476 = arith.constant 40 : i32
      %lt3A_477 = arith.cmpi slt, %add3A_475, %lt3A_476 : i32
      %convert_element_type3A_478 = arith.extui %lt3A_477 : i1 to i32
      %cond3A_479 = arith.constant 0 : i32
      %cond3A_480 = arith.cmpi ne, %convert_element_type3A_478, %cond3A_479 : i32
      scf.if %cond3A_480 {
        %add3A_481 = arith.constant 4 : i32
        %add3A_482 = arith.addi %add3A_462, %add3A_481 : i32
        %dma_start3A_483 = arith.constant 3 : i32
        %dma_start3A_484 = arith.constant 0 : i32
        %dma_start3A_485 = arith.constant 0 : i32
        %dma_start3A_486 = tpu.memref_slice %arg8[%dma_start3A_483, %dma_start3A_484, %dma_start3A_485] : memref<4x64x128xf32, #tpu.memory_space<vmem>> -> memref<1x64x128xf32, #tpu.memory_space<vmem>>
        %dma_start3A_487 = tpu.memref_squeeze %dma_start3A_486 : memref<1x64x128xf32, #tpu.memory_space<vmem>> -> memref<64x128xf32, #tpu.memory_space<vmem>>
        %dma_start3A_488 = arith.constant 0 : i32
        %dma_start3A_489 = tpu.memref_slice %arg6[%add3A_482, %dma_start3A_488] : memref<40x64xi32, #tpu.memory_space<vmem>> -> memref<1x64xi32, #tpu.memory_space<vmem>>
        %dma_start3A_490 = tpu.memref_squeeze %dma_start3A_489 : memref<1x64xi32, #tpu.memory_space<vmem>> -> memref<64xi32, #tpu.memory_space<vmem>>
        %dma_start3A_491 = arith.constant 0 : i32
        %dma_start3A_492 = arith.constant 0 : i32
        %dma_start3A_493 = tpu.memref_slice %arg2[%dma_start3A_491, %dma_start3A_492] : memref<10000x128xf32, #tpu.memory_space<hbm>> -> memref<10000x128xf32, #tpu.memory_space<hbm>>
        tpu.enqueue_indirect_dma source(%dma_start3A_493 : memref<10000x128xf32, #tpu.memory_space<hbm>>) target(%dma_start3A_487 : memref<64x128xf32, #tpu.memory_space<vmem>>) offsets(%dma_start3A_490 : memref<64xi32, #tpu.memory_space<vmem>>) semaphore(%arg13 : memref<!tpu.dma_semaphore, #tpu.memory_space<semaphore_mem>>)
      } else {
      }
    }
    %scan3A_170 = arith.constant 10 : i32
    %mul3A_171 = arith.constant 160 : i32
    %mul3A_172 = arith.muli %add3A, %mul3A_171 : i32
    %add3A_173 = arith.constant 80 : i32
    %add3A_174 = arith.addi %mul3A_172, %add3A_173 : i32
    "tpu.region"() ({
      %run_scoped3A_292 = tpu.sem_alloc : memref<!tpu.dma_semaphore, #tpu.memory_space<semaphore_mem>>
      %dma_start3A_293 = arith.constant 0 : i32
      %dma_start3A_294 = tpu.memref_slice %arg3[%add3A_174, %dma_start3A_293] : memref<5120x64xi32, #tpu.memory_space<hbm>> -> memref<40x64xi32, #tpu.memory_space<hbm>>
      %dma_start3A_295 = arith.constant 0 : i32
      %dma_start3A_296 = tpu.memref_slice %arg3[%add3A_174, %dma_start3A_295] : memref<5120x64xi32, #tpu.memory_space<hbm>> -> memref<40x64xi32, #tpu.memory_space<hbm>>
      tpu.enqueue_dma source(%dma_start3A_296 : memref<40x64xi32, #tpu.memory_space<hbm>>) target(%arg6 : memref<40x64xi32, #tpu.memory_space<vmem>>) target_semaphore(%run_scoped3A_292 : memref<!tpu.dma_semaphore, #tpu.memory_space<semaphore_mem>>)
      %dma_wait3A = arith.constant 0 : i32
      %dma_wait3A_297 = tpu.memref_slice %arg3[%add3A_174, %dma_wait3A] : memref<5120x64xi32, #tpu.memory_space<hbm>> -> memref<40x64xi32, #tpu.memory_space<hbm>>
      %dma_wait3A_298 = arith.constant 0 : i32
      %dma_wait3A_299 = tpu.memref_slice %arg3[%add3A_174, %dma_wait3A_298] : memref<5120x64xi32, #tpu.memory_space<hbm>> -> memref<40x64xi32, #tpu.memory_space<hbm>>
      tpu.wait_dma2 semaphore(%run_scoped3A_292 : memref<!tpu.dma_semaphore, #tpu.memory_space<semaphore_mem>>) src(%dma_wait3A_299 : memref<40x64xi32, #tpu.memory_space<hbm>>) dst(%arg6 : memref<40x64xi32, #tpu.memory_space<vmem>>)
      tpu.yield
    }) : () -> ()
    "tpu.region"() ({
      %run_scoped3A_292 = tpu.sem_alloc : memref<!tpu.dma_semaphore, #tpu.memory_space<semaphore_mem>>
      %dma_start3A_293 = arith.constant 0 : i32
      %dma_start3A_294 = tpu.memref_slice %arg4[%add3A_174, %dma_start3A_293] : memref<5120x64xi32, #tpu.memory_space<hbm>> -> memref<40x64xi32, #tpu.memory_space<hbm>>
      %dma_start3A_295 = arith.constant 0 : i32
      %dma_start3A_296 = tpu.memref_slice %arg4[%add3A_174, %dma_start3A_295] : memref<5120x64xi32, #tpu.memory_space<hbm>> -> memref<40x64xi32, #tpu.memory_space<hbm>>
      tpu.enqueue_dma source(%dma_start3A_296 : memref<40x64xi32, #tpu.memory_space<hbm>>) target(%arg7 : memref<40x64xi32, #tpu.memory_space<vmem>>) target_semaphore(%run_scoped3A_292 : memref<!tpu.dma_semaphore, #tpu.memory_space<semaphore_mem>>)
      %dma_wait3A = arith.constant 0 : i32
      %dma_wait3A_297 = tpu.memref_slice %arg4[%add3A_174, %dma_wait3A] : memref<5120x64xi32, #tpu.memory_space<hbm>> -> memref<40x64xi32, #tpu.memory_space<hbm>>
      %dma_wait3A_298 = arith.constant 0 : i32
      %dma_wait3A_299 = tpu.memref_slice %arg4[%add3A_174, %dma_wait3A_298] : memref<5120x64xi32, #tpu.memory_space<hbm>> -> memref<40x64xi32, #tpu.memory_space<hbm>>
      tpu.wait_dma2 semaphore(%run_scoped3A_292 : memref<!tpu.dma_semaphore, #tpu.memory_space<semaphore_mem>>) src(%dma_wait3A_299 : memref<40x64xi32, #tpu.memory_space<hbm>>) dst(%arg7 : memref<40x64xi32, #tpu.memory_space<vmem>>)
      tpu.yield
    }) : () -> ()
    %dma_start3A_175 = arith.constant 0 : i32
    %dma_start3A_176 = arith.constant 0 : i32
    %dma_start3A_177 = arith.constant 0 : i32
    %dma_start3A_178 = arith.constant 0 : i32
    %dma_start3A_179 = tpu.memref_slice %arg8[%dma_start3A_176, %dma_start3A_177, %dma_start3A_178] : memref<4x64x128xf32, #tpu.memory_space<vmem>> -> memref<1x64x128xf32, #tpu.memory_space<vmem>>
    %dma_start3A_180 = tpu.memref_squeeze %dma_start3A_179 : memref<1x64x128xf32, #tpu.memory_space<vmem>> -> memref<64x128xf32, #tpu.memory_space<vmem>>
    %dma_start3A_181 = arith.constant 0 : i32
    %dma_start3A_182 = tpu.memref_slice %arg6[%dma_start3A_175, %dma_start3A_181] : memref<40x64xi32, #tpu.memory_space<vmem>> -> memref<1x64xi32, #tpu.memory_space<vmem>>
    %dma_start3A_183 = tpu.memref_squeeze %dma_start3A_182 : memref<1x64xi32, #tpu.memory_space<vmem>> -> memref<64xi32, #tpu.memory_space<vmem>>
    %dma_start3A_184 = arith.constant 0 : i32
    %dma_start3A_185 = arith.constant 0 : i32
    %dma_start3A_186 = tpu.memref_slice %arg2[%dma_start3A_184, %dma_start3A_185] : memref<10000x128xf32, #tpu.memory_space<hbm>> -> memref<10000x128xf32, #tpu.memory_space<hbm>>
    tpu.enqueue_indirect_dma source(%dma_start3A_186 : memref<10000x128xf32, #tpu.memory_space<hbm>>) target(%dma_start3A_180 : memref<64x128xf32, #tpu.memory_space<vmem>>) offsets(%dma_start3A_183 : memref<64xi32, #tpu.memory_space<vmem>>) semaphore(%arg10 : memref<!tpu.dma_semaphore, #tpu.memory_space<semaphore_mem>>)
    %dma_start3A_187 = arith.constant 1 : i32
    %dma_start3A_188 = arith.constant 1 : i32
    %dma_start3A_189 = arith.constant 0 : i32
    %dma_start3A_190 = arith.constant 0 : i32
    %dma_start3A_191 = tpu.memref_slice %arg8[%dma_start3A_188, %dma_start3A_189, %dma_start3A_190] : memref<4x64x128xf32, #tpu.memory_space<vmem>> -> memref<1x64x128xf32, #tpu.memory_space<vmem>>
    %dma_start3A_192 = tpu.memref_squeeze %dma_start3A_191 : memref<1x64x128xf32, #tpu.memory_space<vmem>> -> memref<64x128xf32, #tpu.memory_space<vmem>>
    %dma_start3A_193 = arith.constant 0 : i32
    %dma_start3A_194 = tpu.memref_slice %arg6[%dma_start3A_187, %dma_start3A_193] : memref<40x64xi32, #tpu.memory_space<vmem>> -> memref<1x64xi32, #tpu.memory_space<vmem>>
    %dma_start3A_195 = tpu.memref_squeeze %dma_start3A_194 : memref<1x64xi32, #tpu.memory_space<vmem>> -> memref<64xi32, #tpu.memory_space<vmem>>
    %dma_start3A_196 = arith.constant 0 : i32
    %dma_start3A_197 = arith.constant 0 : i32
    %dma_start3A_198 = tpu.memref_slice %arg2[%dma_start3A_196, %dma_start3A_197] : memref<10000x128xf32, #tpu.memory_space<hbm>> -> memref<10000x128xf32, #tpu.memory_space<hbm>>
    tpu.enqueue_indirect_dma source(%dma_start3A_198 : memref<10000x128xf32, #tpu.memory_space<hbm>>) target(%dma_start3A_192 : memref<64x128xf32, #tpu.memory_space<vmem>>) offsets(%dma_start3A_195 : memref<64xi32, #tpu.memory_space<vmem>>) semaphore(%arg11 : memref<!tpu.dma_semaphore, #tpu.memory_space<semaphore_mem>>)
    %dma_start3A_199 = arith.constant 2 : i32
    %dma_start3A_200 = arith.constant 2 : i32
    %dma_start3A_201 = arith.constant 0 : i32
    %dma_start3A_202 = arith.constant 0 : i32
    %dma_start3A_203 = tpu.memref_slice %arg8[%dma_start3A_200, %dma_start3A_201, %dma_start3A_202] : memref<4x64x128xf32, #tpu.memory_space<vmem>> -> memref<1x64x128xf32, #tpu.memory_space<vmem>>
    %dma_start3A_204 = tpu.memref_squeeze %dma_start3A_203 : memref<1x64x128xf32, #tpu.memory_space<vmem>> -> memref<64x128xf32, #tpu.memory_space<vmem>>
    %dma_start3A_205 = arith.constant 0 : i32
    %dma_start3A_206 = tpu.memref_slice %arg6[%dma_start3A_199, %dma_start3A_205] : memref<40x64xi32, #tpu.memory_space<vmem>> -> memref<1x64xi32, #tpu.memory_space<vmem>>
    %dma_start3A_207 = tpu.memref_squeeze %dma_start3A_206 : memref<1x64xi32, #tpu.memory_space<vmem>> -> memref<64xi32, #tpu.memory_space<vmem>>
    %dma_start3A_208 = arith.constant 0 : i32
    %dma_start3A_209 = arith.constant 0 : i32
    %dma_start3A_210 = tpu.memref_slice %arg2[%dma_start3A_208, %dma_start3A_209] : memref<10000x128xf32, #tpu.memory_space<hbm>> -> memref<10000x128xf32, #tpu.memory_space<hbm>>
    tpu.enqueue_indirect_dma source(%dma_start3A_210 : memref<10000x128xf32, #tpu.memory_space<hbm>>) target(%dma_start3A_204 : memref<64x128xf32, #tpu.memory_space<vmem>>) offsets(%dma_start3A_207 : memref<64xi32, #tpu.memory_space<vmem>>) semaphore(%arg12 : memref<!tpu.dma_semaphore, #tpu.memory_space<semaphore_mem>>)
    %dma_start3A_211 = arith.constant 3 : i32
    %dma_start3A_212 = arith.constant 3 : i32
    %dma_start3A_213 = arith.constant 0 : i32
    %dma_start3A_214 = arith.constant 0 : i32
    %dma_start3A_215 = tpu.memref_slice %arg8[%dma_start3A_212, %dma_start3A_213, %dma_start3A_214] : memref<4x64x128xf32, #tpu.memory_space<vmem>> -> memref<1x64x128xf32, #tpu.memory_space<vmem>>
    %dma_start3A_216 = tpu.memref_squeeze %dma_start3A_215 : memref<1x64x128xf32, #tpu.memory_space<vmem>> -> memref<64x128xf32, #tpu.memory_space<vmem>>
    %dma_start3A_217 = arith.constant 0 : i32
    %dma_start3A_218 = tpu.memref_slice %arg6[%dma_start3A_211, %dma_start3A_217] : memref<40x64xi32, #tpu.memory_space<vmem>> -> memref<1x64xi32, #tpu.memory_space<vmem>>
    %dma_start3A_219 = tpu.memref_squeeze %dma_start3A_218 : memref<1x64xi32, #tpu.memory_space<vmem>> -> memref<64xi32, #tpu.memory_space<vmem>>
    %dma_start3A_220 = arith.constant 0 : i32
    %dma_start3A_221 = arith.constant 0 : i32
    %dma_start3A_222 = tpu.memref_slice %arg2[%dma_start3A_220, %dma_start3A_221] : memref<10000x128xf32, #tpu.memory_space<hbm>> -> memref<10000x128xf32, #tpu.memory_space<hbm>>
    tpu.enqueue_indirect_dma source(%dma_start3A_222 : memref<10000x128xf32, #tpu.memory_space<hbm>>) target(%dma_start3A_216 : memref<64x128xf32, #tpu.memory_space<vmem>>) offsets(%dma_start3A_219 : memref<64xi32, #tpu.memory_space<vmem>>) semaphore(%arg13 : memref<!tpu.dma_semaphore, #tpu.memory_space<semaphore_mem>>)
    %scan3A_223 = arith.constant 0 : i32
    %scan3A_224 = arith.constant 0 : i32
    %scan3A_225 = arith.constant 10 : i32
    %scan3A_226 = arith.addi %scan3A_224, %scan3A_225 : i32
    %scan3A_227 = arith.constant 1 : i32
    scf.for %scan3A_292 = %scan3A_224 to %scan3A_226 step %scan3A_227  : i32 {
      %mul3A_293 = arith.constant 4 : i32
      %mul3A_294 = arith.muli %scan3A_292, %mul3A_293 : i32
      %add3A_295 = arith.constant 0 : i32
      %add3A_296 = arith.addi %mul3A_294, %add3A_295 : i32
      %dma_wait3A = arith.constant 0 : i32
      %dma_wait3A_297 = arith.constant 0 : i32
      %dma_wait3A_298 = arith.constant 0 : i32
      %dma_wait3A_299 = tpu.memref_slice %arg8[%dma_wait3A, %dma_wait3A_297, %dma_wait3A_298] : memref<4x64x128xf32, #tpu.memory_space<vmem>> -> memref<1x64x128xf32, #tpu.memory_space<vmem>>
      %dma_wait3A_300 = tpu.memref_squeeze %dma_wait3A_299 : memref<1x64x128xf32, #tpu.memory_space<vmem>> -> memref<64x128xf32, #tpu.memory_space<vmem>>
      %dma_wait3A_301 = arith.constant 0 : i32
      %dma_wait3A_302 = tpu.memref_slice %arg6[%add3A_296, %dma_wait3A_301] : memref<40x64xi32, #tpu.memory_space<vmem>> -> memref<1x64xi32, #tpu.memory_space<vmem>>
      %dma_wait3A_303 = tpu.memref_squeeze %dma_wait3A_302 : memref<1x64xi32, #tpu.memory_space<vmem>> -> memref<64xi32, #tpu.memory_space<vmem>>
      %dma_wait3A_304 = arith.constant 0 : i32
      %dma_wait3A_305 = arith.constant 0 : i32
      %dma_wait3A_306 = tpu.memref_slice %arg2[%dma_wait3A_304, %dma_wait3A_305] : memref<10000x128xf32, #tpu.memory_space<hbm>> -> memref<10000x128xf32, #tpu.memory_space<hbm>>
      tpu.wait_indirect_dma semaphore(%arg10 : memref<!tpu.dma_semaphore, #tpu.memory_space<semaphore_mem>>) src(%dma_wait3A_306 : memref<10000x128xf32, #tpu.memory_space<hbm>>) dst(%dma_wait3A_300 : memref<64x128xf32, #tpu.memory_space<vmem>>)
      %dma_start3A_307 = arith.constant 0 : i32
      %dma_start3A_308 = arith.constant 0 : i32
      %dma_start3A_309 = arith.constant 0 : i32
      %dma_start3A_310 = tpu.memref_slice %arg8[%dma_start3A_307, %dma_start3A_308, %dma_start3A_309] : memref<4x64x128xf32, #tpu.memory_space<vmem>> -> memref<1x64x128xf32, #tpu.memory_space<vmem>>
      %dma_start3A_311 = tpu.memref_squeeze %dma_start3A_310 : memref<1x64x128xf32, #tpu.memory_space<vmem>> -> memref<64x128xf32, #tpu.memory_space<vmem>>
      %dma_start3A_312 = arith.constant 0 : i32
      %dma_start3A_313 = tpu.memref_slice %arg7[%add3A_296, %dma_start3A_312] : memref<40x64xi32, #tpu.memory_space<vmem>> -> memref<1x64xi32, #tpu.memory_space<vmem>>
      %dma_start3A_314 = tpu.memref_squeeze %dma_start3A_313 : memref<1x64xi32, #tpu.memory_space<vmem>> -> memref<64xi32, #tpu.memory_space<vmem>>
      %dma_start3A_315 = arith.constant 0 : i32
      %dma_start3A_316 = arith.constant 0 : i32
      %dma_start3A_317 = tpu.memref_slice %arg9[%dma_start3A_315, %dma_start3A_316] : memref<10240x128xf32, #tpu.memory_space<vmem_shared>> -> memref<10240x128xf32, #tpu.memory_space<vmem_shared>>
      tpu.enqueue_indirect_dma source(%dma_start3A_311 : memref<64x128xf32, #tpu.memory_space<vmem>>) target(%dma_start3A_317 : memref<10240x128xf32, #tpu.memory_space<vmem_shared>>) offsets(%dma_start3A_314 : memref<64xi32, #tpu.memory_space<vmem>>) semaphore(%arg14 : memref<!tpu.dma_semaphore, #tpu.memory_space<semaphore_mem>>) {add = true}
      %mul3A_318 = arith.constant 4 : i32
      %mul3A_319 = arith.muli %scan3A_292, %mul3A_318 : i32
      %add3A_320 = arith.constant 1 : i32
      %add3A_321 = arith.addi %mul3A_319, %add3A_320 : i32
      %dma_wait3A_322 = arith.constant 1 : i32
      %dma_wait3A_323 = arith.constant 0 : i32
      %dma_wait3A_324 = arith.constant 0 : i32
      %dma_wait3A_325 = tpu.memref_slice %arg8[%dma_wait3A_322, %dma_wait3A_323, %dma_wait3A_324] : memref<4x64x128xf32, #tpu.memory_space<vmem>> -> memref<1x64x128xf32, #tpu.memory_space<vmem>>
      %dma_wait3A_326 = tpu.memref_squeeze %dma_wait3A_325 : memref<1x64x128xf32, #tpu.memory_space<vmem>> -> memref<64x128xf32, #tpu.memory_space<vmem>>
      %dma_wait3A_327 = arith.constant 0 : i32
      %dma_wait3A_328 = tpu.memref_slice %arg6[%add3A_321, %dma_wait3A_327] : memref<40x64xi32, #tpu.memory_space<vmem>> -> memref<1x64xi32, #tpu.memory_space<vmem>>
      %dma_wait3A_329 = tpu.memref_squeeze %dma_wait3A_328 : memref<1x64xi32, #tpu.memory_space<vmem>> -> memref<64xi32, #tpu.memory_space<vmem>>
      %dma_wait3A_330 = arith.constant 0 : i32
      %dma_wait3A_331 = arith.constant 0 : i32
      %dma_wait3A_332 = tpu.memref_slice %arg2[%dma_wait3A_330, %dma_wait3A_331] : memref<10000x128xf32, #tpu.memory_space<hbm>> -> memref<10000x128xf32, #tpu.memory_space<hbm>>
      tpu.wait_indirect_dma semaphore(%arg11 : memref<!tpu.dma_semaphore, #tpu.memory_space<semaphore_mem>>) src(%dma_wait3A_332 : memref<10000x128xf32, #tpu.memory_space<hbm>>) dst(%dma_wait3A_326 : memref<64x128xf32, #tpu.memory_space<vmem>>)
      %dma_start3A_333 = arith.constant 1 : i32
      %dma_start3A_334 = arith.constant 0 : i32
      %dma_start3A_335 = arith.constant 0 : i32
      %dma_start3A_336 = tpu.memref_slice %arg8[%dma_start3A_333, %dma_start3A_334, %dma_start3A_335] : memref<4x64x128xf32, #tpu.memory_space<vmem>> -> memref<1x64x128xf32, #tpu.memory_space<vmem>>
      %dma_start3A_337 = tpu.memref_squeeze %dma_start3A_336 : memref<1x64x128xf32, #tpu.memory_space<vmem>> -> memref<64x128xf32, #tpu.memory_space<vmem>>
      %dma_start3A_338 = arith.constant 0 : i32
      %dma_start3A_339 = tpu.memref_slice %arg7[%add3A_321, %dma_start3A_338] : memref<40x64xi32, #tpu.memory_space<vmem>> -> memref<1x64xi32, #tpu.memory_space<vmem>>
      %dma_start3A_340 = tpu.memref_squeeze %dma_start3A_339 : memref<1x64xi32, #tpu.memory_space<vmem>> -> memref<64xi32, #tpu.memory_space<vmem>>
      %dma_start3A_341 = arith.constant 0 : i32
      %dma_start3A_342 = arith.constant 0 : i32
      %dma_start3A_343 = tpu.memref_slice %arg9[%dma_start3A_341, %dma_start3A_342] : memref<10240x128xf32, #tpu.memory_space<vmem_shared>> -> memref<10240x128xf32, #tpu.memory_space<vmem_shared>>
      tpu.enqueue_indirect_dma source(%dma_start3A_337 : memref<64x128xf32, #tpu.memory_space<vmem>>) target(%dma_start3A_343 : memref<10240x128xf32, #tpu.memory_space<vmem_shared>>) offsets(%dma_start3A_340 : memref<64xi32, #tpu.memory_space<vmem>>) semaphore(%arg15 : memref<!tpu.dma_semaphore, #tpu.memory_space<semaphore_mem>>) {add = true}
      %mul3A_344 = arith.constant 4 : i32
      %mul3A_345 = arith.muli %scan3A_292, %mul3A_344 : i32
      %add3A_346 = arith.constant 2 : i32
      %add3A_347 = arith.addi %mul3A_345, %add3A_346 : i32
      %dma_wait3A_348 = arith.constant 2 : i32
      %dma_wait3A_349 = arith.constant 0 : i32
      %dma_wait3A_350 = arith.constant 0 : i32
      %dma_wait3A_351 = tpu.memref_slice %arg8[%dma_wait3A_348, %dma_wait3A_349, %dma_wait3A_350] : memref<4x64x128xf32, #tpu.memory_space<vmem>> -> memref<1x64x128xf32, #tpu.memory_space<vmem>>
      %dma_wait3A_352 = tpu.memref_squeeze %dma_wait3A_351 : memref<1x64x128xf32, #tpu.memory_space<vmem>> -> memref<64x128xf32, #tpu.memory_space<vmem>>
      %dma_wait3A_353 = arith.constant 0 : i32
      %dma_wait3A_354 = tpu.memref_slice %arg6[%add3A_347, %dma_wait3A_353] : memref<40x64xi32, #tpu.memory_space<vmem>> -> memref<1x64xi32, #tpu.memory_space<vmem>>
      %dma_wait3A_355 = tpu.memref_squeeze %dma_wait3A_354 : memref<1x64xi32, #tpu.memory_space<vmem>> -> memref<64xi32, #tpu.memory_space<vmem>>
      %dma_wait3A_356 = arith.constant 0 : i32
      %dma_wait3A_357 = arith.constant 0 : i32
      %dma_wait3A_358 = tpu.memref_slice %arg2[%dma_wait3A_356, %dma_wait3A_357] : memref<10000x128xf32, #tpu.memory_space<hbm>> -> memref<10000x128xf32, #tpu.memory_space<hbm>>
      tpu.wait_indirect_dma semaphore(%arg12 : memref<!tpu.dma_semaphore, #tpu.memory_space<semaphore_mem>>) src(%dma_wait3A_358 : memref<10000x128xf32, #tpu.memory_space<hbm>>) dst(%dma_wait3A_352 : memref<64x128xf32, #tpu.memory_space<vmem>>)
      %dma_start3A_359 = arith.constant 2 : i32
      %dma_start3A_360 = arith.constant 0 : i32
      %dma_start3A_361 = arith.constant 0 : i32
      %dma_start3A_362 = tpu.memref_slice %arg8[%dma_start3A_359, %dma_start3A_360, %dma_start3A_361] : memref<4x64x128xf32, #tpu.memory_space<vmem>> -> memref<1x64x128xf32, #tpu.memory_space<vmem>>
      %dma_start3A_363 = tpu.memref_squeeze %dma_start3A_362 : memref<1x64x128xf32, #tpu.memory_space<vmem>> -> memref<64x128xf32, #tpu.memory_space<vmem>>
      %dma_start3A_364 = arith.constant 0 : i32
      %dma_start3A_365 = tpu.memref_slice %arg7[%add3A_347, %dma_start3A_364] : memref<40x64xi32, #tpu.memory_space<vmem>> -> memref<1x64xi32, #tpu.memory_space<vmem>>
      %dma_start3A_366 = tpu.memref_squeeze %dma_start3A_365 : memref<1x64xi32, #tpu.memory_space<vmem>> -> memref<64xi32, #tpu.memory_space<vmem>>
      %dma_start3A_367 = arith.constant 0 : i32
      %dma_start3A_368 = arith.constant 0 : i32
      %dma_start3A_369 = tpu.memref_slice %arg9[%dma_start3A_367, %dma_start3A_368] : memref<10240x128xf32, #tpu.memory_space<vmem_shared>> -> memref<10240x128xf32, #tpu.memory_space<vmem_shared>>
      tpu.enqueue_indirect_dma source(%dma_start3A_363 : memref<64x128xf32, #tpu.memory_space<vmem>>) target(%dma_start3A_369 : memref<10240x128xf32, #tpu.memory_space<vmem_shared>>) offsets(%dma_start3A_366 : memref<64xi32, #tpu.memory_space<vmem>>) semaphore(%arg16 : memref<!tpu.dma_semaphore, #tpu.memory_space<semaphore_mem>>) {add = true}
      %mul3A_370 = arith.constant 4 : i32
      %mul3A_371 = arith.muli %scan3A_292, %mul3A_370 : i32
      %add3A_372 = arith.constant 3 : i32
      %add3A_373 = arith.addi %mul3A_371, %add3A_372 : i32
      %dma_wait3A_374 = arith.constant 3 : i32
      %dma_wait3A_375 = arith.constant 0 : i32
      %dma_wait3A_376 = arith.constant 0 : i32
      %dma_wait3A_377 = tpu.memref_slice %arg8[%dma_wait3A_374, %dma_wait3A_375, %dma_wait3A_376] : memref<4x64x128xf32, #tpu.memory_space<vmem>> -> memref<1x64x128xf32, #tpu.memory_space<vmem>>
      %dma_wait3A_378 = tpu.memref_squeeze %dma_wait3A_377 : memref<1x64x128xf32, #tpu.memory_space<vmem>> -> memref<64x128xf32, #tpu.memory_space<vmem>>
      %dma_wait3A_379 = arith.constant 0 : i32
      %dma_wait3A_380 = tpu.memref_slice %arg6[%add3A_373, %dma_wait3A_379] : memref<40x64xi32, #tpu.memory_space<vmem>> -> memref<1x64xi32, #tpu.memory_space<vmem>>
      %dma_wait3A_381 = tpu.memref_squeeze %dma_wait3A_380 : memref<1x64xi32, #tpu.memory_space<vmem>> -> memref<64xi32, #tpu.memory_space<vmem>>
      %dma_wait3A_382 = arith.constant 0 : i32
      %dma_wait3A_383 = arith.constant 0 : i32
      %dma_wait3A_384 = tpu.memref_slice %arg2[%dma_wait3A_382, %dma_wait3A_383] : memref<10000x128xf32, #tpu.memory_space<hbm>> -> memref<10000x128xf32, #tpu.memory_space<hbm>>
      tpu.wait_indirect_dma semaphore(%arg13 : memref<!tpu.dma_semaphore, #tpu.memory_space<semaphore_mem>>) src(%dma_wait3A_384 : memref<10000x128xf32, #tpu.memory_space<hbm>>) dst(%dma_wait3A_378 : memref<64x128xf32, #tpu.memory_space<vmem>>)
      %dma_start3A_385 = arith.constant 3 : i32
      %dma_start3A_386 = arith.constant 0 : i32
      %dma_start3A_387 = arith.constant 0 : i32
      %dma_start3A_388 = tpu.memref_slice %arg8[%dma_start3A_385, %dma_start3A_386, %dma_start3A_387] : memref<4x64x128xf32, #tpu.memory_space<vmem>> -> memref<1x64x128xf32, #tpu.memory_space<vmem>>
      %dma_start3A_389 = tpu.memref_squeeze %dma_start3A_388 : memref<1x64x128xf32, #tpu.memory_space<vmem>> -> memref<64x128xf32, #tpu.memory_space<vmem>>
      %dma_start3A_390 = arith.constant 0 : i32
      %dma_start3A_391 = tpu.memref_slice %arg7[%add3A_373, %dma_start3A_390] : memref<40x64xi32, #tpu.memory_space<vmem>> -> memref<1x64xi32, #tpu.memory_space<vmem>>
      %dma_start3A_392 = tpu.memref_squeeze %dma_start3A_391 : memref<1x64xi32, #tpu.memory_space<vmem>> -> memref<64xi32, #tpu.memory_space<vmem>>
      %dma_start3A_393 = arith.constant 0 : i32
      %dma_start3A_394 = arith.constant 0 : i32
      %dma_start3A_395 = tpu.memref_slice %arg9[%dma_start3A_393, %dma_start3A_394] : memref<10240x128xf32, #tpu.memory_space<vmem_shared>> -> memref<10240x128xf32, #tpu.memory_space<vmem_shared>>
      tpu.enqueue_indirect_dma source(%dma_start3A_389 : memref<64x128xf32, #tpu.memory_space<vmem>>) target(%dma_start3A_395 : memref<10240x128xf32, #tpu.memory_space<vmem_shared>>) offsets(%dma_start3A_392 : memref<64xi32, #tpu.memory_space<vmem>>) semaphore(%arg17 : memref<!tpu.dma_semaphore, #tpu.memory_space<semaphore_mem>>) {add = true}
      %mul3A_396 = arith.constant 4 : i32
      %mul3A_397 = arith.muli %scan3A_292, %mul3A_396 : i32
      %add3A_398 = arith.constant 0 : i32
      %add3A_399 = arith.addi %mul3A_397, %add3A_398 : i32
      %dma_wait3A_400 = arith.constant 0 : i32
      %dma_wait3A_401 = arith.constant 0 : i32
      %dma_wait3A_402 = arith.constant 0 : i32
      %dma_wait3A_403 = tpu.memref_slice %arg8[%dma_wait3A_400, %dma_wait3A_401, %dma_wait3A_402] : memref<4x64x128xf32, #tpu.memory_space<vmem>> -> memref<1x64x128xf32, #tpu.memory_space<vmem>>
      %dma_wait3A_404 = tpu.memref_squeeze %dma_wait3A_403 : memref<1x64x128xf32, #tpu.memory_space<vmem>> -> memref<64x128xf32, #tpu.memory_space<vmem>>
      %dma_wait3A_405 = arith.constant 0 : i32
      %dma_wait3A_406 = tpu.memref_slice %arg7[%add3A_399, %dma_wait3A_405] : memref<40x64xi32, #tpu.memory_space<vmem>> -> memref<1x64xi32, #tpu.memory_space<vmem>>
      %dma_wait3A_407 = tpu.memref_squeeze %dma_wait3A_406 : memref<1x64xi32, #tpu.memory_space<vmem>> -> memref<64xi32, #tpu.memory_space<vmem>>
      %dma_wait3A_408 = arith.constant 0 : i32
      %dma_wait3A_409 = arith.constant 0 : i32
      %dma_wait3A_410 = tpu.memref_slice %arg9[%dma_wait3A_408, %dma_wait3A_409] : memref<10240x128xf32, #tpu.memory_space<vmem_shared>> -> memref<10240x128xf32, #tpu.memory_space<vmem_shared>>
      tpu.wait_indirect_dma semaphore(%arg14 : memref<!tpu.dma_semaphore, #tpu.memory_space<semaphore_mem>>) src(%dma_wait3A_404 : memref<64x128xf32, #tpu.memory_space<vmem>>) dst(%dma_wait3A_410 : memref<10240x128xf32, #tpu.memory_space<vmem_shared>>)
      %add3A_411 = arith.constant 4 : i32
      %add3A_412 = arith.addi %add3A_399, %add3A_411 : i32
      %lt3A = arith.constant 40 : i32
      %lt3A_413 = arith.cmpi slt, %add3A_412, %lt3A : i32
      %convert_element_type3A = arith.extui %lt3A_413 : i1 to i32
      %cond3A = arith.constant 0 : i32
      %cond3A_414 = arith.cmpi ne, %convert_element_type3A, %cond3A : i32
      scf.if %cond3A_414 {
        %add3A_481 = arith.constant 4 : i32
        %add3A_482 = arith.addi %add3A_399, %add3A_481 : i32
        %dma_start3A_483 = arith.constant 0 : i32
        %dma_start3A_484 = arith.constant 0 : i32
        %dma_start3A_485 = arith.constant 0 : i32
        %dma_start3A_486 = tpu.memref_slice %arg8[%dma_start3A_483, %dma_start3A_484, %dma_start3A_485] : memref<4x64x128xf32, #tpu.memory_space<vmem>> -> memref<1x64x128xf32, #tpu.memory_space<vmem>>
        %dma_start3A_487 = tpu.memref_squeeze %dma_start3A_486 : memref<1x64x128xf32, #tpu.memory_space<vmem>> -> memref<64x128xf32, #tpu.memory_space<vmem>>
        %dma_start3A_488 = arith.constant 0 : i32
        %dma_start3A_489 = tpu.memref_slice %arg6[%add3A_482, %dma_start3A_488] : memref<40x64xi32, #tpu.memory_space<vmem>> -> memref<1x64xi32, #tpu.memory_space<vmem>>
        %dma_start3A_490 = tpu.memref_squeeze %dma_start3A_489 : memref<1x64xi32, #tpu.memory_space<vmem>> -> memref<64xi32, #tpu.memory_space<vmem>>
        %dma_start3A_491 = arith.constant 0 : i32
        %dma_start3A_492 = arith.constant 0 : i32
        %dma_start3A_493 = tpu.memref_slice %arg2[%dma_start3A_491, %dma_start3A_492] : memref<10000x128xf32, #tpu.memory_space<hbm>> -> memref<10000x128xf32, #tpu.memory_space<hbm>>
        tpu.enqueue_indirect_dma source(%dma_start3A_493 : memref<10000x128xf32, #tpu.memory_space<hbm>>) target(%dma_start3A_487 : memref<64x128xf32, #tpu.memory_space<vmem>>) offsets(%dma_start3A_490 : memref<64xi32, #tpu.memory_space<vmem>>) semaphore(%arg10 : memref<!tpu.dma_semaphore, #tpu.memory_space<semaphore_mem>>)
      } else {
      }
      %mul3A_415 = arith.constant 4 : i32
      %mul3A_416 = arith.muli %scan3A_292, %mul3A_415 : i32
      %add3A_417 = arith.constant 1 : i32
      %add3A_418 = arith.addi %mul3A_416, %add3A_417 : i32
      %dma_wait3A_419 = arith.constant 1 : i32
      %dma_wait3A_420 = arith.constant 0 : i32
      %dma_wait3A_421 = arith.constant 0 : i32
      %dma_wait3A_422 = tpu.memref_slice %arg8[%dma_wait3A_419, %dma_wait3A_420, %dma_wait3A_421] : memref<4x64x128xf32, #tpu.memory_space<vmem>> -> memref<1x64x128xf32, #tpu.memory_space<vmem>>
      %dma_wait3A_423 = tpu.memref_squeeze %dma_wait3A_422 : memref<1x64x128xf32, #tpu.memory_space<vmem>> -> memref<64x128xf32, #tpu.memory_space<vmem>>
      %dma_wait3A_424 = arith.constant 0 : i32
      %dma_wait3A_425 = tpu.memref_slice %arg7[%add3A_418, %dma_wait3A_424] : memref<40x64xi32, #tpu.memory_space<vmem>> -> memref<1x64xi32, #tpu.memory_space<vmem>>
      %dma_wait3A_426 = tpu.memref_squeeze %dma_wait3A_425 : memref<1x64xi32, #tpu.memory_space<vmem>> -> memref<64xi32, #tpu.memory_space<vmem>>
      %dma_wait3A_427 = arith.constant 0 : i32
      %dma_wait3A_428 = arith.constant 0 : i32
      %dma_wait3A_429 = tpu.memref_slice %arg9[%dma_wait3A_427, %dma_wait3A_428] : memref<10240x128xf32, #tpu.memory_space<vmem_shared>> -> memref<10240x128xf32, #tpu.memory_space<vmem_shared>>
      tpu.wait_indirect_dma semaphore(%arg15 : memref<!tpu.dma_semaphore, #tpu.memory_space<semaphore_mem>>) src(%dma_wait3A_423 : memref<64x128xf32, #tpu.memory_space<vmem>>) dst(%dma_wait3A_429 : memref<10240x128xf32, #tpu.memory_space<vmem_shared>>)
      %add3A_430 = arith.constant 4 : i32
      %add3A_431 = arith.addi %add3A_418, %add3A_430 : i32
      %lt3A_432 = arith.constant 40 : i32
      %lt3A_433 = arith.cmpi slt, %add3A_431, %lt3A_432 : i32
      %convert_element_type3A_434 = arith.extui %lt3A_433 : i1 to i32
      %cond3A_435 = arith.constant 0 : i32
      %cond3A_436 = arith.cmpi ne, %convert_element_type3A_434, %cond3A_435 : i32
      scf.if %cond3A_436 {
        %add3A_481 = arith.constant 4 : i32
        %add3A_482 = arith.addi %add3A_418, %add3A_481 : i32
        %dma_start3A_483 = arith.constant 1 : i32
        %dma_start3A_484 = arith.constant 0 : i32
        %dma_start3A_485 = arith.constant 0 : i32
        %dma_start3A_486 = tpu.memref_slice %arg8[%dma_start3A_483, %dma_start3A_484, %dma_start3A_485] : memref<4x64x128xf32, #tpu.memory_space<vmem>> -> memref<1x64x128xf32, #tpu.memory_space<vmem>>
        %dma_start3A_487 = tpu.memref_squeeze %dma_start3A_486 : memref<1x64x128xf32, #tpu.memory_space<vmem>> -> memref<64x128xf32, #tpu.memory_space<vmem>>
        %dma_start3A_488 = arith.constant 0 : i32
        %dma_start3A_489 = tpu.memref_slice %arg6[%add3A_482, %dma_start3A_488] : memref<40x64xi32, #tpu.memory_space<vmem>> -> memref<1x64xi32, #tpu.memory_space<vmem>>
        %dma_start3A_490 = tpu.memref_squeeze %dma_start3A_489 : memref<1x64xi32, #tpu.memory_space<vmem>> -> memref<64xi32, #tpu.memory_space<vmem>>
        %dma_start3A_491 = arith.constant 0 : i32
        %dma_start3A_492 = arith.constant 0 : i32
        %dma_start3A_493 = tpu.memref_slice %arg2[%dma_start3A_491, %dma_start3A_492] : memref<10000x128xf32, #tpu.memory_space<hbm>> -> memref<10000x128xf32, #tpu.memory_space<hbm>>
        tpu.enqueue_indirect_dma source(%dma_start3A_493 : memref<10000x128xf32, #tpu.memory_space<hbm>>) target(%dma_start3A_487 : memref<64x128xf32, #tpu.memory_space<vmem>>) offsets(%dma_start3A_490 : memref<64xi32, #tpu.memory_space<vmem>>) semaphore(%arg11 : memref<!tpu.dma_semaphore, #tpu.memory_space<semaphore_mem>>)
      } else {
      }
      %mul3A_437 = arith.constant 4 : i32
      %mul3A_438 = arith.muli %scan3A_292, %mul3A_437 : i32
      %add3A_439 = arith.constant 2 : i32
      %add3A_440 = arith.addi %mul3A_438, %add3A_439 : i32
      %dma_wait3A_441 = arith.constant 2 : i32
      %dma_wait3A_442 = arith.constant 0 : i32
      %dma_wait3A_443 = arith.constant 0 : i32
      %dma_wait3A_444 = tpu.memref_slice %arg8[%dma_wait3A_441, %dma_wait3A_442, %dma_wait3A_443] : memref<4x64x128xf32, #tpu.memory_space<vmem>> -> memref<1x64x128xf32, #tpu.memory_space<vmem>>
      %dma_wait3A_445 = tpu.memref_squeeze %dma_wait3A_444 : memref<1x64x128xf32, #tpu.memory_space<vmem>> -> memref<64x128xf32, #tpu.memory_space<vmem>>
      %dma_wait3A_446 = arith.constant 0 : i32
      %dma_wait3A_447 = tpu.memref_slice %arg7[%add3A_440, %dma_wait3A_446] : memref<40x64xi32, #tpu.memory_space<vmem>> -> memref<1x64xi32, #tpu.memory_space<vmem>>
      %dma_wait3A_448 = tpu.memref_squeeze %dma_wait3A_447 : memref<1x64xi32, #tpu.memory_space<vmem>> -> memref<64xi32, #tpu.memory_space<vmem>>
      %dma_wait3A_449 = arith.constant 0 : i32
      %dma_wait3A_450 = arith.constant 0 : i32
      %dma_wait3A_451 = tpu.memref_slice %arg9[%dma_wait3A_449, %dma_wait3A_450] : memref<10240x128xf32, #tpu.memory_space<vmem_shared>> -> memref<10240x128xf32, #tpu.memory_space<vmem_shared>>
      tpu.wait_indirect_dma semaphore(%arg16 : memref<!tpu.dma_semaphore, #tpu.memory_space<semaphore_mem>>) src(%dma_wait3A_445 : memref<64x128xf32, #tpu.memory_space<vmem>>) dst(%dma_wait3A_451 : memref<10240x128xf32, #tpu.memory_space<vmem_shared>>)
      %add3A_452 = arith.constant 4 : i32
      %add3A_453 = arith.addi %add3A_440, %add3A_452 : i32
      %lt3A_454 = arith.constant 40 : i32
      %lt3A_455 = arith.cmpi slt, %add3A_453, %lt3A_454 : i32
      %convert_element_type3A_456 = arith.extui %lt3A_455 : i1 to i32
      %cond3A_457 = arith.constant 0 : i32
      %cond3A_458 = arith.cmpi ne, %convert_element_type3A_456, %cond3A_457 : i32
      scf.if %cond3A_458 {
        %add3A_481 = arith.constant 4 : i32
        %add3A_482 = arith.addi %add3A_440, %add3A_481 : i32
        %dma_start3A_483 = arith.constant 2 : i32
        %dma_start3A_484 = arith.constant 0 : i32
        %dma_start3A_485 = arith.constant 0 : i32
        %dma_start3A_486 = tpu.memref_slice %arg8[%dma_start3A_483, %dma_start3A_484, %dma_start3A_485] : memref<4x64x128xf32, #tpu.memory_space<vmem>> -> memref<1x64x128xf32, #tpu.memory_space<vmem>>
        %dma_start3A_487 = tpu.memref_squeeze %dma_start3A_486 : memref<1x64x128xf32, #tpu.memory_space<vmem>> -> memref<64x128xf32, #tpu.memory_space<vmem>>
        %dma_start3A_488 = arith.constant 0 : i32
        %dma_start3A_489 = tpu.memref_slice %arg6[%add3A_482, %dma_start3A_488] : memref<40x64xi32, #tpu.memory_space<vmem>> -> memref<1x64xi32, #tpu.memory_space<vmem>>
        %dma_start3A_490 = tpu.memref_squeeze %dma_start3A_489 : memref<1x64xi32, #tpu.memory_space<vmem>> -> memref<64xi32, #tpu.memory_space<vmem>>
        %dma_start3A_491 = arith.constant 0 : i32
        %dma_start3A_492 = arith.constant 0 : i32
        %dma_start3A_493 = tpu.memref_slice %arg2[%dma_start3A_491, %dma_start3A_492] : memref<10000x128xf32, #tpu.memory_space<hbm>> -> memref<10000x128xf32, #tpu.memory_space<hbm>>
        tpu.enqueue_indirect_dma source(%dma_start3A_493 : memref<10000x128xf32, #tpu.memory_space<hbm>>) target(%dma_start3A_487 : memref<64x128xf32, #tpu.memory_space<vmem>>) offsets(%dma_start3A_490 : memref<64xi32, #tpu.memory_space<vmem>>) semaphore(%arg12 : memref<!tpu.dma_semaphore, #tpu.memory_space<semaphore_mem>>)
      } else {
      }
      %mul3A_459 = arith.constant 4 : i32
      %mul3A_460 = arith.muli %scan3A_292, %mul3A_459 : i32
      %add3A_461 = arith.constant 3 : i32
      %add3A_462 = arith.addi %mul3A_460, %add3A_461 : i32
      %dma_wait3A_463 = arith.constant 3 : i32
      %dma_wait3A_464 = arith.constant 0 : i32
      %dma_wait3A_465 = arith.constant 0 : i32
      %dma_wait3A_466 = tpu.memref_slice %arg8[%dma_wait3A_463, %dma_wait3A_464, %dma_wait3A_465] : memref<4x64x128xf32, #tpu.memory_space<vmem>> -> memref<1x64x128xf32, #tpu.memory_space<vmem>>
      %dma_wait3A_467 = tpu.memref_squeeze %dma_wait3A_466 : memref<1x64x128xf32, #tpu.memory_space<vmem>> -> memref<64x128xf32, #tpu.memory_space<vmem>>
      %dma_wait3A_468 = arith.constant 0 : i32
      %dma_wait3A_469 = tpu.memref_slice %arg7[%add3A_462, %dma_wait3A_468] : memref<40x64xi32, #tpu.memory_space<vmem>> -> memref<1x64xi32, #tpu.memory_space<vmem>>
      %dma_wait3A_470 = tpu.memref_squeeze %dma_wait3A_469 : memref<1x64xi32, #tpu.memory_space<vmem>> -> memref<64xi32, #tpu.memory_space<vmem>>
      %dma_wait3A_471 = arith.constant 0 : i32
      %dma_wait3A_472 = arith.constant 0 : i32
      %dma_wait3A_473 = tpu.memref_slice %arg9[%dma_wait3A_471, %dma_wait3A_472] : memref<10240x128xf32, #tpu.memory_space<vmem_shared>> -> memref<10240x128xf32, #tpu.memory_space<vmem_shared>>
      tpu.wait_indirect_dma semaphore(%arg17 : memref<!tpu.dma_semaphore, #tpu.memory_space<semaphore_mem>>) src(%dma_wait3A_467 : memref<64x128xf32, #tpu.memory_space<vmem>>) dst(%dma_wait3A_473 : memref<10240x128xf32, #tpu.memory_space<vmem_shared>>)
      %add3A_474 = arith.constant 4 : i32
      %add3A_475 = arith.addi %add3A_462, %add3A_474 : i32
      %lt3A_476 = arith.constant 40 : i32
      %lt3A_477 = arith.cmpi slt, %add3A_475, %lt3A_476 : i32
      %convert_element_type3A_478 = arith.extui %lt3A_477 : i1 to i32
      %cond3A_479 = arith.constant 0 : i32
      %cond3A_480 = arith.cmpi ne, %convert_element_type3A_478, %cond3A_479 : i32
      scf.if %cond3A_480 {
        %add3A_481 = arith.constant 4 : i32
        %add3A_482 = arith.addi %add3A_462, %add3A_481 : i32
        %dma_start3A_483 = arith.constant 3 : i32
        %dma_start3A_484 = arith.constant 0 : i32
        %dma_start3A_485 = arith.constant 0 : i32
        %dma_start3A_486 = tpu.memref_slice %arg8[%dma_start3A_483, %dma_start3A_484, %dma_start3A_485] : memref<4x64x128xf32, #tpu.memory_space<vmem>> -> memref<1x64x128xf32, #tpu.memory_space<vmem>>
        %dma_start3A_487 = tpu.memref_squeeze %dma_start3A_486 : memref<1x64x128xf32, #tpu.memory_space<vmem>> -> memref<64x128xf32, #tpu.memory_space<vmem>>
        %dma_start3A_488 = arith.constant 0 : i32
        %dma_start3A_489 = tpu.memref_slice %arg6[%add3A_482, %dma_start3A_488] : memref<40x64xi32, #tpu.memory_space<vmem>> -> memref<1x64xi32, #tpu.memory_space<vmem>>
        %dma_start3A_490 = tpu.memref_squeeze %dma_start3A_489 : memref<1x64xi32, #tpu.memory_space<vmem>> -> memref<64xi32, #tpu.memory_space<vmem>>
        %dma_start3A_491 = arith.constant 0 : i32
        %dma_start3A_492 = arith.constant 0 : i32
        %dma_start3A_493 = tpu.memref_slice %arg2[%dma_start3A_491, %dma_start3A_492] : memref<10000x128xf32, #tpu.memory_space<hbm>> -> memref<10000x128xf32, #tpu.memory_space<hbm>>
        tpu.enqueue_indirect_dma source(%dma_start3A_493 : memref<10000x128xf32, #tpu.memory_space<hbm>>) target(%dma_start3A_487 : memref<64x128xf32, #tpu.memory_space<vmem>>) offsets(%dma_start3A_490 : memref<64xi32, #tpu.memory_space<vmem>>) semaphore(%arg13 : memref<!tpu.dma_semaphore, #tpu.memory_space<semaphore_mem>>)
      } else {
      }
    }
    %scan3A_228 = arith.constant 10 : i32
    %mul3A_229 = arith.constant 160 : i32
    %mul3A_230 = arith.muli %add3A, %mul3A_229 : i32
    %add3A_231 = arith.constant 120 : i32
    %add3A_232 = arith.addi %mul3A_230, %add3A_231 : i32
    "tpu.region"() ({
      %run_scoped3A_292 = tpu.sem_alloc : memref<!tpu.dma_semaphore, #tpu.memory_space<semaphore_mem>>
      %dma_start3A_293 = arith.constant 0 : i32
      %dma_start3A_294 = tpu.memref_slice %arg3[%add3A_232, %dma_start3A_293] : memref<5120x64xi32, #tpu.memory_space<hbm>> -> memref<40x64xi32, #tpu.memory_space<hbm>>
      %dma_start3A_295 = arith.constant 0 : i32
      %dma_start3A_296 = tpu.memref_slice %arg3[%add3A_232, %dma_start3A_295] : memref<5120x64xi32, #tpu.memory_space<hbm>> -> memref<40x64xi32, #tpu.memory_space<hbm>>
      tpu.enqueue_dma source(%dma_start3A_296 : memref<40x64xi32, #tpu.memory_space<hbm>>) target(%arg6 : memref<40x64xi32, #tpu.memory_space<vmem>>) target_semaphore(%run_scoped3A_292 : memref<!tpu.dma_semaphore, #tpu.memory_space<semaphore_mem>>)
      %dma_wait3A = arith.constant 0 : i32
      %dma_wait3A_297 = tpu.memref_slice %arg3[%add3A_232, %dma_wait3A] : memref<5120x64xi32, #tpu.memory_space<hbm>> -> memref<40x64xi32, #tpu.memory_space<hbm>>
      %dma_wait3A_298 = arith.constant 0 : i32
      %dma_wait3A_299 = tpu.memref_slice %arg3[%add3A_232, %dma_wait3A_298] : memref<5120x64xi32, #tpu.memory_space<hbm>> -> memref<40x64xi32, #tpu.memory_space<hbm>>
      tpu.wait_dma2 semaphore(%run_scoped3A_292 : memref<!tpu.dma_semaphore, #tpu.memory_space<semaphore_mem>>) src(%dma_wait3A_299 : memref<40x64xi32, #tpu.memory_space<hbm>>) dst(%arg6 : memref<40x64xi32, #tpu.memory_space<vmem>>)
      tpu.yield
    }) : () -> ()
    "tpu.region"() ({
      %run_scoped3A_292 = tpu.sem_alloc : memref<!tpu.dma_semaphore, #tpu.memory_space<semaphore_mem>>
      %dma_start3A_293 = arith.constant 0 : i32
      %dma_start3A_294 = tpu.memref_slice %arg4[%add3A_232, %dma_start3A_293] : memref<5120x64xi32, #tpu.memory_space<hbm>> -> memref<40x64xi32, #tpu.memory_space<hbm>>
      %dma_start3A_295 = arith.constant 0 : i32
      %dma_start3A_296 = tpu.memref_slice %arg4[%add3A_232, %dma_start3A_295] : memref<5120x64xi32, #tpu.memory_space<hbm>> -> memref<40x64xi32, #tpu.memory_space<hbm>>
      tpu.enqueue_dma source(%dma_start3A_296 : memref<40x64xi32, #tpu.memory_space<hbm>>) target(%arg7 : memref<40x64xi32, #tpu.memory_space<vmem>>) target_semaphore(%run_scoped3A_292 : memref<!tpu.dma_semaphore, #tpu.memory_space<semaphore_mem>>)
      %dma_wait3A = arith.constant 0 : i32
      %dma_wait3A_297 = tpu.memref_slice %arg4[%add3A_232, %dma_wait3A] : memref<5120x64xi32, #tpu.memory_space<hbm>> -> memref<40x64xi32, #tpu.memory_space<hbm>>
      %dma_wait3A_298 = arith.constant 0 : i32
      %dma_wait3A_299 = tpu.memref_slice %arg4[%add3A_232, %dma_wait3A_298] : memref<5120x64xi32, #tpu.memory_space<hbm>> -> memref<40x64xi32, #tpu.memory_space<hbm>>
      tpu.wait_dma2 semaphore(%run_scoped3A_292 : memref<!tpu.dma_semaphore, #tpu.memory_space<semaphore_mem>>) src(%dma_wait3A_299 : memref<40x64xi32, #tpu.memory_space<hbm>>) dst(%arg7 : memref<40x64xi32, #tpu.memory_space<vmem>>)
      tpu.yield
    }) : () -> ()
    %dma_start3A_233 = arith.constant 0 : i32
    %dma_start3A_234 = arith.constant 0 : i32
    %dma_start3A_235 = arith.constant 0 : i32
    %dma_start3A_236 = arith.constant 0 : i32
    %dma_start3A_237 = tpu.memref_slice %arg8[%dma_start3A_234, %dma_start3A_235, %dma_start3A_236] : memref<4x64x128xf32, #tpu.memory_space<vmem>> -> memref<1x64x128xf32, #tpu.memory_space<vmem>>
    %dma_start3A_238 = tpu.memref_squeeze %dma_start3A_237 : memref<1x64x128xf32, #tpu.memory_space<vmem>> -> memref<64x128xf32, #tpu.memory_space<vmem>>
    %dma_start3A_239 = arith.constant 0 : i32
    %dma_start3A_240 = tpu.memref_slice %arg6[%dma_start3A_233, %dma_start3A_239] : memref<40x64xi32, #tpu.memory_space<vmem>> -> memref<1x64xi32, #tpu.memory_space<vmem>>
    %dma_start3A_241 = tpu.memref_squeeze %dma_start3A_240 : memref<1x64xi32, #tpu.memory_space<vmem>> -> memref<64xi32, #tpu.memory_space<vmem>>
    %dma_start3A_242 = arith.constant 0 : i32
    %dma_start3A_243 = arith.constant 0 : i32
    %dma_start3A_244 = tpu.memref_slice %arg2[%dma_start3A_242, %dma_start3A_243] : memref<10000x128xf32, #tpu.memory_space<hbm>> -> memref<10000x128xf32, #tpu.memory_space<hbm>>
    tpu.enqueue_indirect_dma source(%dma_start3A_244 : memref<10000x128xf32, #tpu.memory_space<hbm>>) target(%dma_start3A_238 : memref<64x128xf32, #tpu.memory_space<vmem>>) offsets(%dma_start3A_241 : memref<64xi32, #tpu.memory_space<vmem>>) semaphore(%arg10 : memref<!tpu.dma_semaphore, #tpu.memory_space<semaphore_mem>>)
    %dma_start3A_245 = arith.constant 1 : i32
    %dma_start3A_246 = arith.constant 1 : i32
    %dma_start3A_247 = arith.constant 0 : i32
    %dma_start3A_248 = arith.constant 0 : i32
    %dma_start3A_249 = tpu.memref_slice %arg8[%dma_start3A_246, %dma_start3A_247, %dma_start3A_248] : memref<4x64x128xf32, #tpu.memory_space<vmem>> -> memref<1x64x128xf32, #tpu.memory_space<vmem>>
    %dma_start3A_250 = tpu.memref_squeeze %dma_start3A_249 : memref<1x64x128xf32, #tpu.memory_space<vmem>> -> memref<64x128xf32, #tpu.memory_space<vmem>>
    %dma_start3A_251 = arith.constant 0 : i32
    %dma_start3A_252 = tpu.memref_slice %arg6[%dma_start3A_245, %dma_start3A_251] : memref<40x64xi32, #tpu.memory_space<vmem>> -> memref<1x64xi32, #tpu.memory_space<vmem>>
    %dma_start3A_253 = tpu.memref_squeeze %dma_start3A_252 : memref<1x64xi32, #tpu.memory_space<vmem>> -> memref<64xi32, #tpu.memory_space<vmem>>
    %dma_start3A_254 = arith.constant 0 : i32
    %dma_start3A_255 = arith.constant 0 : i32
    %dma_start3A_256 = tpu.memref_slice %arg2[%dma_start3A_254, %dma_start3A_255] : memref<10000x128xf32, #tpu.memory_space<hbm>> -> memref<10000x128xf32, #tpu.memory_space<hbm>>
    tpu.enqueue_indirect_dma source(%dma_start3A_256 : memref<10000x128xf32, #tpu.memory_space<hbm>>) target(%dma_start3A_250 : memref<64x128xf32, #tpu.memory_space<vmem>>) offsets(%dma_start3A_253 : memref<64xi32, #tpu.memory_space<vmem>>) semaphore(%arg11 : memref<!tpu.dma_semaphore, #tpu.memory_space<semaphore_mem>>)
    %dma_start3A_257 = arith.constant 2 : i32
    %dma_start3A_258 = arith.constant 2 : i32
    %dma_start3A_259 = arith.constant 0 : i32
    %dma_start3A_260 = arith.constant 0 : i32
    %dma_start3A_261 = tpu.memref_slice %arg8[%dma_start3A_258, %dma_start3A_259, %dma_start3A_260] : memref<4x64x128xf32, #tpu.memory_space<vmem>> -> memref<1x64x128xf32, #tpu.memory_space<vmem>>
    %dma_start3A_262 = tpu.memref_squeeze %dma_start3A_261 : memref<1x64x128xf32, #tpu.memory_space<vmem>> -> memref<64x128xf32, #tpu.memory_space<vmem>>
    %dma_start3A_263 = arith.constant 0 : i32
    %dma_start3A_264 = tpu.memref_slice %arg6[%dma_start3A_257, %dma_start3A_263] : memref<40x64xi32, #tpu.memory_space<vmem>> -> memref<1x64xi32, #tpu.memory_space<vmem>>
    %dma_start3A_265 = tpu.memref_squeeze %dma_start3A_264 : memref<1x64xi32, #tpu.memory_space<vmem>> -> memref<64xi32, #tpu.memory_space<vmem>>
    %dma_start3A_266 = arith.constant 0 : i32
    %dma_start3A_267 = arith.constant 0 : i32
    %dma_start3A_268 = tpu.memref_slice %arg2[%dma_start3A_266, %dma_start3A_267] : memref<10000x128xf32, #tpu.memory_space<hbm>> -> memref<10000x128xf32, #tpu.memory_space<hbm>>
    tpu.enqueue_indirect_dma source(%dma_start3A_268 : memref<10000x128xf32, #tpu.memory_space<hbm>>) target(%dma_start3A_262 : memref<64x128xf32, #tpu.memory_space<vmem>>) offsets(%dma_start3A_265 : memref<64xi32, #tpu.memory_space<vmem>>) semaphore(%arg12 : memref<!tpu.dma_semaphore, #tpu.memory_space<semaphore_mem>>)
    %dma_start3A_269 = arith.constant 3 : i32
    %dma_start3A_270 = arith.constant 3 : i32
    %dma_start3A_271 = arith.constant 0 : i32
    %dma_start3A_272 = arith.constant 0 : i32
    %dma_start3A_273 = tpu.memref_slice %arg8[%dma_start3A_270, %dma_start3A_271, %dma_start3A_272] : memref<4x64x128xf32, #tpu.memory_space<vmem>> -> memref<1x64x128xf32, #tpu.memory_space<vmem>>
    %dma_start3A_274 = tpu.memref_squeeze %dma_start3A_273 : memref<1x64x128xf32, #tpu.memory_space<vmem>> -> memref<64x128xf32, #tpu.memory_space<vmem>>
    %dma_start3A_275 = arith.constant 0 : i32
    %dma_start3A_276 = tpu.memref_slice %arg6[%dma_start3A_269, %dma_start3A_275] : memref<40x64xi32, #tpu.memory_space<vmem>> -> memref<1x64xi32, #tpu.memory_space<vmem>>
    %dma_start3A_277 = tpu.memref_squeeze %dma_start3A_276 : memref<1x64xi32, #tpu.memory_space<vmem>> -> memref<64xi32, #tpu.memory_space<vmem>>
    %dma_start3A_278 = arith.constant 0 : i32
    %dma_start3A_279 = arith.constant 0 : i32
    %dma_start3A_280 = tpu.memref_slice %arg2[%dma_start3A_278, %dma_start3A_279] : memref<10000x128xf32, #tpu.memory_space<hbm>> -> memref<10000x128xf32, #tpu.memory_space<hbm>>
    tpu.enqueue_indirect_dma source(%dma_start3A_280 : memref<10000x128xf32, #tpu.memory_space<hbm>>) target(%dma_start3A_274 : memref<64x128xf32, #tpu.memory_space<vmem>>) offsets(%dma_start3A_277 : memref<64xi32, #tpu.memory_space<vmem>>) semaphore(%arg13 : memref<!tpu.dma_semaphore, #tpu.memory_space<semaphore_mem>>)
    %scan3A_281 = arith.constant 0 : i32
    %scan3A_282 = arith.constant 0 : i32
    %scan3A_283 = arith.constant 10 : i32
    %scan3A_284 = arith.addi %scan3A_282, %scan3A_283 : i32
    %scan3A_285 = arith.constant 1 : i32
    scf.for %scan3A_292 = %scan3A_282 to %scan3A_284 step %scan3A_285  : i32 {
      %mul3A_293 = arith.constant 4 : i32
      %mul3A_294 = arith.muli %scan3A_292, %mul3A_293 : i32
      %add3A_295 = arith.constant 0 : i32
      %add3A_296 = arith.addi %mul3A_294, %add3A_295 : i32
      %dma_wait3A = arith.constant 0 : i32
      %dma_wait3A_297 = arith.constant 0 : i32
      %dma_wait3A_298 = arith.constant 0 : i32
      %dma_wait3A_299 = tpu.memref_slice %arg8[%dma_wait3A, %dma_wait3A_297, %dma_wait3A_298] : memref<4x64x128xf32, #tpu.memory_space<vmem>> -> memref<1x64x128xf32, #tpu.memory_space<vmem>>
      %dma_wait3A_300 = tpu.memref_squeeze %dma_wait3A_299 : memref<1x64x128xf32, #tpu.memory_space<vmem>> -> memref<64x128xf32, #tpu.memory_space<vmem>>
      %dma_wait3A_301 = arith.constant 0 : i32
      %dma_wait3A_302 = tpu.memref_slice %arg6[%add3A_296, %dma_wait3A_301] : memref<40x64xi32, #tpu.memory_space<vmem>> -> memref<1x64xi32, #tpu.memory_space<vmem>>
      %dma_wait3A_303 = tpu.memref_squeeze %dma_wait3A_302 : memref<1x64xi32, #tpu.memory_space<vmem>> -> memref<64xi32, #tpu.memory_space<vmem>>
      %dma_wait3A_304 = arith.constant 0 : i32
      %dma_wait3A_305 = arith.constant 0 : i32
      %dma_wait3A_306 = tpu.memref_slice %arg2[%dma_wait3A_304, %dma_wait3A_305] : memref<10000x128xf32, #tpu.memory_space<hbm>> -> memref<10000x128xf32, #tpu.memory_space<hbm>>
      tpu.wait_indirect_dma semaphore(%arg10 : memref<!tpu.dma_semaphore, #tpu.memory_space<semaphore_mem>>) src(%dma_wait3A_306 : memref<10000x128xf32, #tpu.memory_space<hbm>>) dst(%dma_wait3A_300 : memref<64x128xf32, #tpu.memory_space<vmem>>)
      %dma_start3A_307 = arith.constant 0 : i32
      %dma_start3A_308 = arith.constant 0 : i32
      %dma_start3A_309 = arith.constant 0 : i32
      %dma_start3A_310 = tpu.memref_slice %arg8[%dma_start3A_307, %dma_start3A_308, %dma_start3A_309] : memref<4x64x128xf32, #tpu.memory_space<vmem>> -> memref<1x64x128xf32, #tpu.memory_space<vmem>>
      %dma_start3A_311 = tpu.memref_squeeze %dma_start3A_310 : memref<1x64x128xf32, #tpu.memory_space<vmem>> -> memref<64x128xf32, #tpu.memory_space<vmem>>
      %dma_start3A_312 = arith.constant 0 : i32
      %dma_start3A_313 = tpu.memref_slice %arg7[%add3A_296, %dma_start3A_312] : memref<40x64xi32, #tpu.memory_space<vmem>> -> memref<1x64xi32, #tpu.memory_space<vmem>>
      %dma_start3A_314 = tpu.memref_squeeze %dma_start3A_313 : memref<1x64xi32, #tpu.memory_space<vmem>> -> memref<64xi32, #tpu.memory_space<vmem>>
      %dma_start3A_315 = arith.constant 0 : i32
      %dma_start3A_316 = arith.constant 0 : i32
      %dma_start3A_317 = tpu.memref_slice %arg9[%dma_start3A_315, %dma_start3A_316] : memref<10240x128xf32, #tpu.memory_space<vmem_shared>> -> memref<10240x128xf32, #tpu.memory_space<vmem_shared>>
      tpu.enqueue_indirect_dma source(%dma_start3A_311 : memref<64x128xf32, #tpu.memory_space<vmem>>) target(%dma_start3A_317 : memref<10240x128xf32, #tpu.memory_space<vmem_shared>>) offsets(%dma_start3A_314 : memref<64xi32, #tpu.memory_space<vmem>>) semaphore(%arg14 : memref<!tpu.dma_semaphore, #tpu.memory_space<semaphore_mem>>) {add = true}
      %mul3A_318 = arith.constant 4 : i32
      %mul3A_319 = arith.muli %scan3A_292, %mul3A_318 : i32
      %add3A_320 = arith.constant 1 : i32
      %add3A_321 = arith.addi %mul3A_319, %add3A_320 : i32
      %dma_wait3A_322 = arith.constant 1 : i32
      %dma_wait3A_323 = arith.constant 0 : i32
      %dma_wait3A_324 = arith.constant 0 : i32
      %dma_wait3A_325 = tpu.memref_slice %arg8[%dma_wait3A_322, %dma_wait3A_323, %dma_wait3A_324] : memref<4x64x128xf32, #tpu.memory_space<vmem>> -> memref<1x64x128xf32, #tpu.memory_space<vmem>>
      %dma_wait3A_326 = tpu.memref_squeeze %dma_wait3A_325 : memref<1x64x128xf32, #tpu.memory_space<vmem>> -> memref<64x128xf32, #tpu.memory_space<vmem>>
      %dma_wait3A_327 = arith.constant 0 : i32
      %dma_wait3A_328 = tpu.memref_slice %arg6[%add3A_321, %dma_wait3A_327] : memref<40x64xi32, #tpu.memory_space<vmem>> -> memref<1x64xi32, #tpu.memory_space<vmem>>
      %dma_wait3A_329 = tpu.memref_squeeze %dma_wait3A_328 : memref<1x64xi32, #tpu.memory_space<vmem>> -> memref<64xi32, #tpu.memory_space<vmem>>
      %dma_wait3A_330 = arith.constant 0 : i32
      %dma_wait3A_331 = arith.constant 0 : i32
      %dma_wait3A_332 = tpu.memref_slice %arg2[%dma_wait3A_330, %dma_wait3A_331] : memref<10000x128xf32, #tpu.memory_space<hbm>> -> memref<10000x128xf32, #tpu.memory_space<hbm>>
      tpu.wait_indirect_dma semaphore(%arg11 : memref<!tpu.dma_semaphore, #tpu.memory_space<semaphore_mem>>) src(%dma_wait3A_332 : memref<10000x128xf32, #tpu.memory_space<hbm>>) dst(%dma_wait3A_326 : memref<64x128xf32, #tpu.memory_space<vmem>>)
      %dma_start3A_333 = arith.constant 1 : i32
      %dma_start3A_334 = arith.constant 0 : i32
      %dma_start3A_335 = arith.constant 0 : i32
      %dma_start3A_336 = tpu.memref_slice %arg8[%dma_start3A_333, %dma_start3A_334, %dma_start3A_335] : memref<4x64x128xf32, #tpu.memory_space<vmem>> -> memref<1x64x128xf32, #tpu.memory_space<vmem>>
      %dma_start3A_337 = tpu.memref_squeeze %dma_start3A_336 : memref<1x64x128xf32, #tpu.memory_space<vmem>> -> memref<64x128xf32, #tpu.memory_space<vmem>>
      %dma_start3A_338 = arith.constant 0 : i32
      %dma_start3A_339 = tpu.memref_slice %arg7[%add3A_321, %dma_start3A_338] : memref<40x64xi32, #tpu.memory_space<vmem>> -> memref<1x64xi32, #tpu.memory_space<vmem>>
      %dma_start3A_340 = tpu.memref_squeeze %dma_start3A_339 : memref<1x64xi32, #tpu.memory_space<vmem>> -> memref<64xi32, #tpu.memory_space<vmem>>
      %dma_start3A_341 = arith.constant 0 : i32
      %dma_start3A_342 = arith.constant 0 : i32
      %dma_start3A_343 = tpu.memref_slice %arg9[%dma_start3A_341, %dma_start3A_342] : memref<10240x128xf32, #tpu.memory_space<vmem_shared>> -> memref<10240x128xf32, #tpu.memory_space<vmem_shared>>
      tpu.enqueue_indirect_dma source(%dma_start3A_337 : memref<64x128xf32, #tpu.memory_space<vmem>>) target(%dma_start3A_343 : memref<10240x128xf32, #tpu.memory_space<vmem_shared>>) offsets(%dma_start3A_340 : memref<64xi32, #tpu.memory_space<vmem>>) semaphore(%arg15 : memref<!tpu.dma_semaphore, #tpu.memory_space<semaphore_mem>>) {add = true}
      %mul3A_344 = arith.constant 4 : i32
      %mul3A_345 = arith.muli %scan3A_292, %mul3A_344 : i32
      %add3A_346 = arith.constant 2 : i32
      %add3A_347 = arith.addi %mul3A_345, %add3A_346 : i32
      %dma_wait3A_348 = arith.constant 2 : i32
      %dma_wait3A_349 = arith.constant 0 : i32
      %dma_wait3A_350 = arith.constant 0 : i32
      %dma_wait3A_351 = tpu.memref_slice %arg8[%dma_wait3A_348, %dma_wait3A_349, %dma_wait3A_350] : memref<4x64x128xf32, #tpu.memory_space<vmem>> -> memref<1x64x128xf32, #tpu.memory_space<vmem>>
      %dma_wait3A_352 = tpu.memref_squeeze %dma_wait3A_351 : memref<1x64x128xf32, #tpu.memory_space<vmem>> -> memref<64x128xf32, #tpu.memory_space<vmem>>
      %dma_wait3A_353 = arith.constant 0 : i32
      %dma_wait3A_354 = tpu.memref_slice %arg6[%add3A_347, %dma_wait3A_353] : memref<40x64xi32, #tpu.memory_space<vmem>> -> memref<1x64xi32, #tpu.memory_space<vmem>>
      %dma_wait3A_355 = tpu.memref_squeeze %dma_wait3A_354 : memref<1x64xi32, #tpu.memory_space<vmem>> -> memref<64xi32, #tpu.memory_space<vmem>>
      %dma_wait3A_356 = arith.constant 0 : i32
      %dma_wait3A_357 = arith.constant 0 : i32
      %dma_wait3A_358 = tpu.memref_slice %arg2[%dma_wait3A_356, %dma_wait3A_357] : memref<10000x128xf32, #tpu.memory_space<hbm>> -> memref<10000x128xf32, #tpu.memory_space<hbm>>
      tpu.wait_indirect_dma semaphore(%arg12 : memref<!tpu.dma_semaphore, #tpu.memory_space<semaphore_mem>>) src(%dma_wait3A_358 : memref<10000x128xf32, #tpu.memory_space<hbm>>) dst(%dma_wait3A_352 : memref<64x128xf32, #tpu.memory_space<vmem>>)
      %dma_start3A_359 = arith.constant 2 : i32
      %dma_start3A_360 = arith.constant 0 : i32
      %dma_start3A_361 = arith.constant 0 : i32
      %dma_start3A_362 = tpu.memref_slice %arg8[%dma_start3A_359, %dma_start3A_360, %dma_start3A_361] : memref<4x64x128xf32, #tpu.memory_space<vmem>> -> memref<1x64x128xf32, #tpu.memory_space<vmem>>
      %dma_start3A_363 = tpu.memref_squeeze %dma_start3A_362 : memref<1x64x128xf32, #tpu.memory_space<vmem>> -> memref<64x128xf32, #tpu.memory_space<vmem>>
      %dma_start3A_364 = arith.constant 0 : i32
      %dma_start3A_365 = tpu.memref_slice %arg7[%add3A_347, %dma_start3A_364] : memref<40x64xi32, #tpu.memory_space<vmem>> -> memref<1x64xi32, #tpu.memory_space<vmem>>
      %dma_start3A_366 = tpu.memref_squeeze %dma_start3A_365 : memref<1x64xi32, #tpu.memory_space<vmem>> -> memref<64xi32, #tpu.memory_space<vmem>>
      %dma_start3A_367 = arith.constant 0 : i32
      %dma_start3A_368 = arith.constant 0 : i32
      %dma_start3A_369 = tpu.memref_slice %arg9[%dma_start3A_367, %dma_start3A_368] : memref<10240x128xf32, #tpu.memory_space<vmem_shared>> -> memref<10240x128xf32, #tpu.memory_space<vmem_shared>>
      tpu.enqueue_indirect_dma source(%dma_start3A_363 : memref<64x128xf32, #tpu.memory_space<vmem>>) target(%dma_start3A_369 : memref<10240x128xf32, #tpu.memory_space<vmem_shared>>) offsets(%dma_start3A_366 : memref<64xi32, #tpu.memory_space<vmem>>) semaphore(%arg16 : memref<!tpu.dma_semaphore, #tpu.memory_space<semaphore_mem>>) {add = true}
      %mul3A_370 = arith.constant 4 : i32
      %mul3A_371 = arith.muli %scan3A_292, %mul3A_370 : i32
      %add3A_372 = arith.constant 3 : i32
      %add3A_373 = arith.addi %mul3A_371, %add3A_372 : i32
      %dma_wait3A_374 = arith.constant 3 : i32
      %dma_wait3A_375 = arith.constant 0 : i32
      %dma_wait3A_376 = arith.constant 0 : i32
      %dma_wait3A_377 = tpu.memref_slice %arg8[%dma_wait3A_374, %dma_wait3A_375, %dma_wait3A_376] : memref<4x64x128xf32, #tpu.memory_space<vmem>> -> memref<1x64x128xf32, #tpu.memory_space<vmem>>
      %dma_wait3A_378 = tpu.memref_squeeze %dma_wait3A_377 : memref<1x64x128xf32, #tpu.memory_space<vmem>> -> memref<64x128xf32, #tpu.memory_space<vmem>>
      %dma_wait3A_379 = arith.constant 0 : i32
      %dma_wait3A_380 = tpu.memref_slice %arg6[%add3A_373, %dma_wait3A_379] : memref<40x64xi32, #tpu.memory_space<vmem>> -> memref<1x64xi32, #tpu.memory_space<vmem>>
      %dma_wait3A_381 = tpu.memref_squeeze %dma_wait3A_380 : memref<1x64xi32, #tpu.memory_space<vmem>> -> memref<64xi32, #tpu.memory_space<vmem>>
      %dma_wait3A_382 = arith.constant 0 : i32
      %dma_wait3A_383 = arith.constant 0 : i32
      %dma_wait3A_384 = tpu.memref_slice %arg2[%dma_wait3A_382, %dma_wait3A_383] : memref<10000x128xf32, #tpu.memory_space<hbm>> -> memref<10000x128xf32, #tpu.memory_space<hbm>>
      tpu.wait_indirect_dma semaphore(%arg13 : memref<!tpu.dma_semaphore, #tpu.memory_space<semaphore_mem>>) src(%dma_wait3A_384 : memref<10000x128xf32, #tpu.memory_space<hbm>>) dst(%dma_wait3A_378 : memref<64x128xf32, #tpu.memory_space<vmem>>)
      %dma_start3A_385 = arith.constant 3 : i32
      %dma_start3A_386 = arith.constant 0 : i32
      %dma_start3A_387 = arith.constant 0 : i32
      %dma_start3A_388 = tpu.memref_slice %arg8[%dma_start3A_385, %dma_start3A_386, %dma_start3A_387] : memref<4x64x128xf32, #tpu.memory_space<vmem>> -> memref<1x64x128xf32, #tpu.memory_space<vmem>>
      %dma_start3A_389 = tpu.memref_squeeze %dma_start3A_388 : memref<1x64x128xf32, #tpu.memory_space<vmem>> -> memref<64x128xf32, #tpu.memory_space<vmem>>
      %dma_start3A_390 = arith.constant 0 : i32
      %dma_start3A_391 = tpu.memref_slice %arg7[%add3A_373, %dma_start3A_390] : memref<40x64xi32, #tpu.memory_space<vmem>> -> memref<1x64xi32, #tpu.memory_space<vmem>>
      %dma_start3A_392 = tpu.memref_squeeze %dma_start3A_391 : memref<1x64xi32, #tpu.memory_space<vmem>> -> memref<64xi32, #tpu.memory_space<vmem>>
      %dma_start3A_393 = arith.constant 0 : i32
      %dma_start3A_394 = arith.constant 0 : i32
      %dma_start3A_395 = tpu.memref_slice %arg9[%dma_start3A_393, %dma_start3A_394] : memref<10240x128xf32, #tpu.memory_space<vmem_shared>> -> memref<10240x128xf32, #tpu.memory_space<vmem_shared>>
      tpu.enqueue_indirect_dma source(%dma_start3A_389 : memref<64x128xf32, #tpu.memory_space<vmem>>) target(%dma_start3A_395 : memref<10240x128xf32, #tpu.memory_space<vmem_shared>>) offsets(%dma_start3A_392 : memref<64xi32, #tpu.memory_space<vmem>>) semaphore(%arg17 : memref<!tpu.dma_semaphore, #tpu.memory_space<semaphore_mem>>) {add = true}
      %mul3A_396 = arith.constant 4 : i32
      %mul3A_397 = arith.muli %scan3A_292, %mul3A_396 : i32
      %add3A_398 = arith.constant 0 : i32
      %add3A_399 = arith.addi %mul3A_397, %add3A_398 : i32
      %dma_wait3A_400 = arith.constant 0 : i32
      %dma_wait3A_401 = arith.constant 0 : i32
      %dma_wait3A_402 = arith.constant 0 : i32
      %dma_wait3A_403 = tpu.memref_slice %arg8[%dma_wait3A_400, %dma_wait3A_401, %dma_wait3A_402] : memref<4x64x128xf32, #tpu.memory_space<vmem>> -> memref<1x64x128xf32, #tpu.memory_space<vmem>>
      %dma_wait3A_404 = tpu.memref_squeeze %dma_wait3A_403 : memref<1x64x128xf32, #tpu.memory_space<vmem>> -> memref<64x128xf32, #tpu.memory_space<vmem>>
      %dma_wait3A_405 = arith.constant 0 : i32
      %dma_wait3A_406 = tpu.memref_slice %arg7[%add3A_399, %dma_wait3A_405] : memref<40x64xi32, #tpu.memory_space<vmem>> -> memref<1x64xi32, #tpu.memory_space<vmem>>
      %dma_wait3A_407 = tpu.memref_squeeze %dma_wait3A_406 : memref<1x64xi32, #tpu.memory_space<vmem>> -> memref<64xi32, #tpu.memory_space<vmem>>
      %dma_wait3A_408 = arith.constant 0 : i32
      %dma_wait3A_409 = arith.constant 0 : i32
      %dma_wait3A_410 = tpu.memref_slice %arg9[%dma_wait3A_408, %dma_wait3A_409] : memref<10240x128xf32, #tpu.memory_space<vmem_shared>> -> memref<10240x128xf32, #tpu.memory_space<vmem_shared>>
      tpu.wait_indirect_dma semaphore(%arg14 : memref<!tpu.dma_semaphore, #tpu.memory_space<semaphore_mem>>) src(%dma_wait3A_404 : memref<64x128xf32, #tpu.memory_space<vmem>>) dst(%dma_wait3A_410 : memref<10240x128xf32, #tpu.memory_space<vmem_shared>>)
      %add3A_411 = arith.constant 4 : i32
      %add3A_412 = arith.addi %add3A_399, %add3A_411 : i32
      %lt3A = arith.constant 40 : i32
      %lt3A_413 = arith.cmpi slt, %add3A_412, %lt3A : i32
      %convert_element_type3A = arith.extui %lt3A_413 : i1 to i32
      %cond3A = arith.constant 0 : i32
      %cond3A_414 = arith.cmpi ne, %convert_element_type3A, %cond3A : i32
      scf.if %cond3A_414 {
        %add3A_481 = arith.constant 4 : i32
        %add3A_482 = arith.addi %add3A_399, %add3A_481 : i32
        %dma_start3A_483 = arith.constant 0 : i32
        %dma_start3A_484 = arith.constant 0 : i32
        %dma_start3A_485 = arith.constant 0 : i32
        %dma_start3A_486 = tpu.memref_slice %arg8[%dma_start3A_483, %dma_start3A_484, %dma_start3A_485] : memref<4x64x128xf32, #tpu.memory_space<vmem>> -> memref<1x64x128xf32, #tpu.memory_space<vmem>>
        %dma_start3A_487 = tpu.memref_squeeze %dma_start3A_486 : memref<1x64x128xf32, #tpu.memory_space<vmem>> -> memref<64x128xf32, #tpu.memory_space<vmem>>
        %dma_start3A_488 = arith.constant 0 : i32
        %dma_start3A_489 = tpu.memref_slice %arg6[%add3A_482, %dma_start3A_488] : memref<40x64xi32, #tpu.memory_space<vmem>> -> memref<1x64xi32, #tpu.memory_space<vmem>>
        %dma_start3A_490 = tpu.memref_squeeze %dma_start3A_489 : memref<1x64xi32, #tpu.memory_space<vmem>> -> memref<64xi32, #tpu.memory_space<vmem>>
        %dma_start3A_491 = arith.constant 0 : i32
        %dma_start3A_492 = arith.constant 0 : i32
        %dma_start3A_493 = tpu.memref_slice %arg2[%dma_start3A_491, %dma_start3A_492] : memref<10000x128xf32, #tpu.memory_space<hbm>> -> memref<10000x128xf32, #tpu.memory_space<hbm>>
        tpu.enqueue_indirect_dma source(%dma_start3A_493 : memref<10000x128xf32, #tpu.memory_space<hbm>>) target(%dma_start3A_487 : memref<64x128xf32, #tpu.memory_space<vmem>>) offsets(%dma_start3A_490 : memref<64xi32, #tpu.memory_space<vmem>>) semaphore(%arg10 : memref<!tpu.dma_semaphore, #tpu.memory_space<semaphore_mem>>)
      } else {
      }
      %mul3A_415 = arith.constant 4 : i32
      %mul3A_416 = arith.muli %scan3A_292, %mul3A_415 : i32
      %add3A_417 = arith.constant 1 : i32
      %add3A_418 = arith.addi %mul3A_416, %add3A_417 : i32
      %dma_wait3A_419 = arith.constant 1 : i32
      %dma_wait3A_420 = arith.constant 0 : i32
      %dma_wait3A_421 = arith.constant 0 : i32
      %dma_wait3A_422 = tpu.memref_slice %arg8[%dma_wait3A_419, %dma_wait3A_420, %dma_wait3A_421] : memref<4x64x128xf32, #tpu.memory_space<vmem>> -> memref<1x64x128xf32, #tpu.memory_space<vmem>>
      %dma_wait3A_423 = tpu.memref_squeeze %dma_wait3A_422 : memref<1x64x128xf32, #tpu.memory_space<vmem>> -> memref<64x128xf32, #tpu.memory_space<vmem>>
      %dma_wait3A_424 = arith.constant 0 : i32
      %dma_wait3A_425 = tpu.memref_slice %arg7[%add3A_418, %dma_wait3A_424] : memref<40x64xi32, #tpu.memory_space<vmem>> -> memref<1x64xi32, #tpu.memory_space<vmem>>
      %dma_wait3A_426 = tpu.memref_squeeze %dma_wait3A_425 : memref<1x64xi32, #tpu.memory_space<vmem>> -> memref<64xi32, #tpu.memory_space<vmem>>
      %dma_wait3A_427 = arith.constant 0 : i32
      %dma_wait3A_428 = arith.constant 0 : i32
      %dma_wait3A_429 = tpu.memref_slice %arg9[%dma_wait3A_427, %dma_wait3A_428] : memref<10240x128xf32, #tpu.memory_space<vmem_shared>> -> memref<10240x128xf32, #tpu.memory_space<vmem_shared>>
      tpu.wait_indirect_dma semaphore(%arg15 : memref<!tpu.dma_semaphore, #tpu.memory_space<semaphore_mem>>) src(%dma_wait3A_423 : memref<64x128xf32, #tpu.memory_space<vmem>>) dst(%dma_wait3A_429 : memref<10240x128xf32, #tpu.memory_space<vmem_shared>>)
      %add3A_430 = arith.constant 4 : i32
      %add3A_431 = arith.addi %add3A_418, %add3A_430 : i32
      %lt3A_432 = arith.constant 40 : i32
      %lt3A_433 = arith.cmpi slt, %add3A_431, %lt3A_432 : i32
      %convert_element_type3A_434 = arith.extui %lt3A_433 : i1 to i32
      %cond3A_435 = arith.constant 0 : i32
      %cond3A_436 = arith.cmpi ne, %convert_element_type3A_434, %cond3A_435 : i32
      scf.if %cond3A_436 {
        %add3A_481 = arith.constant 4 : i32
        %add3A_482 = arith.addi %add3A_418, %add3A_481 : i32
        %dma_start3A_483 = arith.constant 1 : i32
        %dma_start3A_484 = arith.constant 0 : i32
        %dma_start3A_485 = arith.constant 0 : i32
        %dma_start3A_486 = tpu.memref_slice %arg8[%dma_start3A_483, %dma_start3A_484, %dma_start3A_485] : memref<4x64x128xf32, #tpu.memory_space<vmem>> -> memref<1x64x128xf32, #tpu.memory_space<vmem>>
        %dma_start3A_487 = tpu.memref_squeeze %dma_start3A_486 : memref<1x64x128xf32, #tpu.memory_space<vmem>> -> memref<64x128xf32, #tpu.memory_space<vmem>>
        %dma_start3A_488 = arith.constant 0 : i32
        %dma_start3A_489 = tpu.memref_slice %arg6[%add3A_482, %dma_start3A_488] : memref<40x64xi32, #tpu.memory_space<vmem>> -> memref<1x64xi32, #tpu.memory_space<vmem>>
        %dma_start3A_490 = tpu.memref_squeeze %dma_start3A_489 : memref<1x64xi32, #tpu.memory_space<vmem>> -> memref<64xi32, #tpu.memory_space<vmem>>
        %dma_start3A_491 = arith.constant 0 : i32
        %dma_start3A_492 = arith.constant 0 : i32
        %dma_start3A_493 = tpu.memref_slice %arg2[%dma_start3A_491, %dma_start3A_492] : memref<10000x128xf32, #tpu.memory_space<hbm>> -> memref<10000x128xf32, #tpu.memory_space<hbm>>
        tpu.enqueue_indirect_dma source(%dma_start3A_493 : memref<10000x128xf32, #tpu.memory_space<hbm>>) target(%dma_start3A_487 : memref<64x128xf32, #tpu.memory_space<vmem>>) offsets(%dma_start3A_490 : memref<64xi32, #tpu.memory_space<vmem>>) semaphore(%arg11 : memref<!tpu.dma_semaphore, #tpu.memory_space<semaphore_mem>>)
      } else {
      }
      %mul3A_437 = arith.constant 4 : i32
      %mul3A_438 = arith.muli %scan3A_292, %mul3A_437 : i32
      %add3A_439 = arith.constant 2 : i32
      %add3A_440 = arith.addi %mul3A_438, %add3A_439 : i32
      %dma_wait3A_441 = arith.constant 2 : i32
      %dma_wait3A_442 = arith.constant 0 : i32
      %dma_wait3A_443 = arith.constant 0 : i32
      %dma_wait3A_444 = tpu.memref_slice %arg8[%dma_wait3A_441, %dma_wait3A_442, %dma_wait3A_443] : memref<4x64x128xf32, #tpu.memory_space<vmem>> -> memref<1x64x128xf32, #tpu.memory_space<vmem>>
      %dma_wait3A_445 = tpu.memref_squeeze %dma_wait3A_444 : memref<1x64x128xf32, #tpu.memory_space<vmem>> -> memref<64x128xf32, #tpu.memory_space<vmem>>
      %dma_wait3A_446 = arith.constant 0 : i32
      %dma_wait3A_447 = tpu.memref_slice %arg7[%add3A_440, %dma_wait3A_446] : memref<40x64xi32, #tpu.memory_space<vmem>> -> memref<1x64xi32, #tpu.memory_space<vmem>>
      %dma_wait3A_448 = tpu.memref_squeeze %dma_wait3A_447 : memref<1x64xi32, #tpu.memory_space<vmem>> -> memref<64xi32, #tpu.memory_space<vmem>>
      %dma_wait3A_449 = arith.constant 0 : i32
      %dma_wait3A_450 = arith.constant 0 : i32
      %dma_wait3A_451 = tpu.memref_slice %arg9[%dma_wait3A_449, %dma_wait3A_450] : memref<10240x128xf32, #tpu.memory_space<vmem_shared>> -> memref<10240x128xf32, #tpu.memory_space<vmem_shared>>
      tpu.wait_indirect_dma semaphore(%arg16 : memref<!tpu.dma_semaphore, #tpu.memory_space<semaphore_mem>>) src(%dma_wait3A_445 : memref<64x128xf32, #tpu.memory_space<vmem>>) dst(%dma_wait3A_451 : memref<10240x128xf32, #tpu.memory_space<vmem_shared>>)
      %add3A_452 = arith.constant 4 : i32
      %add3A_453 = arith.addi %add3A_440, %add3A_452 : i32
      %lt3A_454 = arith.constant 40 : i32
      %lt3A_455 = arith.cmpi slt, %add3A_453, %lt3A_454 : i32
      %convert_element_type3A_456 = arith.extui %lt3A_455 : i1 to i32
      %cond3A_457 = arith.constant 0 : i32
      %cond3A_458 = arith.cmpi ne, %convert_element_type3A_456, %cond3A_457 : i32
      scf.if %cond3A_458 {
        %add3A_481 = arith.constant 4 : i32
        %add3A_482 = arith.addi %add3A_440, %add3A_481 : i32
        %dma_start3A_483 = arith.constant 2 : i32
        %dma_start3A_484 = arith.constant 0 : i32
        %dma_start3A_485 = arith.constant 0 : i32
        %dma_start3A_486 = tpu.memref_slice %arg8[%dma_start3A_483, %dma_start3A_484, %dma_start3A_485] : memref<4x64x128xf32, #tpu.memory_space<vmem>> -> memref<1x64x128xf32, #tpu.memory_space<vmem>>
        %dma_start3A_487 = tpu.memref_squeeze %dma_start3A_486 : memref<1x64x128xf32, #tpu.memory_space<vmem>> -> memref<64x128xf32, #tpu.memory_space<vmem>>
        %dma_start3A_488 = arith.constant 0 : i32
        %dma_start3A_489 = tpu.memref_slice %arg6[%add3A_482, %dma_start3A_488] : memref<40x64xi32, #tpu.memory_space<vmem>> -> memref<1x64xi32, #tpu.memory_space<vmem>>
        %dma_start3A_490 = tpu.memref_squeeze %dma_start3A_489 : memref<1x64xi32, #tpu.memory_space<vmem>> -> memref<64xi32, #tpu.memory_space<vmem>>
        %dma_start3A_491 = arith.constant 0 : i32
        %dma_start3A_492 = arith.constant 0 : i32
        %dma_start3A_493 = tpu.memref_slice %arg2[%dma_start3A_491, %dma_start3A_492] : memref<10000x128xf32, #tpu.memory_space<hbm>> -> memref<10000x128xf32, #tpu.memory_space<hbm>>
        tpu.enqueue_indirect_dma source(%dma_start3A_493 : memref<10000x128xf32, #tpu.memory_space<hbm>>) target(%dma_start3A_487 : memref<64x128xf32, #tpu.memory_space<vmem>>) offsets(%dma_start3A_490 : memref<64xi32, #tpu.memory_space<vmem>>) semaphore(%arg12 : memref<!tpu.dma_semaphore, #tpu.memory_space<semaphore_mem>>)
      } else {
      }
      %mul3A_459 = arith.constant 4 : i32
      %mul3A_460 = arith.muli %scan3A_292, %mul3A_459 : i32
      %add3A_461 = arith.constant 3 : i32
      %add3A_462 = arith.addi %mul3A_460, %add3A_461 : i32
      %dma_wait3A_463 = arith.constant 3 : i32
      %dma_wait3A_464 = arith.constant 0 : i32
      %dma_wait3A_465 = arith.constant 0 : i32
      %dma_wait3A_466 = tpu.memref_slice %arg8[%dma_wait3A_463, %dma_wait3A_464, %dma_wait3A_465] : memref<4x64x128xf32, #tpu.memory_space<vmem>> -> memref<1x64x128xf32, #tpu.memory_space<vmem>>
      %dma_wait3A_467 = tpu.memref_squeeze %dma_wait3A_466 : memref<1x64x128xf32, #tpu.memory_space<vmem>> -> memref<64x128xf32, #tpu.memory_space<vmem>>
      %dma_wait3A_468 = arith.constant 0 : i32
      %dma_wait3A_469 = tpu.memref_slice %arg7[%add3A_462, %dma_wait3A_468] : memref<40x64xi32, #tpu.memory_space<vmem>> -> memref<1x64xi32, #tpu.memory_space<vmem>>
      %dma_wait3A_470 = tpu.memref_squeeze %dma_wait3A_469 : memref<1x64xi32, #tpu.memory_space<vmem>> -> memref<64xi32, #tpu.memory_space<vmem>>
      %dma_wait3A_471 = arith.constant 0 : i32
      %dma_wait3A_472 = arith.constant 0 : i32
      %dma_wait3A_473 = tpu.memref_slice %arg9[%dma_wait3A_471, %dma_wait3A_472] : memref<10240x128xf32, #tpu.memory_space<vmem_shared>> -> memref<10240x128xf32, #tpu.memory_space<vmem_shared>>
      tpu.wait_indirect_dma semaphore(%arg17 : memref<!tpu.dma_semaphore, #tpu.memory_space<semaphore_mem>>) src(%dma_wait3A_467 : memref<64x128xf32, #tpu.memory_space<vmem>>) dst(%dma_wait3A_473 : memref<10240x128xf32, #tpu.memory_space<vmem_shared>>)
      %add3A_474 = arith.constant 4 : i32
      %add3A_475 = arith.addi %add3A_462, %add3A_474 : i32
      %lt3A_476 = arith.constant 40 : i32
      %lt3A_477 = arith.cmpi slt, %add3A_475, %lt3A_476 : i32
      %convert_element_type3A_478 = arith.extui %lt3A_477 : i1 to i32
      %cond3A_479 = arith.constant 0 : i32
      %cond3A_480 = arith.cmpi ne, %convert_element_type3A_478, %cond3A_479 : i32
      scf.if %cond3A_480 {
        %add3A_481 = arith.constant 4 : i32
        %add3A_482 = arith.addi %add3A_462, %add3A_481 : i32
        %dma_start3A_483 = arith.constant 3 : i32
        %dma_start3A_484 = arith.constant 0 : i32
        %dma_start3A_485 = arith.constant 0 : i32
        %dma_start3A_486 = tpu.memref_slice %arg8[%dma_start3A_483, %dma_start3A_484, %dma_start3A_485] : memref<4x64x128xf32, #tpu.memory_space<vmem>> -> memref<1x64x128xf32, #tpu.memory_space<vmem>>
        %dma_start3A_487 = tpu.memref_squeeze %dma_start3A_486 : memref<1x64x128xf32, #tpu.memory_space<vmem>> -> memref<64x128xf32, #tpu.memory_space<vmem>>
        %dma_start3A_488 = arith.constant 0 : i32
        %dma_start3A_489 = tpu.memref_slice %arg6[%add3A_482, %dma_start3A_488] : memref<40x64xi32, #tpu.memory_space<vmem>> -> memref<1x64xi32, #tpu.memory_space<vmem>>
        %dma_start3A_490 = tpu.memref_squeeze %dma_start3A_489 : memref<1x64xi32, #tpu.memory_space<vmem>> -> memref<64xi32, #tpu.memory_space<vmem>>
        %dma_start3A_491 = arith.constant 0 : i32
        %dma_start3A_492 = arith.constant 0 : i32
        %dma_start3A_493 = tpu.memref_slice %arg2[%dma_start3A_491, %dma_start3A_492] : memref<10000x128xf32, #tpu.memory_space<hbm>> -> memref<10000x128xf32, #tpu.memory_space<hbm>>
        tpu.enqueue_indirect_dma source(%dma_start3A_493 : memref<10000x128xf32, #tpu.memory_space<hbm>>) target(%dma_start3A_487 : memref<64x128xf32, #tpu.memory_space<vmem>>) offsets(%dma_start3A_490 : memref<64xi32, #tpu.memory_space<vmem>>) semaphore(%arg13 : memref<!tpu.dma_semaphore, #tpu.memory_space<semaphore_mem>>)
      } else {
      }
    }
    %scan3A_286 = arith.constant 10 : i32
    %barrier3A_287 = arith.constant 0 : index
    tpu.barrier barrier_id(%barrier3A_287)
    %mul3A_288 = arith.constant 640 : i32
    %mul3A_289 = arith.muli %arg1, %mul3A_288 : i32
    %mul3A_290 = arith.constant 640 : i32
    %mul3A_291 = arith.muli %arg1, %mul3A_290 : i32
    "tpu.region"() ({
      %run_scoped3A_292 = tpu.sem_alloc : memref<!tpu.dma_semaphore, #tpu.memory_space<semaphore_mem>>
      %dma_start3A_293 = arith.constant 0 : i32
      %dma_start3A_294 = tpu.memref_slice %arg5[%arg0, %mul3A_291, %dma_start3A_293] : memref<2x10240x128xf32, #tpu.memory_space<hbm>> -> memref<1x640x128xf32, #tpu.memory_space<hbm>>
      %dma_start3A_295 = tpu.memref_squeeze %dma_start3A_294 : memref<1x640x128xf32, #tpu.memory_space<hbm>> -> memref<640x128xf32, #tpu.memory_space<hbm>>
      %dma_start3A_296 = arith.constant 0 : i32
      %dma_start3A_297 = tpu.memref_slice %arg9[%mul3A_289, %dma_start3A_296] : memref<10240x128xf32, #tpu.memory_space<vmem_shared>> -> memref<640x128xf32, #tpu.memory_space<vmem_shared>>
      tpu.enqueue_dma source(%dma_start3A_297 : memref<640x128xf32, #tpu.memory_space<vmem_shared>>) target(%dma_start3A_295 : memref<640x128xf32, #tpu.memory_space<hbm>>) target_semaphore(%run_scoped3A_292 : memref<!tpu.dma_semaphore, #tpu.memory_space<semaphore_mem>>)
      %dma_wait3A = arith.constant 0 : i32
      %dma_wait3A_298 = tpu.memref_slice %arg5[%arg0, %mul3A_291, %dma_wait3A] : memref<2x10240x128xf32, #tpu.memory_space<hbm>> -> memref<1x640x128xf32, #tpu.memory_space<hbm>>
      %dma_wait3A_299 = tpu.memref_squeeze %dma_wait3A_298 : memref<1x640x128xf32, #tpu.memory_space<hbm>> -> memref<640x128xf32, #tpu.memory_space<hbm>>
      %dma_wait3A_300 = arith.constant 0 : i32
      %dma_wait3A_301 = tpu.memref_slice %arg9[%mul3A_289, %dma_wait3A_300] : memref<10240x128xf32, #tpu.memory_space<vmem_shared>> -> memref<640x128xf32, #tpu.memory_space<vmem_shared>>
      tpu.wait_dma2 semaphore(%run_scoped3A_292 : memref<!tpu.dma_semaphore, #tpu.memory_space<semaphore_mem>>) src(%dma_wait3A_301 : memref<640x128xf32, #tpu.memory_space<vmem_shared>>) dst(%dma_wait3A_299 : memref<640x128xf32, #tpu.memory_space<hbm>>)
      tpu.yield
    }) : () -> ()
    return
  }
}

module attributes {stable_mosaic.version = 14 : i64} {
  func.func @_combine_body(%arg0: i32, %arg1: memref<2x1000x128xf32, #tpu.memory_space<vmem>>, %arg2: memref<1x128xf32, #tpu.memory_space<vmem>>, %arg3: memref<1000x128xf32, #tpu.memory_space<vmem>>) attributes {dimension_semantics = [#tpu.dimension_semantics<arbitrary>], iteration_bounds = array<i64: 10>, scalar_prefetch = 0 : i64, scratch_operands = 0 : i64, tpu.core_type = #tpu.core_type<tc>, window_params = [{transform_indices = @transform_0, window_bounds = array<i64: 2, 1000, 128>}, {pipeline_mode = #tpu.pipeline_mode<synchronous>, transform_indices = @transform_1, window_bounds = array<i64: 1, 128>}, {transform_indices = @transform_2, window_bounds = array<i64: 1000, 128>}]} {
    %get3A = arith.constant 0 : index
    %get3A_0 = arith.constant 0 : index
    %get3A_1 = arith.constant 0 : index
    %get3A_2 = vector.load %arg1[%get3A, %get3A_0, %get3A_1] : memref<2x1000x128xf32, #tpu.memory_space<vmem>>, vector<1x1000x128xf32>
    %get3A_3 = vector.shape_cast %get3A_2 : vector<1x1000x128xf32> to vector<1000x128xf32>
    %get3A_4 = arith.constant 1 : index
    %get3A_5 = arith.constant 0 : index
    %get3A_6 = arith.constant 0 : index
    %get3A_7 = vector.load %arg1[%get3A_4, %get3A_5, %get3A_6] : memref<2x1000x128xf32, #tpu.memory_space<vmem>>, vector<1x1000x128xf32>
    %get3A_8 = vector.shape_cast %get3A_7 : vector<1x1000x128xf32> to vector<1000x128xf32>
    %add3A = arith.addf %get3A_3, %get3A_8 : vector<1000x128xf32>
    %get3A_9 = arith.constant 0 : index
    %get3A_10 = arith.constant 0 : index
    %get3A_11 = vector.load %arg2[%get3A_9, %get3A_10] : memref<1x128xf32, #tpu.memory_space<vmem>>, vector<1x128xf32>
    %add3A_12 = vector.broadcast %get3A_11 : vector<1x128xf32> to vector<1000x128xf32>
    %add3A_13 = arith.addf %add3A, %add3A_12 : vector<1000x128xf32>
    %swap3A = arith.constant 0 : index
    %swap3A_14 = arith.constant 0 : index
    %swap3A_15 = vector.load %arg3[%swap3A, %swap3A_14] : memref<1000x128xf32, #tpu.memory_space<vmem>>, vector<1000x128xf32>
    tpu.vector_store %arg3[%swap3A, %swap3A_14], %add3A_13 {strides = array<i32>} : memref<1000x128xf32, #tpu.memory_space<vmem>>, vector<1000x128xf32>,
    return
  }
  func.func @transform_0(%arg0: i32) -> (i32, i32, i32) {
    %c0_i32 = arith.constant 0 : i32
    %c0_i32_0 = arith.constant 0 : i32
    %c0_i32_1 = arith.constant 0 : i32
    return %c0_i32, %arg0, %c0_i32_0 : i32, i32, i32
  }
  func.func @transform_1(%arg0: i32) -> (i32, i32) {
    %c0_i32 = arith.constant 0 : i32
    %c0_i32_0 = arith.constant 0 : i32
    %c0_i32_1 = arith.constant 0 : i32
    return %c0_i32, %c0_i32_0 : i32, i32
  }
  func.func @transform_2(%arg0: i32) -> (i32, i32) {
    %c0_i32 = arith.constant 0 : i32
    %c0_i32_0 = arith.constant 0 : i32
    return %arg0, %c0_i32 : i32, i32
  }
}

module attributes {stable_mosaic.version = 14 : i64} {
  func.func @_matmul_body(%arg0: i32, %arg1: memref<1000x128xf32, #tpu.memory_space<vmem>>, %arg2: memref<128x128xf32, #tpu.memory_space<vmem>>, %arg3: memref<1000x128xf32, #tpu.memory_space<vmem>>) attributes {dimension_semantics = [#tpu.dimension_semantics<arbitrary>], iteration_bounds = array<i64: 10>, scalar_prefetch = 0 : i64, scratch_operands = 0 : i64, tpu.core_type = #tpu.core_type<tc>, window_params = [{transform_indices = @transform_0, window_bounds = array<i64: 1000, 128>}, {pipeline_mode = #tpu.pipeline_mode<synchronous>, transform_indices = @transform_1, window_bounds = array<i64: 128, 128>}, {transform_indices = @transform_2, window_bounds = array<i64: 1000, 128>}]} {
    %get3A = arith.constant 0 : index
    %get3A_0 = arith.constant 0 : index
    %get3A_1 = vector.load %arg1[%get3A, %get3A_0] : memref<1000x128xf32, #tpu.memory_space<vmem>>, vector<1000x128xf32>
    %get3A_2 = arith.constant 0 : index
    %get3A_3 = arith.constant 0 : index
    %get3A_4 = vector.load %arg2[%get3A_2, %get3A_3] : memref<128x128xf32, #tpu.memory_space<vmem>>, vector<128x128xf32>
    %dot_general3A = arith.constant dense<0.000000e+00> : vector<1000x128xf32>
    %dot_general3A_5 = tpu.matmul %get3A_1, %get3A_4, %dot_general3A {dimension_numbers = #tpu.dot_dimension_numbers<[1], [1], [0], [0], [0, 0, 1, 0], [], []>, transpose_lhs_hint = false} : vector<1000x128xf32>, vector<128x128xf32>, vector<1000x128xf32> -> vector<1000x128xf32>
    %swap3A = arith.constant 0 : index
    %swap3A_6 = arith.constant 0 : index
    %swap3A_7 = vector.load %arg3[%swap3A, %swap3A_6] : memref<1000x128xf32, #tpu.memory_space<vmem>>, vector<1000x128xf32>
    tpu.vector_store %arg3[%swap3A, %swap3A_6], %dot_general3A_5 {strides = array<i32>} : memref<1000x128xf32, #tpu.memory_space<vmem>>, vector<1000x128xf32>,
    return
  }
  func.func @transform_0(%arg0: i32) -> (i32, i32) {
    %c0_i32 = arith.constant 0 : i32
    %c0_i32_0 = arith.constant 0 : i32
    return %arg0, %c0_i32 : i32, i32
  }
  func.func @transform_1(%arg0: i32) -> (i32, i32) {
    %c0_i32 = arith.constant 0 : i32
    %c0_i32_0 = arith.constant 0 : i32
    %c0_i32_1 = arith.constant 0 : i32
    return %c0_i32, %c0_i32_0 : i32, i32
  }
  func.func @transform_2(%arg0: i32) -> (i32, i32) {
    %c0_i32 = arith.constant 0 : i32
    %c0_i32_0 = arith.constant 0 : i32
    return %arg0, %c0_i32 : i32, i32
  }
}

</mosaic_0001>

<sc_bundles>
// kernel: kernel.5.cloned.1.call-start
scs
__scs_entry_jumppad:
0x0: {  	(pc) =	sbr.rel $0x88, $3  }
0x1: {  	(tag) =	ssettag $0x0;
	lr =	simm.s32 $0x1  }
0x2: {  	[smem:$0x3F9D] =	sst lr;
	_ =	strace $0xD0000000  }
0x3: {  	_ = 	snop  }
0x4: {  	_ = 	snop  }
0x5: {  	_ = 	snop  }
0x6: {  	_ = 	snop  }
0x7: {  	_ = 	snop  }
__scs_overlays_trampoline_lowered:
0x8: {  	[smem:$0x3FAC] =	sst s0  }
0x9: {  	[smem:$0x3FAD] =	sst s1  }
0xa: {  	[smem:$0x3FAE] =	sst s2  }
0xb: {  	[smem:$0x3FAF] =	sst s3  }
0xc: {  	[smem:$0x3FB0] =	sst s4  }
0xd: {  	[smem:$0x3FB1] =	sst s5  }
0xe: {  	[smem:$0x3FB2] =	sst s6  }
0xf: {  	[smem:$0x3FB3] =	sst s7  }
0x10: {  	[smem:$0x3FB4] =	sst s8  }
0x11: {  	[smem:$0x3FB5] =	sst s9;
	s0 =	simm.s32 @!p0 $0x0  }
0x12: {  	s1 =	sld [smem:$0x3F9B];
	s0 =	simm.s32 @p0 $0x1  }
0x13: {  	[smem:$0x3FB6] =	sst s0;
	s0 =	simm.s32 @!p1 $0x0  }
0x14: {  	s2 =	sld [smem:$0x3F9A];
	s0 =	simm.s32 @p1 $0x1  }
0x15: {  	[smem:$0x3FB7] =	sst s0;
	s0 =	simm.s32 @!p2 $0x0  }
0x16: {  	s3 =	sld [smem:$0x3FDB];
	s0 =	simm.s32 @p2 $0x1  }
0x17: {  	s4 =	simm.s32 $0x1BF5;
	[smem:$0x3FB9] =	sst s0  }
0x18: {  	s0 =	sld [smem:$0x3F9C];
	_ =	swait.ge [sflag:s4], $0x0  }
0x19: {  	s7 =	sld [smem:$0x3F9D]  }
0x1a: {  	s8 =	sadd.s32 $0xFFFFE003, lr  }
0x1b: {  	s9 =	sadd.s32 $0xFFFFFEF7, lr;
	s5 =	simm.s32 $0xFFFFFFFF;
	p2 =	slt.u32 s8, $0xFFFFF086  }
0x1c: {  	p1 =	slt.u32 s9, $0xF7A;
	s5 =	simm.s32 @!p2 $0x0  }
0x1d: {  	s5 =	simm.s32 @p1 $0x1;
	p0 =	seq.s32 s7, s2  }
0x1e: {  	s7 =	smul.u32 @!p0 $0xF7A, s2;
	p2 =	seq.s32 @!p0 s5, $0x0  }
0x1f: {  	s9 =	smul.u32 $0xF7A, s1;
	s8 =	simm.s32 @!p0 $0x1BF5;
	p2 =	por !p2, p0  }
0x20: {  	[sflag:s8] =	ssyncset.s32 @!p0 $0xFFFFF086;
	s6 =	sadd.s32 @!p0 s3, s7;
	s7 =	simm.s32 @!p0 $0x108  }
0x21: {  	s3 =	sadd.s32 s3, s9;
	s6 =	sadd.s32 @!p0 $0x88, s6;
	s7 =	simm.s32 @p2 $0x1082  }
0x22: {  	[simem:s7], [sflag:s8] =	dma.local @!p0 [hbm:s6], $0xF7A  }
0x23: {  	s9 =	sor.u32 $0xD0000000, s2;
	s6 =	simm.s32 $0x108;
	_ =	swait.ge @!p0 [sflag:s8], $0x0  }
0x24: {  	s3 =	sadd.s32 $0x88, s3;
	s6 =	simm.s32 @!p1 $0x1082;
	[sflag:s4] =	ssyncset.s32 $0xFFFFF086  }
0x25: {  	[simem:s6], [sflag:s4] =	dma.local [hbm:s3], $0xF7A  }
0x26: {  	[smem:$0x3F9D] =	sst s1;
	(tag) =	ssettag s2;
	_ =	strace s9  }
0x27: {  	s1 =	sld [smem:$0x3FAD]  }
0x28: {  	s2 =	sld [smem:$0x3FAE]  }
0x29: {  	s4 =	sld [smem:$0x3FB0]  }
0x2a: {  	p0 =	seq.s32 s5, $0x0;
	s5 =	sld [smem:$0x3FB1]  }
0x2b: {  	s6 =	sld [smem:$0x3FB2]  }
0x2c: {  	s7 =	sld [smem:$0x3FB3]  }
0x2d: {  	s3 =	simm.s32 $0x108;
	s8 =	sld [smem:$0x3FB4]  }
0x2e: {  	s3 =	simm.s32 @!p0 $0x1082;
	s9 =	sld [smem:$0x3FB5]  }
0x2f: {  	lr =	sadd.s32 s0, s3;
	s0 =	sld [smem:$0x3FAC]  }
0x30: {  	s3 =	sld [smem:$0x3FAF]  }
0x31: {  	[smem:$0x3FB8] =	sst s10  }
0x32: {  	s10 =	sld [smem:$0x3FB6];
	_ =	sdelay $0x3  }
0x33: {  	p0 =	seq.s32 s10, $0x1;
	s10 =	sld [smem:$0x3FB8];
	_ =	sdelay $0x3  }
0x34: {  	[smem:$0x3FB8] =	sst s10  }
0x35: {  	s10 =	sld [smem:$0x3FB7];
	_ =	sdelay $0x3  }
0x36: {  	p1 =	seq.s32 s10, $0x1;
	s10 =	sld [smem:$0x3FB8];
	_ =	sdelay $0x3  }
0x37: {  	[smem:$0x3FB8] =	sst s10  }
0x38: {  	s10 =	sld [smem:$0x3FB9]  }
0x39: {  	_ = 	snop;
	(pc) =	sbr.ind lr, $3  }
0x3a: {  	_ = 	snop  }
0x3b: {  	_ = 	snop  }
0x3c: {  	p2 =	seq.s32 s10, $0x1;
	s10 =	sld [smem:$0x3FB8]  }
0x3d: {  	_ =	shalt  }
0x3e: {  	_ =	shalt  }
0x3f: {  	_ =	shalt  }
0x40: {  	_ =	shalt  }
0x41: {  	_ =	shalt  }
0x42: {  	_ =	shalt  }
0x43: {  	_ =	shalt  }
0x44: {  	_ =	shalt  }
0x45: {  	_ =	shalt  }
0x46: {  	_ =	shalt  }
0x47: {  	_ =	shalt  }
0x48: {  	_ =	shalt  }
0x49: {  	_ =	shalt  }
0x4a: {  	_ =	shalt  }
0x4b: {  	_ =	shalt  }
0x4c: {  	_ =	shalt  }
0x4d: {  	_ =	shalt  }
0x4e: {  	_ =	shalt  }
0x4f: {  	_ =	shalt  }
0x50: {  	_ =	shalt  }
0x51: {  	_ =	shalt  }
0x52: {  	_ =	shalt  }
0x53: {  	_ =	shalt  }
0x54: {  	_ =	shalt  }
0x55: {  	_ =	shalt  }
0x56: {  	_ =	shalt  }
0x57: {  	_ =	shalt  }
0x58: {  	_ =	shalt  }
0x59: {  	_ =	shalt  }
0x5a: {  	_ =	shalt  }
0x5b: {  	_ =	shalt  }
0x5c: {  	_ =	shalt  }
0x5d: {  	_ =	shalt  }
0x5e: {  	_ =	shalt  }
0x5f: {  	_ =	shalt  }
0x60: {  	_ =	shalt  }
0x61: {  	_ =	shalt  }
0x62: {  	_ =	shalt  }
0x63: {  	_ =	shalt  }
0x64: {  	_ =	shalt  }
0x65: {  	_ =	shalt  }
0x66: {  	_ =	shalt  }
0x67: {  	_ =	shalt  }
0x68: {  	_ =	shalt  }
0x69: {  	_ =	shalt  }
0x6a: {  	_ =	shalt  }
0x6b: {  	_ =	shalt  }
0x6c: {  	_ =	shalt  }
0x6d: {  	_ =	shalt  }
0x6e: {  	_ =	shalt  }
0x6f: {  	_ =	shalt  }
0x70: {  	_ =	shalt  }
0x71: {  	_ =	shalt  }
0x72: {  	_ =	shalt  }
0x73: {  	_ =	shalt  }
0x74: {  	_ =	shalt  }
0x75: {  	_ =	shalt  }
0x76: {  	_ =	shalt  }
0x77: {  	_ =	shalt  }
0x78: {  	_ =	shalt  }
0x79: {  	_ =	shalt  }
0x7a: {  	_ =	shalt  }
0x7b: {  	_ =	shalt  }
0x7c: {  	_ =	shalt  }
0x7d: {  	_ =	shalt  }
0x7e: {  	_ =	shalt  }
0x7f: {  	_ =	shalt  }
0x80: {  	_ =	shalt  }
0x81: {  	_ =	shalt  }
0x82: {  	_ =	shalt  }
0x83: {  	_ =	shalt  }
0x84: {  	_ =	shalt  }
0x85: {  	_ =	shalt  }
0x86: {  	_ =	shalt  }
0x87: {  	_ =	shalt  }
.Lfunc_end0:
.L_simem_size_0:
called_computation_lowered:
.L_overlay_start_0:
0x88: {  	s2 =	sld [smem:$0x3FD9]  }
0x89: {  	s3 =	sld [smem:$0x3FFE];
	_ =	sdelay $0x1  }
0x8a: {  	s1 =	srdreg.scid  }
0x8b: {  	s0 =	sand.u32 $0x1, s1  }
0x8c: {  	s17 =	sshll.u32 s0, $0xA;
	s2 =	sadd.s32 s3, s2  }
0x8d: {  	s2 =	sadd.s32 s2, s17  }
0x8e: {  	[smem:$0x3FC4] =	sst s2  }
0x8f: {  	_ = 	snop  }
0x90: {  	s2 =	sld [smem:$0x3FD0];
	(tm) =	ssettm $0x1  }
0x91: {  	s18 =	sld [smem:$0x3FFB];
	_ =	sdelay $0x3  }
0x92: {  	_ =	strace s18  }
0x93: {  	s3 =	sld [smem:$0x3FFC];
	_ =	sdelay $0x3  }
0x94: {  	_ =	strace s3  }
0x95: {  	s3 =	sld [smem:$0x3FFD];
	_ =	sdelay $0x3  }
0x96: {  	_ =	strace s3  }
0x97: {  	_ =	strace $0x8FFFFFFF  }
0x98: {  	s19 =	sld [smem:$0x3FDB];
	_ =	sdelay $0x1  }
0x99: {  	s4 =	simm.s32 $_scs_section_size  }
0x9a: {  	s5 =	simm.s32 $_size__tile_overlayer_lowered;
	s6 =	simm.s32 $_tile_overlayer_lowered  }
0x9b: {  	s22 =	simm.s32 $0x1BFF;
	s21 =	sshll.u32 s6, $0x1;
	s3 =	sadd.s32 s4, s19  }
0x9c: {  	s7 =	simm.s32 $0x0;
	s20 =	sshll.u32 s5, $0x1;
	s5 =	sadd.s32 s21, s3  }
0x9d: {  	[timem:s7], [sflag:s22] =	dma.local [hbm:s5], s20  }
0x9e: {  	_ =	swait.ge [sflag:s22], s20  }
0x9f: {  	s4 =	ssub.s32 $0x0, s20;
	[sflag:s22] =	ssyncset.done $0x0  }
0xa0: {  	[sflag:s22] =	ssyncadd.s32 s4;
	_ =	sdelay $0x1  }
0xa1: {  	s23 =	simm.s32 $0x1B8B  }
0xa2: {  	_ =	swait.ge [sflag:s23], $0x1  }
0xa3: {  	[sflag:s23] =	ssyncset.done $0x0  }
0xa4: {  	s25 =	simm.s32 $0x1B8E;
	s24 =	sld [smem:$0x3FFE];
	[sflag:s23] =	ssyncadd.s32 $0xFFFFFFFF  }
0xa5: {  	s26 =	simm.s32 $execute0_lowered;
	[smem:$0x3FD2] =	sst s25  }
0xa6: {  	s5 =	sshll.u32 s26, $0x1;
	_ =	strace $0x80000046;
	[dreg:$0x1] =	wrdreg $0xFFFFFFFF  }
0xa7: {  	s28 =	simm.s32 $_size_execute0_lowered;
	s3 =	sadd.s32 s3, s5;
	[dreg:$0x0] =	wrdreg $0x0  }
0xa8: {  	s5 =	sshll.u32 s28, $0x1;
	[dreg:$0x2] =	wrdreg s3  }
0xa9: {  	[dreg:$0x3] =	wrdreg s5  }
0xaa: {  	[dreg:$0x4] =	wrdreg $0xC0  }
0xab: {  	_ =	task [dreg:s7], $0x5FFFF  }
0xac: {  	[dreg:$0x1] =	wrdreg $0xFFFFFFFF  }
0xad: {  	[dreg:$0x0] =	wrdreg $0x60  }
0xae: {  	[dreg:$0x2] =	wrdreg s2  }
0xaf: {  	[dreg:$0x3] =	wrdreg s24  }
0xb0: {  	[dreg:$0x4] =	wrdreg $0xA8000  }
0xb1: {  	[dreg:$0x5] =	wrdreg $0x9  }
0xb2: {  	_ =	task.clear_ibuf [dreg:s7], $0x6FFFF;
	_ =	strace $0x90000046  }
0xb3: {  	s29 =	simm.s32 $0x9;
	_ =	strace $0x80000048  }
0xb4: {  	_ =	swait.ge [sflag:s29], $0x1  }
0xb5: {  	[sflag:s29] =	ssyncadd.s32 $0xFFFFFFFF  }
0xb6: {  	_ =	strace $0x90000048  }
0xb7: {  	_ =	sfence  }
0xb8: {  	s30 =	sld [smem:$0x0];
	_ =	sdelay $0x2  }
0xb9: {  	s31 =	sshll.u32 s1, $0xD;
	s1 =	sshrl.u32 s1, $0x2  }
0xba: {  	s3 =	sand.u32 $0x4000, s31;
	s1 =	sadd.s32 s1, s30  }
0xbb: {  	s0 =	sor.u32 s3, s0;
	s1 =	sshll.u32 s1, $0x11  }
0xbc: {  	s0 =	sor.u32 s1, s0  }
0xbd: {  	s0 =	sadd.s32 $0x8F2B, s0  }
0xbe: {  	[sflag:s0] =	ssyncadd.remote.s32 $0x1  }
0xbf: {  	_ =	sfence.sel $0xFFFF  }
0xc0: {  	[dreg:$0x0] =	wrdreg $0xFFFFFFFF;
	(pc) =	sbr.abs _section_cstart, $3  }
0xc1: {  	[dreg:$0x1] =	wrdreg $0xFFFFFFFF  }
0xc2: {  	_ =	task.clear_ibuf [dreg:s7], $0x2FFFF;
	_ =	strace $0x9FFFFFFF  }
0xc3: {  	(tm) =	ssettm $0x7FFFFFFF  }
tec
execute0_lowered:
.L_overlay_start_1:
0x0: {  	(tag) =	ssettag $0x1  }
0x1: {  	s1 =	rddreg [dreg:$0x0]  }
0x2: {  	s0 =	rddreg [dreg:$0x1]  }
0x3: {  	s3 =	srdreg.scid;
	s10 =	stileid.u32  }
0x4: {  	s2 =	rddreg [dreg:$0x2];
	s3 =	sand.u32 $0x1, s3;
	s6 =	smul.u32 $0x14000, s10  }
0x5: {  	s5 =	smul.u32 $0x140000, s3;
	s9 =	ssub.s32 $0x2, s3;
	s3 =	sshll.u32 s3, $0x4  }
0x6: {  	s4 =	simm.s32 $0x0;
	s25 =	smul.u32 $0x50000, s10;
	s3 =	sor.u32 s10, s3  }
0x7: {  	[smem:$0x7FF] =	sst s4;
	s14 =	smul.u32 $0x5000, s3  }
0x8: {  	s7 =	sadd.s32 $0x14C00, s0;
	s5 =	sadd.s32 s6, s5;
	s3 =	smul.u32 $0xA00, s3  }
0x9: {  	s8 =	sadd.s32 $0xC00, s0;
	_ =	strace $0x80000047;
	s5 =	sshrl.u32 s5, $0x3  }
0xa: {  	s6 =	sshrl.u32 s25, $0x2;
	s0 =	sadd.s32 s5, s0;
	s20 =	sadd.s32 s7, s3  }
0xb: {  	s5 =	sadd.s32 s6, s2;
	s3 =	sadd.s32 s8, s3;
	[dreg:$0xd] =	wrdreg s20  }
0xc: {  	s6 =	sadd.s32 $0x2000, s5;
	[dreg:$0xe] =	wrdreg s3  }
0xd: {  	s11 =	sadd.s32 $0x4000, s5;
	[dreg:$0x4] =	wrdreg s6  }
0xe: {  	s28 =	simm.s32 $0x1400;
	s12 =	sadd.s32 $0x6000, s5;
	[dreg:$0x5] =	wrdreg s11  }
0xf: {  	s29 =	simm.s32 $0x40;
	s13 =	sadd.s32 $0x8000, s5;
	[dreg:$0x6] =	wrdreg s12  }
0x10: {  	s30 =	simm.s32 $0x80;
	s15 =	sadd.s32 $0xA000, s5;
	[dreg:$0x7] =	wrdreg s13  }
0x11: {  	s31 =	simm.s32 $0x4800;
	s16 =	sadd.s32 $0xC000, s5;
	[dreg:$0x8] =	wrdreg s15  }
0x12: {  	s26 =	sshrl.u32 s9, $0x1;
	s17 =	sadd.s32 $0xE000, s5;
	[dreg:$0x9] =	wrdreg s16  }
0x13: {  	s9 =	ssub.s32 s9, s26;
	s18 =	sadd.s32 $0x10000, s5;
	[dreg:$0xa] =	wrdreg s17  }
0x14: {  	s19 =	sadd.s32 $0x12000, s5;
	[dreg:$0xb] =	wrdreg s18;
	s6 =	sshrl.u32 s14, $0x3  }
0x15: {  	[dreg:$0xc] =	wrdreg s19;
	s11 =	simm.s32 $0x4;
	s12 =	simm.s32 $0x5  }
0x16: {  	s13 =	simm.s32 $0x6;
	s14 =	simm.s32 $0x7;
	s15 =	simm.s32 $0x8  }
0x17: {  	s16 =	simm.s32 $0x2600;
	s17 =	simm.s32 $0x2680;
	s21 =	sadd.s32 $0x280, s6  }
0x18: {  	s18 =	simm.s32 $0x2700;
	s19 =	simm.s32 $0x2780;
	s22 =	sadd.s32 s7, s21  }
0x19: {  	s23 =	sadd.s32 $0x500, s6;
	s10 =	sadd.s32 s8, s21;
	[dreg:$0xf] =	wrdreg s22  }
0x1a: {  	s6 =	sadd.s32 $0x780, s6;
	s24 =	sadd.s32 s7, s23;
	[dreg:$0x10] =	wrdreg s10  }
0x1b: {  	s3 =	sadd.s32 s8, s23;
	s25 =	sadd.s32 s7, s6;
	[dreg:$0x11] =	wrdreg s24  }
0x1c: {  	s26 =	sadd.s32 s8, s6;
	s23 =	sadd.s32 $0x28C00, s0;
	[dreg:$0x12] =	wrdreg s3  }
0x1d: {  	s0 =	simm.s32 $0x100;
	s6 =	simm.s32 $0x180;
	[dreg:$0x13] =	wrdreg s25  }
0x1e: {  	s7 =	simm.s32 $0x8800;
	s8 =	simm.s32 $0x1;
	[dreg:$0x14] =	wrdreg s26  }
0x1f: {  	s24 =	smax.u32 s9, $0x1;
	s25 =	simm.s32 $0x2800;
	s26 =	simm.s32 $0x9  }
0x20: {  	v0 =	vimm.f32 $0.0e+00;
	s3 =	simm.s32 $0x6800;
	s9 =	simm.s32 $0x2;
	s10 =	simm.s32 $0x3  }
.LBB2_1:
0x21: {  	s20 =	simm.s32 $0x0;
	s21 =	simm.s32 $0x200  }
.LBB2_2:
0x22: {  	p0 =	sne.s32 s21, $0x7E00;
	[tilespmem:s20+$0x2870] =	vst v0  }
0x23: {  	[tilespmem:s20+$0x2800] =	vst v0  }
0x24: {  	[tilespmem:s20+$0x2810] =	vst v0  }
.Ltmp0:
0x25: {  	[tilespmem:s20+$0x2820] =	vst v0;
	(pc) =	sbr.rel @p0 .LBB2_2-.Ltmp0, $4  }
0x26: {  	[tilespmem:s20+$0x2830] =	vst v0  }
0x27: {  	[tilespmem:s20+$0x2840] =	vst v0  }
0x28: {  	[tilespmem:s20+$0x2850] =	vst v0  }
0x29: {  	[tilespmem:s20+$0x2860] =	vst v0;
	s20 =	sshra.s32 s21, $0x2;
	s21 =	sadd.s32 $0x200, s21  }
0x2a: {  	[tilespmem:s20+$0x2870] =	vst v0  }
0x2b: {  	[tilespmem:s20+$0x2800] =	vst v0  }
0x2c: {  	[tilespmem:s20+$0x2810] =	vst v0  }
0x2d: {  	[tilespmem:s20+$0x2820] =	vst v0  }
0x2e: {  	[tilespmem:s20+$0x2830] =	vst v0  }
0x2f: {  	[tilespmem:s20+$0x2840] =	vst v0  }
0x30: {  	[tilespmem:s20+$0x2850] =	vst v0  }
0x31: {  	[tilespmem:s20+$0x2860] =	vst v0  }
0x32: {  	[spmem:s5] =	stream.linear.scatter [tilespmem:s25], [sflag:$0x9], $0x2000, $0x38;
	[tilespmem:$0x1E800] =	vst v63  }
0x33: {  	_ =	swait.ge [sflag:s26], $0x2000  }
0x34: {  	[sflag:s26] =	ssyncset.done $0x0  }
0x35: {  	s21 =	rddreg [dreg:$0x4];
	[sflag:s26] =	ssyncadd.s32 $0xFFFFE000  }
0x36: {  	[spmem:s21] =	stream.linear.scatter [tilespmem:s25], [sflag:$0x9], $0x2000, $0x38;
	[tilespmem:$0x1E800] =	vst v63  }
0x37: {  	_ =	swait.ge [sflag:s26], $0x2000  }
0x38: {  	[sflag:s26] =	ssyncset.done $0x0  }
0x39: {  	s22 =	rddreg [dreg:$0x5];
	[sflag:s26] =	ssyncadd.s32 $0xFFFFE000  }
0x3a: {  	[spmem:s22] =	stream.linear.scatter [tilespmem:s25], [sflag:$0x9], $0x2000, $0x38;
	[tilespmem:$0x1E800] =	vst v63  }
0x3b: {  	_ =	swait.ge [sflag:s26], $0x2000  }
0x3c: {  	[sflag:s26] =	ssyncset.done $0x0  }
0x3d: {  	s21 =	rddreg [dreg:$0x6];
	[sflag:s26] =	ssyncadd.s32 $0xFFFFE000  }
0x3e: {  	[spmem:s21] =	stream.linear.scatter [tilespmem:s25], [sflag:$0x9], $0x2000, $0x38;
	[tilespmem:$0x1E800] =	vst v63  }
0x3f: {  	_ =	swait.ge [sflag:s26], $0x2000  }
0x40: {  	[sflag:s26] =	ssyncset.done $0x0  }
0x41: {  	s22 =	rddreg [dreg:$0x7];
	[sflag:s26] =	ssyncadd.s32 $0xFFFFE000  }
0x42: {  	[spmem:s22] =	stream.linear.scatter [tilespmem:s25], [sflag:$0x9], $0x2000, $0x38;
	[tilespmem:$0x1E800] =	vst v63  }
0x43: {  	_ =	swait.ge [sflag:s26], $0x2000  }
0x44: {  	[sflag:s26] =	ssyncset.done $0x0  }
0x45: {  	s21 =	rddreg [dreg:$0x8];
	[sflag:s26] =	ssyncadd.s32 $0xFFFFE000  }
0x46: {  	[spmem:s21] =	stream.linear.scatter [tilespmem:s25], [sflag:$0x9], $0x2000, $0x38;
	[tilespmem:$0x1E800] =	vst v63  }
0x47: {  	_ =	swait.ge [sflag:s26], $0x2000  }
0x48: {  	[sflag:s26] =	ssyncset.done $0x0  }
0x49: {  	s22 =	rddreg [dreg:$0x9];
	[sflag:s26] =	ssyncadd.s32 $0xFFFFE000  }
0x4a: {  	[spmem:s22] =	stream.linear.scatter [tilespmem:s25], [sflag:$0x9], $0x2000, $0x38;
	[tilespmem:$0x1E800] =	vst v63  }
0x4b: {  	_ =	swait.ge [sflag:s26], $0x2000  }
0x4c: {  	[sflag:s26] =	ssyncset.done $0x0  }
0x4d: {  	s21 =	rddreg [dreg:$0xa];
	[sflag:s26] =	ssyncadd.s32 $0xFFFFE000  }
0x4e: {  	[spmem:s21] =	stream.linear.scatter [tilespmem:s25], [sflag:$0x9], $0x2000, $0x38;
	[tilespmem:$0x1E800] =	vst v63  }
0x4f: {  	_ =	swait.ge [sflag:s26], $0x2000  }
0x50: {  	[sflag:s26] =	ssyncset.done $0x0  }
0x51: {  	s22 =	rddreg [dreg:$0xb];
	[sflag:s26] =	ssyncadd.s32 $0xFFFFE000  }
0x52: {  	[spmem:s22] =	stream.linear.scatter [tilespmem:s25], [sflag:$0x9], $0x2000, $0x38;
	[tilespmem:$0x1E800] =	vst v63  }
0x53: {  	_ =	swait.ge [sflag:s26], $0x2000  }
0x54: {  	[sflag:s26] =	ssyncset.done $0x0  }
0x55: {  	s21 =	rddreg [dreg:$0xc];
	[sflag:s26] =	ssyncadd.s32 $0xFFFFE000  }
0x56: {  	[spmem:s21] =	stream.linear.scatter [tilespmem:s25], [sflag:$0x9], $0x2000, $0x38;
	[tilespmem:$0x1E800] =	vst v63  }
0x57: {  	_ =	swait.ge [sflag:s26], $0x2000  }
0x58: {  	[sflag:s26] =	ssyncset.done $0x0  }
0x59: {  	[sflag:s26] =	ssyncadd.s32 $0xFFFFE000  }
0x5a: {  	[bflag:$0x0] =	sbarrier.arrive $0xFFFF  }
0x5b: {  	s20 =	simm.s32 $0x0;
	s21 =	rddreg [dreg:$0xd]  }
0x5c: {  	[tilespmem:s20], [sflag:$0x9] =	stream.linear.gather [hbm4b:s21+s20], $0x1400, $0x38;
	[tilespmem:$0x1E800] =	vst v63  }
0x5d: {  	_ =	swait.ge [sflag:s26], $0x1400  }
0x5e: {  	[sflag:s26] =	ssyncset.done $0x0  }
0x5f: {  	s22 =	rddreg [dreg:$0xe];
	[sflag:s26] =	ssyncadd.s32 $0xFFFFEC00  }
0x60: {  	[tilespmem:s28], [sflag:$0x9] =	stream.linear.gather [hbm4b:s22+s20], $0x1400, $0x38;
	[tilespmem:$0x1E800] =	vst v63  }
0x61: {  	_ =	swait.ge [sflag:s26], $0x1400  }
0x62: {  	[sflag:s26] =	ssyncset.done $0x0  }
0x63: {  	[sflag:s26] =	ssyncadd.s32 $0xFFFFEC00  }
0x64: {  	[tilespmem:s25], [sflag:$0x1] =	stream.indirect.gather [hbm4b:s1+s29], $0x80, s20, s29, $0xb8;
	[tilespmem:$0x1E800] =	vst v63  }
0x65: {  	_ = 	snop  }
0x66: {  	[tilespmem:s31], [sflag:$0x2] =	stream.indirect.gather [hbm4b:s1+s29], $0x80, s30, s29, $0xb8;
	[tilespmem:$0x1E800] =	vst v63  }
0x67: {  	_ = 	snop  }
0x68: {  	[tilespmem:s3], [sflag:$0x3] =	stream.indirect.gather [hbm4b:s1+s29], $0x80, s0, s29, $0xb8;
	[tilespmem:$0x1E800] =	vst v63  }
0x69: {  	_ = 	snop  }
0x6a: {  	[tilespmem:s7], [sflag:$0x4] =	stream.indirect.gather [hbm4b:s1+s29], $0x80, s6, s29, $0xb8;
	[tilespmem:$0x1E800] =	vst v63  }
0x6b: {  	_ =	swait.ge [sflag:s8], $0x2000  }
0x6c: {  	[sflag:s8] =	ssyncset.done $0x0  }
0x6d: {  	s22 =	simm.s32 $0x1400;
	[sflag:s8] =	ssyncadd.s32 $0xFFFFE000  }
0x6e: {  	[spmem:s2] =	stream.indirect.scatter.add.f32 [tilespmem:s25], [sflag:$0x5], $0x80, s22, s29, $0xb8;
	[tilespmem:$0x1E800] =	vst v63  }
0x6f: {  	_ =	swait.ge [sflag:s9], $0x2000  }
0x70: {  	[sflag:s9] =	ssyncset.done $0x0  }
0x71: {  	s21 =	simm.s32 $0x1480;
	[sflag:s9] =	ssyncadd.s32 $0xFFFFE000  }
0x72: {  	[spmem:s2] =	stream.indirect.scatter.add.f32 [tilespmem:s31], [sflag:$0x6], $0x80, s21, s29, $0xb8;
	[tilespmem:$0x1E800] =	vst v63  }
0x73: {  	_ =	swait.ge [sflag:s10], $0x2000  }
0x74: {  	[sflag:s10] =	ssyncset.done $0x0  }
0x75: {  	s22 =	simm.s32 $0x1500;
	[sflag:s10] =	ssyncadd.s32 $0xFFFFE000  }
0x76: {  	[spmem:s2] =	stream.indirect.scatter.add.f32 [tilespmem:s3], [sflag:$0x7], $0x80, s22, s29, $0xb8;
	[tilespmem:$0x1E800] =	vst v63  }
0x77: {  	_ =	swait.ge [sflag:s11], $0x2000  }
0x78: {  	[sflag:s11] =	ssyncset.done $0x0  }
0x79: {  	s21 =	simm.s32 $0x1580;
	[sflag:s11] =	ssyncadd.s32 $0xFFFFE000  }
0x7a: {  	[spmem:s2] =	stream.indirect.scatter.add.f32 [tilespmem:s7], [sflag:$0x8], $0x80, s21, s29, $0xb8;
	[tilespmem:$0x1E800] =	vst v63  }
0x7b: {  	_ =	swait.ge [sflag:s12], $0x2000  }
0x7c: {  	[sflag:s12] =	ssyncset.done $0x0  }
0x7d: {  	s22 =	simm.s32 $0x200;
	[sflag:s12] =	ssyncadd.s32 $0xFFFFE000  }
0x7e: {  	[tilespmem:s25], [sflag:$0x1] =	stream.indirect.gather [hbm4b:s1+s29], $0x80, s22, s29, $0xb8;
	[tilespmem:$0x1E800] =	vst v63  }
0x7f: {  	_ =	swait.ge [sflag:s13], $0x2000  }
0x80: {  	[sflag:s13] =	ssyncset.done $0x0  }
0x81: {  	s21 =	simm.s32 $0x280;
	[sflag:s13] =	ssyncadd.s32 $0xFFFFE000  }
0x82: {  	[tilespmem:s31], [sflag:$0x2] =	stream.indirect.gather [hbm4b:s1+s29], $0x80, s21, s29, $0xb8;
	[tilespmem:$0x1E800] =	vst v63  }
0x83: {  	_ =	swait.ge [sflag:s14], $0x2000  }
0x84: {  	[sflag:s14] =	ssyncset.done $0x0  }
0x85: {  	s22 =	simm.s32 $0x300;
	[sflag:s14] =	ssyncadd.s32 $0xFFFFE000  }
0x86: {  	[tilespmem:s3], [sflag:$0x3] =	stream.indirect.gather [hbm4b:s1+s29], $0x80, s22, s29, $0xb8;
	[tilespmem:$0x1E800] =	vst v63  }
0x87: {  	_ =	swait.ge [sflag:s15], $0x2000  }
0x88: {  	[sflag:s15] =	ssyncset.done $0x0  }
0x89: {  	s20 =	simm.s32 $0x800;
	s21 =	simm.s32 $0x380;
	[sflag:s15] =	ssyncadd.s32 $0xFFFFE000  }
.LBB2_4:
0x8a: {  	[tilespmem:s7], [sflag:$0x4] =	stream.indirect.gather [hbm4b:s1+s29], $0x80, s21, s29, $0xb8;
	[tilespmem:$0x1E800] =	vst v63  }
0x8b: {  	s21 =	smov.u32 s20  }
0x8c: {  	p0 =	sne.s32 s20, $0x4000;
	s20 =	sadd.s32 $0x800, s20;
	_ =	swait.ge [sflag:s8], $0x2000  }
0x8d: {  	s21 =	sshra.s32 s21, $0x2;
	[sflag:s8] =	ssyncset.done $0x0  }
0x8e: {  	s22 =	sadd.s32 $0x1400, s21;
	[sflag:s8] =	ssyncadd.s32 $0xFFFFE000  }
0x8f: {  	[spmem:s2] =	stream.indirect.scatter.add.f32 [tilespmem:s25], [sflag:$0x5], $0x80, s22, s29, $0xb8;
	[tilespmem:$0x1E800] =	vst v63  }
0x90: {  	_ =	swait.ge [sflag:s9], $0x2000  }
0x91: {  	[sflag:s9] =	ssyncset.done $0x0  }
0x92: {  	s22 =	sadd.s32 $0x1480, s21;
	[sflag:s9] =	ssyncadd.s32 $0xFFFFE000  }
0x93: {  	[spmem:s2] =	stream.indirect.scatter.add.f32 [tilespmem:s31], [sflag:$0x6], $0x80, s22, s29, $0xb8;
	[tilespmem:$0x1E800] =	vst v63  }
0x94: {  	_ =	swait.ge [sflag:s10], $0x2000  }
0x95: {  	[sflag:s10] =	ssyncset.done $0x0  }
0x96: {  	s22 =	sadd.s32 $0x1500, s21;
	[sflag:s10] =	ssyncadd.s32 $0xFFFFE000  }
0x97: {  	[spmem:s2] =	stream.indirect.scatter.add.f32 [tilespmem:s3], [sflag:$0x7], $0x80, s22, s29, $0xb8;
	[tilespmem:$0x1E800] =	vst v63  }
0x98: {  	_ =	swait.ge [sflag:s11], $0x2000  }
0x99: {  	[sflag:s11] =	ssyncset.done $0x0  }
0x9a: {  	s22 =	sadd.s32 $0x1580, s21;
	[sflag:s11] =	ssyncadd.s32 $0xFFFFE000  }
0x9b: {  	[spmem:s2] =	stream.indirect.scatter.add.f32 [tilespmem:s7], [sflag:$0x8], $0x80, s22, s29, $0xb8;
	[tilespmem:$0x1E800] =	vst v63  }
0x9c: {  	_ =	swait.ge [sflag:s12], $0x2000  }
0x9d: {  	[sflag:s12] =	ssyncset.done $0x0  }
0x9e: {  	s22 =	sadd.s32 $0x200, s21;
	[sflag:s12] =	ssyncadd.s32 $0xFFFFE000  }
0x9f: {  	[tilespmem:s25], [sflag:$0x1] =	stream.indirect.gather [hbm4b:s1+s29], $0x80, s22, s29, $0xb8;
	[tilespmem:$0x1E800] =	vst v63  }
0xa0: {  	_ =	swait.ge [sflag:s13], $0x2000  }
0xa1: {  	[sflag:s13] =	ssyncset.done $0x0  }
0xa2: {  	s22 =	sadd.s32 $0x280, s21;
	[sflag:s13] =	ssyncadd.s32 $0xFFFFE000  }
0xa3: {  	[tilespmem:s31], [sflag:$0x2] =	stream.indirect.gather [hbm4b:s1+s29], $0x80, s22, s29, $0xb8;
	[tilespmem:$0x1E800] =	vst v63  }
0xa4: {  	_ =	swait.ge [sflag:s14], $0x2000  }
0xa5: {  	[sflag:s14] =	ssyncset.done $0x0  }
.Ltmp1:
0xa6: {  	s22 =	sadd.s32 $0x300, s21;
	[sflag:s14] =	ssyncadd.s32 $0xFFFFE000;
	(pc) =	sbr.rel @p0 .LBB2_4-.Ltmp1, $4  }
0xa7: {  	[tilespmem:s3], [sflag:$0x3] =	stream.indirect.gather [hbm4b:s1+s29], $0x80, s22, s29, $0xb8;
	[tilespmem:$0x1E800] =	vst v63  }
0xa8: {  	_ =	swait.ge [sflag:s15], $0x2000  }
0xa9: {  	[sflag:s15] =	ssyncset.done $0x0  }
0xaa: {  	s21 =	sadd.s32 $0x380, s21;
	[sflag:s15] =	ssyncadd.s32 $0xFFFFE000  }
0xab: {  	[tilespmem:s7], [sflag:$0x4] =	stream.indirect.gather [hbm4b:s1+s29], $0x80, s21, s29, $0xb8;
	[tilespmem:$0x1E800] =	vst v63  }
0xac: {  	_ =	swait.ge [sflag:s8], $0x2000  }
0xad: {  	[sflag:s8] =	ssyncset.done $0x0  }
0xae: {  	[sflag:s8] =	ssyncadd.s32 $0xFFFFE000  }
0xaf: {  	[spmem:s2] =	stream.indirect.scatter.add.f32 [tilespmem:s25], [sflag:$0x5], $0x80, s16, s29, $0xb8;
	[tilespmem:$0x1E800] =	vst v63  }
0xb0: {  	_ =	swait.ge [sflag:s9], $0x2000  }
0xb1: {  	[sflag:s9] =	ssyncset.done $0x0  }
0xb2: {  	[sflag:s9] =	ssyncadd.s32 $0xFFFFE000  }
0xb3: {  	[spmem:s2] =	stream.indirect.scatter.add.f32 [tilespmem:s31], [sflag:$0x6], $0x80, s17, s29, $0xb8;
	[tilespmem:$0x1E800] =	vst v63  }
0xb4: {  	_ =	swait.ge [sflag:s10], $0x2000  }
0xb5: {  	[sflag:s10] =	ssyncset.done $0x0  }
0xb6: {  	[sflag:s10] =	ssyncadd.s32 $0xFFFFE000  }
0xb7: {  	[spmem:s2] =	stream.indirect.scatter.add.f32 [tilespmem:s3], [sflag:$0x7], $0x80, s18, s29, $0xb8;
	[tilespmem:$0x1E800] =	vst v63  }
0xb8: {  	_ =	swait.ge [sflag:s11], $0x2000  }
0xb9: {  	[sflag:s11] =	ssyncset.done $0x0  }
0xba: {  	[sflag:s11] =	ssyncadd.s32 $0xFFFFE000  }
0xbb: {  	[spmem:s2] =	stream.indirect.scatter.add.f32 [tilespmem:s7], [sflag:$0x8], $0x80, s19, s29, $0xb8;
	[tilespmem:$0x1E800] =	vst v63  }
0xbc: {  	_ =	swait.ge [sflag:s12], $0x2000  }
0xbd: {  	[sflag:s12] =	ssyncset.done $0x0  }
0xbe: {  	[sflag:s12] =	ssyncadd.s32 $0xFFFFE000  }
0xbf: {  	_ =	swait.ge [sflag:s13], $0x2000  }
0xc0: {  	[sflag:s13] =	ssyncset.done $0x0  }
0xc1: {  	[sflag:s13] =	ssyncadd.s32 $0xFFFFE000  }
0xc2: {  	_ =	swait.ge [sflag:s14], $0x2000  }
0xc3: {  	[sflag:s14] =	ssyncset.done $0x0  }
0xc4: {  	[sflag:s14] =	ssyncadd.s32 $0xFFFFE000  }
0xc5: {  	_ =	swait.ge [sflag:s15], $0x2000  }
0xc6: {  	[sflag:s15] =	ssyncset.done $0x0  }
0xc7: {  	s20 =	simm.s32 $0x0;
	s22 =	rddreg [dreg:$0xf];
	[sflag:s15] =	ssyncadd.s32 $0xFFFFE000  }
0xc8: {  	[tilespmem:s20], [sflag:$0x9] =	stream.linear.gather [hbm4b:s22+s20], $0x1400, $0x38;
	[tilespmem:$0x1E800] =	vst v63  }
0xc9: {  	_ =	swait.ge [sflag:s26], $0x1400  }
0xca: {  	[sflag:s26] =	ssyncset.done $0x0  }
0xcb: {  	s22 =	rddreg [dreg:$0x10];
	[sflag:s26] =	ssyncadd.s32 $0xFFFFEC00  }
0xcc: {  	[tilespmem:s28], [sflag:$0x9] =	stream.linear.gather [hbm4b:s22+s20], $0x1400, $0x38;
	[tilespmem:$0x1E800] =	vst v63  }
0xcd: {  	_ =	swait.ge [sflag:s26], $0x1400  }
0xce: {  	[sflag:s26] =	ssyncset.done $0x0  }
0xcf: {  	[sflag:s26] =	ssyncadd.s32 $0xFFFFEC00  }
0xd0: {  	[tilespmem:s25], [sflag:$0x1] =	stream.indirect.gather [hbm4b:s1+s29], $0x80, s20, s29, $0xb8;
	[tilespmem:$0x1E800] =	vst v63  }
0xd1: {  	_ = 	snop  }
0xd2: {  	[tilespmem:s31], [sflag:$0x2] =	stream.indirect.gather [hbm4b:s1+s29], $0x80, s30, s29, $0xb8;
	[tilespmem:$0x1E800] =	vst v63  }
0xd3: {  	_ = 	snop  }
0xd4: {  	[tilespmem:s3], [sflag:$0x3] =	stream.indirect.gather [hbm4b:s1+s29], $0x80, s0, s29, $0xb8;
	[tilespmem:$0x1E800] =	vst v63  }
0xd5: {  	_ = 	snop  }
0xd6: {  	[tilespmem:s7], [sflag:$0x4] =	stream.indirect.gather [hbm4b:s1+s29], $0x80, s6, s29, $0xb8;
	[tilespmem:$0x1E800] =	vst v63  }
0xd7: {  	_ =	swait.ge [sflag:s8], $0x2000  }
0xd8: {  	[sflag:s8] =	ssyncset.done $0x0  }
0xd9: {  	s22 =	simm.s32 $0x1400;
	[sflag:s8] =	ssyncadd.s32 $0xFFFFE000  }
0xda: {  	[spmem:s2] =	stream.indirect.scatter.add.f32 [tilespmem:s25], [sflag:$0x5], $0x80, s22, s29, $0xb8;
	[tilespmem:$0x1E800] =	vst v63  }
0xdb: {  	_ =	swait.ge [sflag:s9], $0x2000  }
0xdc: {  	[sflag:s9] =	ssyncset.done $0x0  }
0xdd: {  	s21 =	simm.s32 $0x1480;
	[sflag:s9] =	ssyncadd.s32 $0xFFFFE000  }
0xde: {  	[spmem:s2] =	stream.indirect.scatter.add.f32 [tilespmem:s31], [sflag:$0x6], $0x80, s21, s29, $0xb8;
	[tilespmem:$0x1E800] =	vst v63  }
0xdf: {  	_ =	swait.ge [sflag:s10], $0x2000  }
0xe0: {  	[sflag:s10] =	ssyncset.done $0x0  }
0xe1: {  	s22 =	simm.s32 $0x1500;
	[sflag:s10] =	ssyncadd.s32 $0xFFFFE000  }
0xe2: {  	[spmem:s2] =	stream.indirect.scatter.add.f32 [tilespmem:s3], [sflag:$0x7], $0x80, s22, s29, $0xb8;
	[tilespmem:$0x1E800] =	vst v63  }
0xe3: {  	_ =	swait.ge [sflag:s11], $0x2000  }
0xe4: {  	[sflag:s11] =	ssyncset.done $0x0  }
0xe5: {  	s21 =	simm.s32 $0x1580;
	[sflag:s11] =	ssyncadd.s32 $0xFFFFE000  }
0xe6: {  	[spmem:s2] =	stream.indirect.scatter.add.f32 [tilespmem:s7], [sflag:$0x8], $0x80, s21, s29, $0xb8;
	[tilespmem:$0x1E800] =	vst v63  }
0xe7: {  	_ =	swait.ge [sflag:s12], $0x2000  }
0xe8: {  	[sflag:s12] =	ssyncset.done $0x0  }
0xe9: {  	s22 =	simm.s32 $0x200;
	[sflag:s12] =	ssyncadd.s32 $0xFFFFE000  }
0xea: {  	[tilespmem:s25], [sflag:$0x1] =	stream.indirect.gather [hbm4b:s1+s29], $0x80, s22, s29, $0xb8;
	[tilespmem:$0x1E800] =	vst v63  }
0xeb: {  	_ =	swait.ge [sflag:s13], $0x2000  }
0xec: {  	[sflag:s13] =	ssyncset.done $0x0  }
0xed: {  	s21 =	simm.s32 $0x280;
	[sflag:s13] =	ssyncadd.s32 $0xFFFFE000  }
0xee: {  	[tilespmem:s31], [sflag:$0x2] =	stream.indirect.gather [hbm4b:s1+s29], $0x80, s21, s29, $0xb8;
	[tilespmem:$0x1E800] =	vst v63  }
0xef: {  	_ =	swait.ge [sflag:s14], $0x2000  }
0xf0: {  	[sflag:s14] =	ssyncset.done $0x0  }
0xf1: {  	s22 =	simm.s32 $0x300;
	[sflag:s14] =	ssyncadd.s32 $0xFFFFE000  }
0xf2: {  	[tilespmem:s3], [sflag:$0x3] =	stream.indirect.gather [hbm4b:s1+s29], $0x80, s22, s29, $0xb8;
	[tilespmem:$0x1E800] =	vst v63  }
0xf3: {  	_ =	swait.ge [sflag:s15], $0x2000  }
0xf4: {  	[sflag:s15] =	ssyncset.done $0x0  }
0xf5: {  	s20 =	simm.s32 $0x800;
	s21 =	simm.s32 $0x380;
	[sflag:s15] =	ssyncadd.s32 $0xFFFFE000  }
.LBB2_6:
0xf6: {  	[tilespmem:s7], [sflag:$0x4] =	stream.indirect.gather [hbm4b:s1+s29], $0x80, s21, s29, $0xb8;
	[tilespmem:$0x1E800] =	vst v63  }
0xf7: {  	s21 =	smov.u32 s20  }
0xf8: {  	p0 =	sne.s32 s20, $0x4000;
	s20 =	sadd.s32 $0x800, s20;
	_ =	swait.ge [sflag:s8], $0x2000  }
0xf9: {  	s21 =	sshra.s32 s21, $0x2;
	[sflag:s8] =	ssyncset.done $0x0  }
0xfa: {  	s22 =	sadd.s32 $0x1400, s21;
	[sflag:s8] =	ssyncadd.s32 $0xFFFFE000  }
0xfb: {  	[spmem:s2] =	stream.indirect.scatter.add.f32 [tilespmem:s25], [sflag:$0x5], $0x80, s22, s29, $0xb8;
	[tilespmem:$0x1E800] =	vst v63  }
0xfc: {  	_ =	swait.ge [sflag:s9], $0x2000  }
0xfd: {  	[sflag:s9] =	ssyncset.done $0x0  }
0xfe: {  	s22 =	sadd.s32 $0x1480, s21;
	[sflag:s9] =	ssyncadd.s32 $0xFFFFE000  }
0xff: {  	[spmem:s2] =	stream.indirect.scatter.add.f32 [tilespmem:s31], [sflag:$0x6], $0x80, s22, s29, $0xb8;
	[tilespmem:$0x1E800] =	vst v63  }
0x100: {  	_ =	swait.ge [sflag:s10], $0x2000  }
0x101: {  	[sflag:s10] =	ssyncset.done $0x0  }
0x102: {  	s22 =	sadd.s32 $0x1500, s21;
	[sflag:s10] =	ssyncadd.s32 $0xFFFFE000  }
0x103: {  	[spmem:s2] =	stream.indirect.scatter.add.f32 [tilespmem:s3], [sflag:$0x7], $0x80, s22, s29, $0xb8;
	[tilespmem:$0x1E800] =	vst v63  }
0x104: {  	_ =	swait.ge [sflag:s11], $0x2000  }
0x105: {  	[sflag:s11] =	ssyncset.done $0x0  }
0x106: {  	s22 =	sadd.s32 $0x1580, s21;
	[sflag:s11] =	ssyncadd.s32 $0xFFFFE000  }
0x107: {  	[spmem:s2] =	stream.indirect.scatter.add.f32 [tilespmem:s7], [sflag:$0x8], $0x80, s22, s29, $0xb8;
	[tilespmem:$0x1E800] =	vst v63  }
0x108: {  	_ =	swait.ge [sflag:s12], $0x2000  }
0x109: {  	[sflag:s12] =	ssyncset.done $0x0  }
0x10a: {  	s22 =	sadd.s32 $0x200, s21;
	[sflag:s12] =	ssyncadd.s32 $0xFFFFE000  }
0x10b: {  	[tilespmem:s25], [sflag:$0x1] =	stream.indirect.gather [hbm4b:s1+s29], $0x80, s22, s29, $0xb8;
	[tilespmem:$0x1E800] =	vst v63  }
0x10c: {  	_ =	swait.ge [sflag:s13], $0x2000  }
0x10d: {  	[sflag:s13] =	ssyncset.done $0x0  }
0x10e: {  	s22 =	sadd.s32 $0x280, s21;
	[sflag:s13] =	ssyncadd.s32 $0xFFFFE000  }
0x10f: {  	[tilespmem:s31], [sflag:$0x2] =	stream.indirect.gather [hbm4b:s1+s29], $0x80, s22, s29, $0xb8;
	[tilespmem:$0x1E800] =	vst v63  }
0x110: {  	_ =	swait.ge [sflag:s14], $0x2000  }
0x111: {  	[sflag:s14] =	ssyncset.done $0x0  }
.Ltmp2:
0x112: {  	s22 =	sadd.s32 $0x300, s21;
	[sflag:s14] =	ssyncadd.s32 $0xFFFFE000;
	(pc) =	sbr.rel @p0 .LBB2_6-.Ltmp2, $4  }
0x113: {  	[tilespmem:s3], [sflag:$0x3] =	stream.indirect.gather [hbm4b:s1+s29], $0x80, s22, s29, $0xb8;
	[tilespmem:$0x1E800] =	vst v63  }
0x114: {  	_ =	swait.ge [sflag:s15], $0x2000  }
0x115: {  	[sflag:s15] =	ssyncset.done $0x0  }
0x116: {  	s21 =	sadd.s32 $0x380, s21;
	[sflag:s15] =	ssyncadd.s32 $0xFFFFE000  }
0x117: {  	[tilespmem:s7], [sflag:$0x4] =	stream.indirect.gather [hbm4b:s1+s29], $0x80, s21, s29, $0xb8;
	[tilespmem:$0x1E800] =	vst v63  }
0x118: {  	_ =	swait.ge [sflag:s8], $0x2000  }
0x119: {  	[sflag:s8] =	ssyncset.done $0x0  }
0x11a: {  	[sflag:s8] =	ssyncadd.s32 $0xFFFFE000  }
0x11b: {  	[spmem:s2] =	stream.indirect.scatter.add.f32 [tilespmem:s25], [sflag:$0x5], $0x80, s16, s29, $0xb8;
	[tilespmem:$0x1E800] =	vst v63  }
0x11c: {  	_ =	swait.ge [sflag:s9], $0x2000  }
0x11d: {  	[sflag:s9] =	ssyncset.done $0x0  }
0x11e: {  	[sflag:s9] =	ssyncadd.s32 $0xFFFFE000  }
0x11f: {  	[spmem:s2] =	stream.indirect.scatter.add.f32 [tilespmem:s31], [sflag:$0x6], $0x80, s17, s29, $0xb8;
	[tilespmem:$0x1E800] =	vst v63  }
0x120: {  	_ =	swait.ge [sflag:s10], $0x2000  }
0x121: {  	[sflag:s10] =	ssyncset.done $0x0  }
0x122: {  	[sflag:s10] =	ssyncadd.s32 $0xFFFFE000  }
0x123: {  	[spmem:s2] =	stream.indirect.scatter.add.f32 [tilespmem:s3], [sflag:$0x7], $0x80, s18, s29, $0xb8;
	[tilespmem:$0x1E800] =	vst v63  }
0x124: {  	_ =	swait.ge [sflag:s11], $0x2000  }
0x125: {  	[sflag:s11] =	ssyncset.done $0x0  }
0x126: {  	[sflag:s11] =	ssyncadd.s32 $0xFFFFE000  }
0x127: {  	[spmem:s2] =	stream.indirect.scatter.add.f32 [tilespmem:s7], [sflag:$0x8], $0x80, s19, s29, $0xb8;
	[tilespmem:$0x1E800] =	vst v63  }
0x128: {  	_ =	swait.ge [sflag:s12], $0x2000  }
0x129: {  	[sflag:s12] =	ssyncset.done $0x0  }
0x12a: {  	[sflag:s12] =	ssyncadd.s32 $0xFFFFE000  }
0x12b: {  	_ =	swait.ge [sflag:s13], $0x2000  }
0x12c: {  	[sflag:s13] =	ssyncset.done $0x0  }
0x12d: {  	[sflag:s13] =	ssyncadd.s32 $0xFFFFE000  }
0x12e: {  	_ =	swait.ge [sflag:s14], $0x2000  }
0x12f: {  	[sflag:s14] =	ssyncset.done $0x0  }
0x130: {  	[sflag:s14] =	ssyncadd.s32 $0xFFFFE000  }
0x131: {  	_ =	swait.ge [sflag:s15], $0x2000  }
0x132: {  	[sflag:s15] =	ssyncset.done $0x0  }
0x133: {  	s20 =	simm.s32 $0x0;
	s22 =	rddreg [dreg:$0x11];
	[sflag:s15] =	ssyncadd.s32 $0xFFFFE000  }
0x134: {  	[tilespmem:s20], [sflag:$0x9] =	stream.linear.gather [hbm4b:s22+s20], $0x1400, $0x38;
	[tilespmem:$0x1E800] =	vst v63  }
0x135: {  	_ =	swait.ge [sflag:s26], $0x1400  }
0x136: {  	[sflag:s26] =	ssyncset.done $0x0  }
0x137: {  	s22 =	rddreg [dreg:$0x12];
	[sflag:s26] =	ssyncadd.s32 $0xFFFFEC00  }
0x138: {  	[tilespmem:s28], [sflag:$0x9] =	stream.linear.gather [hbm4b:s22+s20], $0x1400, $0x38;
	[tilespmem:$0x1E800] =	vst v63  }
0x139: {  	_ =	swait.ge [sflag:s26], $0x1400  }
0x13a: {  	[sflag:s26] =	ssyncset.done $0x0  }
0x13b: {  	[sflag:s26] =	ssyncadd.s32 $0xFFFFEC00  }
0x13c: {  	[tilespmem:s25], [sflag:$0x1] =	stream.indirect.gather [hbm4b:s1+s29], $0x80, s20, s29, $0xb8;
	[tilespmem:$0x1E800] =	vst v63  }
0x13d: {  	_ = 	snop  }
0x13e: {  	[tilespmem:s31], [sflag:$0x2] =	stream.indirect.gather [hbm4b:s1+s29], $0x80, s30, s29, $0xb8;
	[tilespmem:$0x1E800] =	vst v63  }
0x13f: {  	_ = 	snop  }
0x140: {  	[tilespmem:s3], [sflag:$0x3] =	stream.indirect.gather [hbm4b:s1+s29], $0x80, s0, s29, $0xb8;
	[tilespmem:$0x1E800] =	vst v63  }
0x141: {  	_ = 	snop  }
0x142: {  	[tilespmem:s7], [sflag:$0x4] =	stream.indirect.gather [hbm4b:s1+s29], $0x80, s6, s29, $0xb8;
	[tilespmem:$0x1E800] =	vst v63  }
0x143: {  	_ =	swait.ge [sflag:s8], $0x2000  }
0x144: {  	[sflag:s8] =	ssyncset.done $0x0  }
0x145: {  	s22 =	simm.s32 $0x1400;
	[sflag:s8] =	ssyncadd.s32 $0xFFFFE000  }
0x146: {  	[spmem:s2] =	stream.indirect.scatter.add.f32 [tilespmem:s25], [sflag:$0x5], $0x80, s22, s29, $0xb8;
	[tilespmem:$0x1E800] =	vst v63  }
0x147: {  	_ =	swait.ge [sflag:s9], $0x2000  }
0x148: {  	[sflag:s9] =	ssyncset.done $0x0  }
0x149: {  	s21 =	simm.s32 $0x1480;
	[sflag:s9] =	ssyncadd.s32 $0xFFFFE000  }
0x14a: {  	[spmem:s2] =	stream.indirect.scatter.add.f32 [tilespmem:s31], [sflag:$0x6], $0x80, s21, s29, $0xb8;
	[tilespmem:$0x1E800] =	vst v63  }
0x14b: {  	_ =	swait.ge [sflag:s10], $0x2000  }
0x14c: {  	[sflag:s10] =	ssyncset.done $0x0  }
0x14d: {  	s22 =	simm.s32 $0x1500;
	[sflag:s10] =	ssyncadd.s32 $0xFFFFE000  }
0x14e: {  	[spmem:s2] =	stream.indirect.scatter.add.f32 [tilespmem:s3], [sflag:$0x7], $0x80, s22, s29, $0xb8;
	[tilespmem:$0x1E800] =	vst v63  }
0x14f: {  	_ =	swait.ge [sflag:s11], $0x2000  }
0x150: {  	[sflag:s11] =	ssyncset.done $0x0  }
0x151: {  	s21 =	simm.s32 $0x1580;
	[sflag:s11] =	ssyncadd.s32 $0xFFFFE000  }
0x152: {  	[spmem:s2] =	stream.indirect.scatter.add.f32 [tilespmem:s7], [sflag:$0x8], $0x80, s21, s29, $0xb8;
	[tilespmem:$0x1E800] =	vst v63  }
0x153: {  	_ =	swait.ge [sflag:s12], $0x2000  }
0x154: {  	[sflag:s12] =	ssyncset.done $0x0  }
0x155: {  	s22 =	simm.s32 $0x200;
	[sflag:s12] =	ssyncadd.s32 $0xFFFFE000  }
0x156: {  	[tilespmem:s25], [sflag:$0x1] =	stream.indirect.gather [hbm4b:s1+s29], $0x80, s22, s29, $0xb8;
	[tilespmem:$0x1E800] =	vst v63  }
0x157: {  	_ =	swait.ge [sflag:s13], $0x2000  }
0x158: {  	[sflag:s13] =	ssyncset.done $0x0  }
0x159: {  	s21 =	simm.s32 $0x280;
	[sflag:s13] =	ssyncadd.s32 $0xFFFFE000  }
0x15a: {  	[tilespmem:s31], [sflag:$0x2] =	stream.indirect.gather [hbm4b:s1+s29], $0x80, s21, s29, $0xb8;
	[tilespmem:$0x1E800] =	vst v63  }
0x15b: {  	_ =	swait.ge [sflag:s14], $0x2000  }
0x15c: {  	[sflag:s14] =	ssyncset.done $0x0  }
0x15d: {  	s22 =	simm.s32 $0x300;
	[sflag:s14] =	ssyncadd.s32 $0xFFFFE000  }
0x15e: {  	[tilespmem:s3], [sflag:$0x3] =	stream.indirect.gather [hbm4b:s1+s29], $0x80, s22, s29, $0xb8;
	[tilespmem:$0x1E800] =	vst v63  }
0x15f: {  	_ =	swait.ge [sflag:s15], $0x2000  }
0x160: {  	[sflag:s15] =	ssyncset.done $0x0  }
0x161: {  	s20 =	simm.s32 $0x800;
	s21 =	simm.s32 $0x380;
	[sflag:s15] =	ssyncadd.s32 $0xFFFFE000  }
.LBB2_8:
0x162: {  	[tilespmem:s7], [sflag:$0x4] =	stream.indirect.gather [hbm4b:s1+s29], $0x80, s21, s29, $0xb8;
	[tilespmem:$0x1E800] =	vst v63  }
0x163: {  	s21 =	smov.u32 s20  }
0x164: {  	p0 =	sne.s32 s20, $0x4000;
	s20 =	sadd.s32 $0x800, s20;
	_ =	swait.ge [sflag:s8], $0x2000  }
0x165: {  	s21 =	sshra.s32 s21, $0x2;
	[sflag:s8] =	ssyncset.done $0x0  }
0x166: {  	s22 =	sadd.s32 $0x1400, s21;
	[sflag:s8] =	ssyncadd.s32 $0xFFFFE000  }
0x167: {  	[spmem:s2] =	stream.indirect.scatter.add.f32 [tilespmem:s25], [sflag:$0x5], $0x80, s22, s29, $0xb8;
	[tilespmem:$0x1E800] =	vst v63  }
0x168: {  	_ =	swait.ge [sflag:s9], $0x2000  }
0x169: {  	[sflag:s9] =	ssyncset.done $0x0  }
0x16a: {  	s22 =	sadd.s32 $0x1480, s21;
	[sflag:s9] =	ssyncadd.s32 $0xFFFFE000  }
0x16b: {  	[spmem:s2] =	stream.indirect.scatter.add.f32 [tilespmem:s31], [sflag:$0x6], $0x80, s22, s29, $0xb8;
	[tilespmem:$0x1E800] =	vst v63  }
0x16c: {  	_ =	swait.ge [sflag:s10], $0x2000  }
0x16d: {  	[sflag:s10] =	ssyncset.done $0x0  }
0x16e: {  	s22 =	sadd.s32 $0x1500, s21;
	[sflag:s10] =	ssyncadd.s32 $0xFFFFE000  }
0x16f: {  	[spmem:s2] =	stream.indirect.scatter.add.f32 [tilespmem:s3], [sflag:$0x7], $0x80, s22, s29, $0xb8;
	[tilespmem:$0x1E800] =	vst v63  }
0x170: {  	_ =	swait.ge [sflag:s11], $0x2000  }
0x171: {  	[sflag:s11] =	ssyncset.done $0x0  }
0x172: {  	s22 =	sadd.s32 $0x1580, s21;
	[sflag:s11] =	ssyncadd.s32 $0xFFFFE000  }
0x173: {  	[spmem:s2] =	stream.indirect.scatter.add.f32 [tilespmem:s7], [sflag:$0x8], $0x80, s22, s29, $0xb8;
	[tilespmem:$0x1E800] =	vst v63  }
0x174: {  	_ =	swait.ge [sflag:s12], $0x2000  }
0x175: {  	[sflag:s12] =	ssyncset.done $0x0  }
0x176: {  	s22 =	sadd.s32 $0x200, s21;
	[sflag:s12] =	ssyncadd.s32 $0xFFFFE000  }
0x177: {  	[tilespmem:s25], [sflag:$0x1] =	stream.indirect.gather [hbm4b:s1+s29], $0x80, s22, s29, $0xb8;
	[tilespmem:$0x1E800] =	vst v63  }
0x178: {  	_ =	swait.ge [sflag:s13], $0x2000  }
0x179: {  	[sflag:s13] =	ssyncset.done $0x0  }
0x17a: {  	s22 =	sadd.s32 $0x280, s21;
	[sflag:s13] =	ssyncadd.s32 $0xFFFFE000  }
0x17b: {  	[tilespmem:s31], [sflag:$0x2] =	stream.indirect.gather [hbm4b:s1+s29], $0x80, s22, s29, $0xb8;
	[tilespmem:$0x1E800] =	vst v63  }
0x17c: {  	_ =	swait.ge [sflag:s14], $0x2000  }
0x17d: {  	[sflag:s14] =	ssyncset.done $0x0  }
.Ltmp3:
0x17e: {  	s22 =	sadd.s32 $0x300, s21;
	[sflag:s14] =	ssyncadd.s32 $0xFFFFE000;
	(pc) =	sbr.rel @p0 .LBB2_8-.Ltmp3, $4  }
0x17f: {  	[tilespmem:s3], [sflag:$0x3] =	stream.indirect.gather [hbm4b:s1+s29], $0x80, s22, s29, $0xb8;
	[tilespmem:$0x1E800] =	vst v63  }
0x180: {  	_ =	swait.ge [sflag:s15], $0x2000  }
0x181: {  	[sflag:s15] =	ssyncset.done $0x0  }
0x182: {  	s21 =	sadd.s32 $0x380, s21;
	[sflag:s15] =	ssyncadd.s32 $0xFFFFE000  }
0x183: {  	[tilespmem:s7], [sflag:$0x4] =	stream.indirect.gather [hbm4b:s1+s29], $0x80, s21, s29, $0xb8;
	[tilespmem:$0x1E800] =	vst v63  }
0x184: {  	_ =	swait.ge [sflag:s8], $0x2000  }
0x185: {  	[sflag:s8] =	ssyncset.done $0x0  }
0x186: {  	[sflag:s8] =	ssyncadd.s32 $0xFFFFE000  }
0x187: {  	[spmem:s2] =	stream.indirect.scatter.add.f32 [tilespmem:s25], [sflag:$0x5], $0x80, s16, s29, $0xb8;
	[tilespmem:$0x1E800] =	vst v63  }
0x188: {  	_ =	swait.ge [sflag:s9], $0x2000  }
0x189: {  	[sflag:s9] =	ssyncset.done $0x0  }
0x18a: {  	[sflag:s9] =	ssyncadd.s32 $0xFFFFE000  }
0x18b: {  	[spmem:s2] =	stream.indirect.scatter.add.f32 [tilespmem:s31], [sflag:$0x6], $0x80, s17, s29, $0xb8;
	[tilespmem:$0x1E800] =	vst v63  }
0x18c: {  	_ =	swait.ge [sflag:s10], $0x2000  }
0x18d: {  	[sflag:s10] =	ssyncset.done $0x0  }
0x18e: {  	[sflag:s10] =	ssyncadd.s32 $0xFFFFE000  }
0x18f: {  	[spmem:s2] =	stream.indirect.scatter.add.f32 [tilespmem:s3], [sflag:$0x7], $0x80, s18, s29, $0xb8;
	[tilespmem:$0x1E800] =	vst v63  }
0x190: {  	_ =	swait.ge [sflag:s11], $0x2000  }
0x191: {  	[sflag:s11] =	ssyncset.done $0x0  }
0x192: {  	[sflag:s11] =	ssyncadd.s32 $0xFFFFE000  }
0x193: {  	[spmem:s2] =	stream.indirect.scatter.add.f32 [tilespmem:s7], [sflag:$0x8], $0x80, s19, s29, $0xb8;
	[tilespmem:$0x1E800] =	vst v63  }
0x194: {  	_ =	swait.ge [sflag:s12], $0x2000  }
0x195: {  	[sflag:s12] =	ssyncset.done $0x0  }
0x196: {  	[sflag:s12] =	ssyncadd.s32 $0xFFFFE000  }
0x197: {  	_ =	swait.ge [sflag:s13], $0x2000  }
0x198: {  	[sflag:s13] =	ssyncset.done $0x0  }
0x199: {  	[sflag:s13] =	ssyncadd.s32 $0xFFFFE000  }
0x19a: {  	_ =	swait.ge [sflag:s14], $0x2000  }
0x19b: {  	[sflag:s14] =	ssyncset.done $0x0  }
0x19c: {  	[sflag:s14] =	ssyncadd.s32 $0xFFFFE000  }
0x19d: {  	_ =	swait.ge [sflag:s15], $0x2000  }
0x19e: {  	[sflag:s15] =	ssyncset.done $0x0  }
0x19f: {  	s20 =	simm.s32 $0x0;
	s22 =	rddreg [dreg:$0x13];
	[sflag:s15] =	ssyncadd.s32 $0xFFFFE000  }
0x1a0: {  	[tilespmem:s20], [sflag:$0x9] =	stream.linear.gather [hbm4b:s22+s20], $0x1400, $0x38;
	[tilespmem:$0x1E800] =	vst v63  }
0x1a1: {  	_ =	swait.ge [sflag:s26], $0x1400  }
0x1a2: {  	[sflag:s26] =	ssyncset.done $0x0  }
0x1a3: {  	s22 =	rddreg [dreg:$0x14];
	[sflag:s26] =	ssyncadd.s32 $0xFFFFEC00  }
0x1a4: {  	[tilespmem:s28], [sflag:$0x9] =	stream.linear.gather [hbm4b:s22+s20], $0x1400, $0x38;
	[tilespmem:$0x1E800] =	vst v63  }
0x1a5: {  	_ =	swait.ge [sflag:s26], $0x1400  }
0x1a6: {  	[sflag:s26] =	ssyncset.done $0x0  }
0x1a7: {  	[sflag:s26] =	ssyncadd.s32 $0xFFFFEC00  }
0x1a8: {  	[tilespmem:s25], [sflag:$0x1] =	stream.indirect.gather [hbm4b:s1+s29], $0x80, s20, s29, $0xb8;
	[tilespmem:$0x1E800] =	vst v63  }
0x1a9: {  	_ = 	snop  }
0x1aa: {  	[tilespmem:s31], [sflag:$0x2] =	stream.indirect.gather [hbm4b:s1+s29], $0x80, s30, s29, $0xb8;
	[tilespmem:$0x1E800] =	vst v63  }
0x1ab: {  	_ = 	snop  }
0x1ac: {  	[tilespmem:s3], [sflag:$0x3] =	stream.indirect.gather [hbm4b:s1+s29], $0x80, s0, s29, $0xb8;
	[tilespmem:$0x1E800] =	vst v63  }
0x1ad: {  	_ = 	snop  }
0x1ae: {  	[tilespmem:s7], [sflag:$0x4] =	stream.indirect.gather [hbm4b:s1+s29], $0x80, s6, s29, $0xb8;
	[tilespmem:$0x1E800] =	vst v63  }
0x1af: {  	_ =	swait.ge [sflag:s8], $0x2000  }
0x1b0: {  	[sflag:s8] =	ssyncset.done $0x0  }
0x1b1: {  	s22 =	simm.s32 $0x1400;
	[sflag:s8] =	ssyncadd.s32 $0xFFFFE000  }
0x1b2: {  	[spmem:s2] =	stream.indirect.scatter.add.f32 [tilespmem:s25], [sflag:$0x5], $0x80, s22, s29, $0xb8;
	[tilespmem:$0x1E800] =	vst v63  }
0x1b3: {  	_ =	swait.ge [sflag:s9], $0x2000  }
0x1b4: {  	[sflag:s9] =	ssyncset.done $0x0  }
0x1b5: {  	s21 =	simm.s32 $0x1480;
	[sflag:s9] =	ssyncadd.s32 $0xFFFFE000  }
0x1b6: {  	[spmem:s2] =	stream.indirect.scatter.add.f32 [tilespmem:s31], [sflag:$0x6], $0x80, s21, s29, $0xb8;
	[tilespmem:$0x1E800] =	vst v63  }
0x1b7: {  	_ =	swait.ge [sflag:s10], $0x2000  }
0x1b8: {  	[sflag:s10] =	ssyncset.done $0x0  }
0x1b9: {  	s22 =	simm.s32 $0x1500;
	[sflag:s10] =	ssyncadd.s32 $0xFFFFE000  }
0x1ba: {  	[spmem:s2] =	stream.indirect.scatter.add.f32 [tilespmem:s3], [sflag:$0x7], $0x80, s22, s29, $0xb8;
	[tilespmem:$0x1E800] =	vst v63  }
0x1bb: {  	_ =	swait.ge [sflag:s11], $0x2000  }
0x1bc: {  	[sflag:s11] =	ssyncset.done $0x0  }
0x1bd: {  	s21 =	simm.s32 $0x1580;
	[sflag:s11] =	ssyncadd.s32 $0xFFFFE000  }
0x1be: {  	[spmem:s2] =	stream.indirect.scatter.add.f32 [tilespmem:s7], [sflag:$0x8], $0x80, s21, s29, $0xb8;
	[tilespmem:$0x1E800] =	vst v63  }
0x1bf: {  	_ =	swait.ge [sflag:s12], $0x2000  }
0x1c0: {  	[sflag:s12] =	ssyncset.done $0x0  }
0x1c1: {  	s22 =	simm.s32 $0x200;
	[sflag:s12] =	ssyncadd.s32 $0xFFFFE000  }
0x1c2: {  	[tilespmem:s25], [sflag:$0x1] =	stream.indirect.gather [hbm4b:s1+s29], $0x80, s22, s29, $0xb8;
	[tilespmem:$0x1E800] =	vst v63  }
0x1c3: {  	_ =	swait.ge [sflag:s13], $0x2000  }
0x1c4: {  	[sflag:s13] =	ssyncset.done $0x0  }
0x1c5: {  	s21 =	simm.s32 $0x280;
	[sflag:s13] =	ssyncadd.s32 $0xFFFFE000  }
0x1c6: {  	[tilespmem:s31], [sflag:$0x2] =	stream.indirect.gather [hbm4b:s1+s29], $0x80, s21, s29, $0xb8;
	[tilespmem:$0x1E800] =	vst v63  }
0x1c7: {  	_ =	swait.ge [sflag:s14], $0x2000  }
0x1c8: {  	[sflag:s14] =	ssyncset.done $0x0  }
0x1c9: {  	s22 =	simm.s32 $0x300;
	[sflag:s14] =	ssyncadd.s32 $0xFFFFE000  }
0x1ca: {  	[tilespmem:s3], [sflag:$0x3] =	stream.indirect.gather [hbm4b:s1+s29], $0x80, s22, s29, $0xb8;
	[tilespmem:$0x1E800] =	vst v63  }
0x1cb: {  	_ =	swait.ge [sflag:s15], $0x2000  }
0x1cc: {  	[sflag:s15] =	ssyncset.done $0x0  }
0x1cd: {  	s20 =	simm.s32 $0x800;
	s21 =	simm.s32 $0x380;
	[sflag:s15] =	ssyncadd.s32 $0xFFFFE000  }
.LBB2_10:
0x1ce: {  	[tilespmem:s7], [sflag:$0x4] =	stream.indirect.gather [hbm4b:s1+s29], $0x80, s21, s29, $0xb8;
	[tilespmem:$0x1E800] =	vst v63  }
0x1cf: {  	s21 =	smov.u32 s20  }
0x1d0: {  	p0 =	sne.s32 s20, $0x4000;
	s20 =	sadd.s32 $0x800, s20;
	_ =	swait.ge [sflag:s8], $0x2000  }
0x1d1: {  	s21 =	sshra.s32 s21, $0x2;
	[sflag:s8] =	ssyncset.done $0x0  }
0x1d2: {  	s22 =	sadd.s32 $0x1400, s21;
	[sflag:s8] =	ssyncadd.s32 $0xFFFFE000  }
0x1d3: {  	[spmem:s2] =	stream.indirect.scatter.add.f32 [tilespmem:s25], [sflag:$0x5], $0x80, s22, s29, $0xb8;
	[tilespmem:$0x1E800] =	vst v63  }
0x1d4: {  	_ =	swait.ge [sflag:s9], $0x2000  }
0x1d5: {  	[sflag:s9] =	ssyncset.done $0x0  }
0x1d6: {  	s22 =	sadd.s32 $0x1480, s21;
	[sflag:s9] =	ssyncadd.s32 $0xFFFFE000  }
0x1d7: {  	[spmem:s2] =	stream.indirect.scatter.add.f32 [tilespmem:s31], [sflag:$0x6], $0x80, s22, s29, $0xb8;
	[tilespmem:$0x1E800] =	vst v63  }
0x1d8: {  	_ =	swait.ge [sflag:s10], $0x2000  }
0x1d9: {  	[sflag:s10] =	ssyncset.done $0x0  }
0x1da: {  	s22 =	sadd.s32 $0x1500, s21;
	[sflag:s10] =	ssyncadd.s32 $0xFFFFE000  }
0x1db: {  	[spmem:s2] =	stream.indirect.scatter.add.f32 [tilespmem:s3], [sflag:$0x7], $0x80, s22, s29, $0xb8;
	[tilespmem:$0x1E800] =	vst v63  }
0x1dc: {  	_ =	swait.ge [sflag:s11], $0x2000  }
0x1dd: {  	[sflag:s11] =	ssyncset.done $0x0  }
0x1de: {  	s22 =	sadd.s32 $0x1580, s21;
	[sflag:s11] =	ssyncadd.s32 $0xFFFFE000  }
0x1df: {  	[spmem:s2] =	stream.indirect.scatter.add.f32 [tilespmem:s7], [sflag:$0x8], $0x80, s22, s29, $0xb8;
	[tilespmem:$0x1E800] =	vst v63  }
0x1e0: {  	_ =	swait.ge [sflag:s12], $0x2000  }
0x1e1: {  	[sflag:s12] =	ssyncset.done $0x0  }
0x1e2: {  	s22 =	sadd.s32 $0x200, s21;
	[sflag:s12] =	ssyncadd.s32 $0xFFFFE000  }
0x1e3: {  	[tilespmem:s25], [sflag:$0x1] =	stream.indirect.gather [hbm4b:s1+s29], $0x80, s22, s29, $0xb8;
	[tilespmem:$0x1E800] =	vst v63  }
0x1e4: {  	_ =	swait.ge [sflag:s13], $0x2000  }
0x1e5: {  	[sflag:s13] =	ssyncset.done $0x0  }
0x1e6: {  	s22 =	sadd.s32 $0x280, s21;
	[sflag:s13] =	ssyncadd.s32 $0xFFFFE000  }
0x1e7: {  	[tilespmem:s31], [sflag:$0x2] =	stream.indirect.gather [hbm4b:s1+s29], $0x80, s22, s29, $0xb8;
	[tilespmem:$0x1E800] =	vst v63  }
0x1e8: {  	_ =	swait.ge [sflag:s14], $0x2000  }
0x1e9: {  	[sflag:s14] =	ssyncset.done $0x0  }
.Ltmp4:
0x1ea: {  	s22 =	sadd.s32 $0x300, s21;
	[sflag:s14] =	ssyncadd.s32 $0xFFFFE000;
	(pc) =	sbr.rel @p0 .LBB2_10-.Ltmp4, $4  }
0x1eb: {  	[tilespmem:s3], [sflag:$0x3] =	stream.indirect.gather [hbm4b:s1+s29], $0x80, s22, s29, $0xb8;
	[tilespmem:$0x1E800] =	vst v63  }
0x1ec: {  	_ =	swait.ge [sflag:s15], $0x2000  }
0x1ed: {  	[sflag:s15] =	ssyncset.done $0x0  }
0x1ee: {  	s21 =	sadd.s32 $0x380, s21;
	[sflag:s15] =	ssyncadd.s32 $0xFFFFE000  }
0x1ef: {  	[tilespmem:s7], [sflag:$0x4] =	stream.indirect.gather [hbm4b:s1+s29], $0x80, s21, s29, $0xb8;
	[tilespmem:$0x1E800] =	vst v63  }
0x1f0: {  	_ =	swait.ge [sflag:s8], $0x2000  }
0x1f1: {  	[sflag:s8] =	ssyncset.done $0x0  }
0x1f2: {  	[sflag:s8] =	ssyncadd.s32 $0xFFFFE000  }
0x1f3: {  	[spmem:s2] =	stream.indirect.scatter.add.f32 [tilespmem:s25], [sflag:$0x5], $0x80, s16, s29, $0xb8;
	[tilespmem:$0x1E800] =	vst v63  }
0x1f4: {  	_ =	swait.ge [sflag:s9], $0x2000  }
0x1f5: {  	[sflag:s9] =	ssyncset.done $0x0  }
0x1f6: {  	[sflag:s9] =	ssyncadd.s32 $0xFFFFE000  }
0x1f7: {  	[spmem:s2] =	stream.indirect.scatter.add.f32 [tilespmem:s31], [sflag:$0x6], $0x80, s17, s29, $0xb8;
	[tilespmem:$0x1E800] =	vst v63  }
0x1f8: {  	_ =	swait.ge [sflag:s10], $0x2000  }
0x1f9: {  	[sflag:s10] =	ssyncset.done $0x0  }
0x1fa: {  	[sflag:s10] =	ssyncadd.s32 $0xFFFFE000  }
0x1fb: {  	[spmem:s2] =	stream.indirect.scatter.add.f32 [tilespmem:s3], [sflag:$0x7], $0x80, s18, s29, $0xb8;
	[tilespmem:$0x1E800] =	vst v63  }
0x1fc: {  	_ =	swait.ge [sflag:s11], $0x2000  }
0x1fd: {  	[sflag:s11] =	ssyncset.done $0x0  }
0x1fe: {  	[sflag:s11] =	ssyncadd.s32 $0xFFFFE000  }
0x1ff: {  	[spmem:s2] =	stream.indirect.scatter.add.f32 [tilespmem:s7], [sflag:$0x8], $0x80, s19, s29, $0xb8;
	[tilespmem:$0x1E800] =	vst v63  }
0x200: {  	_ =	swait.ge [sflag:s12], $0x2000  }
0x201: {  	[sflag:s12] =	ssyncset.done $0x0  }
0x202: {  	[sflag:s12] =	ssyncadd.s32 $0xFFFFE000  }
0x203: {  	_ =	swait.ge [sflag:s13], $0x2000  }
0x204: {  	[sflag:s13] =	ssyncset.done $0x0  }
0x205: {  	[sflag:s13] =	ssyncadd.s32 $0xFFFFE000  }
0x206: {  	_ =	swait.ge [sflag:s14], $0x2000  }
0x207: {  	[sflag:s14] =	ssyncset.done $0x0  }
0x208: {  	[sflag:s14] =	ssyncadd.s32 $0xFFFFE000  }
0x209: {  	s20 =	stileid.u32;
	_ =	swait.ge [sflag:s15], $0x2000  }
0x20a: {  	s22 =	sshrl.u32 s5, $0x3;
	s4 =	sadd.s32 $0x1, s4;
	[sflag:s15] =	ssyncset.done $0x0  }
0x20b: {  	s20 =	sshll.u32 s20, $0x6;
	p0 =	sne.s32 s4, s24;
	[sflag:s15] =	ssyncadd.s32 $0xFFFFE000  }
.Ltmp5:
0x20c: {  	s20 =	sor.u32 $0x1C09, s20;
	[bflag:$0x0] =	sbarrier.arrive $0xFFFF;
	(pc) =	sbr.rel @p0 .LBB2_1-.Ltmp5, $4  }
0x20d: {  	[hbm:s23], [sflag:s20] =	dma.local [spmem:s22], $0x2800  }
0x20e: {  	_ =	swait.ge [sflag:s26], $0x2800  }
0x20f: {  	[sflag:s26] =	ssyncset.done $0x0  }
0x210: {  	[sflag:s26] =	ssyncadd.s32 $0xFFFFD800  }
0x211: {  	_ =	sfence.sel $0x180000  }
0x212: {  	[bflag:$0x0] =	sbarrier.arrive $0xFFFF  }
0x213: {  	_ =	strace $0x90000047  }
0x214: {  	s0 =	stileid.u32;
	[bflag:$0x2] =	sbarrier.arrive $0xFFFF  }
0x215: {  	p0 =	sne.s32 s0, $0x0;
	s0 =	rddreg [dreg:$0x3]  }
0x216: {  	s0 =	sadd.s32 @!p0 $0x100000, s0  }
0x217: {  	[sflag:s0] =	ssyncadd.tile.s32 @!p0 $0x1;
	_ =	shalt  }
.Lfunc_end2:
_tile_overlayer_lowered:
.L_overlay_start_2:
0x218: {  	(tag) =	ssettag $0x2  }
0x219: {  	s0 =	rddreg [dreg:$0x0];
	s2 =	stileid.u32  }
0x21a: {  	s1 =	rddreg [dreg:$0x1];
	p0 =	sne.s32 s2, $0x0  }
0x21b: {  	s3 =	rddreg [dreg:$0x2];
	[bflag:$0x3] =	sbarrier.arrive $0xFFFF;
	s2 =	simm.s32 @!p0 $0x1C09  }
0x21c: {  	[timem:s3], [sflag:s2] =	dma.local @!p0 [hbm:s0], s1  }
0x21d: {  	s0 =	simm.s32 @!p0 $0x9  }
0x21e: {  	_ =	swait.ge @!p0 [sflag:s0], s1  }
0x21f: {  	s1 =	ssub.s32 @!p0 $0x0, s1;
	[sflag:s0] =	ssyncset.done @!p0 $0x0  }
0x220: {  	[sflag:s0] =	ssyncadd.s32 @!p0 s1  }
0x221: {  	[bflag:$0x3] =	sbarrier.arrive $0xFFFF  }
0x222: {  	_ =	shalt  }

</sc_bundles>
